<compile_context>
chip_gen: v7x
topology: tpu7x:2x2x1
jax: 0.10.2.dev20260603
libtpu: 0.0.44.dev20260713+nightly
codegen_flags: <defaults>
</compile_context>

<pallas_src>
import functools

import jax
import jax.numpy as jnp
from jax import lax
from jax.experimental import pallas as pl
from jax.experimental.pallas import tpu as pltpu
from jax.experimental.pallas import tpu_sc as plsc

NC = 2
NS = 16
L = 16
NW = NC * NS
B = 16384
E = 128
NUSERS = 100100
BPW = B // NW
CH = 64
NCHUNK = BPW // CH
NBUF = 3
IDX_ROWS = B // 128
NSL = E // L
IPW = BPW // 128


def _sc_body(uidx, midx, uemb, memb, bias_cat,
             parts_out, bsum_out,
             idx_u, idx_m, u0, m0, u1, m1, u2, m2, bu_all, bm_all, acc_v,
             sem_u0, sem_m0, sem_u1, sem_m1, sem_u2, sem_m2, sem_b):
    wid = lax.axis_index("s") * NC + lax.axis_index("c")
    rbase = wid * IPW
    pltpu.sync_copy(uidx.at[pl.ds(rbase, IPW)], idx_u)
    pltpu.sync_copy(midx.at[pl.ds(rbase, IPW)], idx_m)

    ubufs = (u0, u1, u2)
    mbufs = (m0, m1, m2)
    usems = (sem_u0, sem_u1, sem_u2)
    msems = (sem_m0, sem_m1, sem_m2)

    def uslice(j):
        return idx_u.at[j // 2, pl.ds((j % 2) * CH, CH)]

    def mslice(j):
        return idx_m.at[j // 2, pl.ds((j % 2) * CH, CH)]

    def fire(j):
        p = j % NBUF
        return (
            pltpu.async_copy(uemb.at[uslice(j)], ubufs[p], usems[p]),
            pltpu.async_copy(memb.at[mslice(j)], mbufs[p], msems[p]),
        )

    pending = {0: fire(0), 1: fire(1)}

    bias_copies = []
    accs = [jnp.zeros((L,), jnp.float32) for _ in range(NSL)]
    for j in range(NCHUNK):
        p = j % NBUF
        if j + 2 < NCHUNK:
            pending[j + 2] = fire(j + 2)
        cu, cm = pending.pop(j)
        cu.wait()
        cm.wait()
        if j == NCHUNK - 2:
            for jj in range(IPW):
                bias_copies.append(
                    pltpu.async_copy(
                        bias_cat.at[idx_u.at[jj]], bu_all.at[jj], sem_b))
        if j == NCHUNK - 1:
            for jj in range(IPW):
                for t in range(128 // L):
                    sl = pl.ds(t * L, L)
                    idx_m[jj, sl] = idx_m[jj, sl] + NUSERS
            for jj in range(IPW):
                bias_copies.append(
                    pltpu.async_copy(
                        bias_cat.at[idx_m.at[jj]], bm_all.at[jj], sem_b))
        ub, mb = ubufs[p], mbufs[p]

        def body(r, a):
            return tuple(
                a[k] + ub[r, pl.ds(k * L, L)] * mb[r, pl.ds(k * L, L)]
                for k in range(NSL))

        accs = list(lax.fori_loop(0, CH, body, tuple(accs)))

    acc = accs[0]
    for k in range(1, NSL):
        acc = acc + accs[k]
    acc_v[...] = acc
    pltpu.sync_copy(acc_v, parts_out.at[wid])

    for c in bias_copies:
        c.wait()
    for jj in range(IPW):
        for t in range(128 // L):
            sl = pl.ds(t * L, L)
            bu_all[jj, sl] = bu_all[jj, sl] + bm_all[jj, sl]
    pltpu.sync_copy(bu_all, bsum_out.at[pl.ds(rbase, IPW)])


_sc_gather_dot = functools.partial(
    pl.kernel,
    out_type=(
        jax.ShapeDtypeStruct((NW, L), jnp.float32),
        jax.ShapeDtypeStruct((IDX_ROWS, 128), jnp.float32),
    ),
    mesh=plsc.VectorSubcoreMesh(core_axis_name="c", subcore_axis_name="s"),
    scratch_types=[
        pltpu.VMEM((IPW, 128), jnp.int32),
        pltpu.VMEM((IPW, 128), jnp.int32),
        pltpu.VMEM((CH, E), jnp.float32),
        pltpu.VMEM((CH, E), jnp.float32),
        pltpu.VMEM((CH, E), jnp.float32),
        pltpu.VMEM((CH, E), jnp.float32),
        pltpu.VMEM((CH, E), jnp.float32),
        pltpu.VMEM((CH, E), jnp.float32),
        pltpu.VMEM((IPW, 128), jnp.float32),
        pltpu.VMEM((IPW, 128), jnp.float32),
        pltpu.VMEM((L,), jnp.float32),
        pltpu.SemaphoreType.DMA,
        pltpu.SemaphoreType.DMA,
        pltpu.SemaphoreType.DMA,
        pltpu.SemaphoreType.DMA,
        pltpu.SemaphoreType.DMA,
        pltpu.SemaphoreType.DMA,
        pltpu.SemaphoreType.DMA,
    ],
)(_sc_body)


def _combine_body(parts_ref, bsum_ref, o_ref):
    s = jnp.sum(parts_ref[...])
    o_ref[...] = jax.nn.sigmoid(bsum_ref[...] + s)


def kernel(inputs, user_emb, user_bias_tbl, movie_emb, movie_bias_tbl):
    idx = inputs.astype(jnp.int32)
    uidx = idx[:, 0].reshape(IDX_ROWS, 128)
    midx = idx[:, 1].reshape(IDX_ROWS, 128)
    bias_cat = jnp.concatenate([user_bias_tbl[:, 0], movie_bias_tbl[:, 0]])
    parts, bsum = _sc_gather_dot(uidx, midx, user_emb, movie_emb, bias_cat)
    out = pl.pallas_call(
        _combine_body,
        out_shape=jax.ShapeDtypeStruct((IDX_ROWS, 128), jnp.float32),
    )(parts, bsum)
    return out.reshape(B, 1)

# --- scband reference (transcript-rebuilt; emitter-appended) ---
"""Pipeline reference for scband-recommender-net-11982958756303 (READ-ONLY COPY).

The authoritative reference and input builder live on the scoring server;
editing this copy changes nothing except your own understanding.
"""

import jax, jax.numpy as jnp
import numpy as np

NUM_USERS = 100000 + 100  # constructor adds 100
NUM_MOVIES = 100000
EMBED = 128
BATCH = 16384

def setup_inputs(seed: int = 0) -> dict:
    key = jax.random.key(seed)
    k1, k2, k3, k4, k5 = jax.random.split(key, 5)
    inputs = jax.random.randint(k1, (BATCH, 2), 0, 100000, dtype=jnp.int64)
    # he_normal-ish initializers for embedding tables
    user_emb = jax.random.normal(k2, (NUM_USERS, EMBED), dtype=jnp.float32) * jnp.sqrt(2.0 / NUM_USERS)
    user_bias = jnp.zeros((NUM_USERS, 1), dtype=jnp.float32) + jax.random.uniform(k3, (NUM_USERS, 1), minval=-0.05, maxval=0.05)
    movie_emb = jax.random.normal(k4, (NUM_MOVIES, EMBED), dtype=jnp.float32) * jnp.sqrt(2.0 / NUM_MOVIES)
    movie_bias = jnp.zeros((NUM_MOVIES, 1), dtype=jnp.float32) + jax.random.uniform(k5, (NUM_MOVIES, 1), minval=-0.05, maxval=0.05)
    return {"inputs": inputs, "user_emb": user_emb, "user_bias_tbl": user_bias, "movie_emb": movie_emb, "movie_bias_tbl": movie_bias}

def reference(inputs, user_emb, user_bias_tbl, movie_emb, movie_bias_tbl):
    user_vector = jnp.take(user_emb, inputs[:, 0], axis=0)        # [B, E]
    user_bias = jnp.take(user_bias_tbl, inputs[:, 0], axis=0)     # [B, 1]
    movie_vector = jnp.take(movie_emb, inputs[:, 1], axis=0)      # [B, E]
    movie_bias = jnp.take(movie_bias_tbl, inputs[:, 1], axis=0)   # [B, 1]
    # faithful to tf.tensordot(user_vector, movie_vector, 2): full contraction -> scalar
    dot_user_movie = jnp.tensordot(user_vector, movie_vector, axes=2)
    x = dot_user_movie + user_bias + movie_bias                   # scalar broadcast -> [B, 1]
    return jax.nn.sigmoid(x)

if __name__ == "__main__":
    import jax
    _d = setup_inputs()
    print(jax.jit(kernel)(*tuple(_d.values())))

</pallas_src>

<mosaic_0001>
#map = affine_map<(d0, d1) -> (0, 0)>
#map1 = affine_map<(d0, d1) -> (0)>
module attributes {stable_mosaic.version = 14 : i64} {
  func.func @_sc_body(%arg0: i32, %arg1: i32, %arg2: memref<128x128xi32, #tpu.memory_space<hbm>>, %arg3: memref<128x128xi32, #tpu.memory_space<hbm>>, %arg4: memref<100100x128xf32, #tpu.memory_space<hbm>>, %arg5: memref<100000x128xf32, #tpu.memory_space<hbm>>, %arg6: memref<200100xf32, #tpu.memory_space<hbm>>, %arg7: memref<32x16xf32, #tpu.memory_space<hbm>>, %arg8: memref<128x128xf32, #tpu.memory_space<hbm>>, %arg9: memref<4x128xi32, #tpu.memory_space<vmem>>, %arg10: memref<4x128xi32, #tpu.memory_space<vmem>>, %arg11: memref<64x128xf32, #tpu.memory_space<vmem>>, %arg12: memref<64x128xf32, #tpu.memory_space<vmem>>, %arg13: memref<64x128xf32, #tpu.memory_space<vmem>>, %arg14: memref<64x128xf32, #tpu.memory_space<vmem>>, %arg15: memref<64x128xf32, #tpu.memory_space<vmem>>, %arg16: memref<64x128xf32, #tpu.memory_space<vmem>>, %arg17: memref<4x128xf32, #tpu.memory_space<vmem>>, %arg18: memref<4x128xf32, #tpu.memory_space<vmem>>, %arg19: memref<16xf32, #tpu.memory_space<vmem>>, %arg20: memref<!tpu.dma_semaphore, #tpu.memory_space<semaphore_mem>>, %arg21: memref<!tpu.dma_semaphore, #tpu.memory_space<semaphore_mem>>, %arg22: memref<!tpu.dma_semaphore, #tpu.memory_space<semaphore_mem>>, %arg23: memref<!tpu.dma_semaphore, #tpu.memory_space<semaphore_mem>>, %arg24: memref<!tpu.dma_semaphore, #tpu.memory_space<semaphore_mem>>, %arg25: memref<!tpu.dma_semaphore, #tpu.memory_space<semaphore_mem>>, %arg26: memref<!tpu.dma_semaphore, #tpu.memory_space<semaphore_mem>>) attributes {dimension_semantics = [#tpu.dimension_semantics<core_parallel>, #tpu.dimension_semantics<subcore_parallel>], iteration_bounds = array<i64: 2, 16>, scalar_prefetch = 0 : i64, scratch_operands = 18 : i64, tpu.core_type = #tpu.core_type<sc_vector_subcore>, window_params = [{transform_indices = #map}, {transform_indices = #map}, {transform_indices = #map}, {transform_indices = #map}, {transform_indices = #map1}, {transform_indices = #map}, {transform_indices = #map}]} {
    %mul3A = arith.constant 2 : i32
    %mul3A_0 = arith.muli %arg1, %mul3A : i32
    %add3A = arith.addi %mul3A_0, %arg0 : i32
    %mul3A_1 = arith.constant 4 : i32
    %mul3A_2 = arith.muli %add3A, %mul3A_1 : i32
    "tpu.region"() ({
      %run_scoped3A = tpu.sem_alloc : memref<!tpu.dma_semaphore, #tpu.memory_space<semaphore_mem>>
      %dma_start3A_1448 = arith.constant 0 : i32
      %dma_start3A_1449 = tpu.memref_slice %arg2[%mul3A_2, %dma_start3A_1448] : memref<128x128xi32, #tpu.memory_space<hbm>> -> memref<4x128xi32, #tpu.memory_space<hbm>>
      %dma_start3A_1450 = arith.constant 0 : i32
      %dma_start3A_1451 = tpu.memref_slice %arg2[%mul3A_2, %dma_start3A_1450] : memref<128x128xi32, #tpu.memory_space<hbm>> -> memref<4x128xi32, #tpu.memory_space<hbm>>
      tpu.enqueue_dma source(%dma_start3A_1451 : memref<4x128xi32, #tpu.memory_space<hbm>>) target(%arg9 : memref<4x128xi32, #tpu.memory_space<vmem>>) target_semaphore(%run_scoped3A : memref<!tpu.dma_semaphore, #tpu.memory_space<semaphore_mem>>)
      %dma_wait3A_1452 = arith.constant 0 : i32
      %dma_wait3A_1453 = tpu.memref_slice %arg2[%mul3A_2, %dma_wait3A_1452] : memref<128x128xi32, #tpu.memory_space<hbm>> -> memref<4x128xi32, #tpu.memory_space<hbm>>
      %dma_wait3A_1454 = arith.constant 0 : i32
      %dma_wait3A_1455 = tpu.memref_slice %arg2[%mul3A_2, %dma_wait3A_1454] : memref<128x128xi32, #tpu.memory_space<hbm>> -> memref<4x128xi32, #tpu.memory_space<hbm>>
      tpu.wait_dma2 semaphore(%run_scoped3A : memref<!tpu.dma_semaphore, #tpu.memory_space<semaphore_mem>>) src(%dma_wait3A_1455 : memref<4x128xi32, #tpu.memory_space<hbm>>) dst(%arg9 : memref<4x128xi32, #tpu.memory_space<vmem>>)
      tpu.yield
    }) : () -> ()
    "tpu.region"() ({
      %run_scoped3A = tpu.sem_alloc : memref<!tpu.dma_semaphore, #tpu.memory_space<semaphore_mem>>
      %dma_start3A_1448 = arith.constant 0 : i32
      %dma_start3A_1449 = tpu.memref_slice %arg3[%mul3A_2, %dma_start3A_1448] : memref<128x128xi32, #tpu.memory_space<hbm>> -> memref<4x128xi32, #tpu.memory_space<hbm>>
      %dma_start3A_1450 = arith.constant 0 : i32
      %dma_start3A_1451 = tpu.memref_slice %arg3[%mul3A_2, %dma_start3A_1450] : memref<128x128xi32, #tpu.memory_space<hbm>> -> memref<4x128xi32, #tpu.memory_space<hbm>>
      tpu.enqueue_dma source(%dma_start3A_1451 : memref<4x128xi32, #tpu.memory_space<hbm>>) target(%arg10 : memref<4x128xi32, #tpu.memory_space<vmem>>) target_semaphore(%run_scoped3A : memref<!tpu.dma_semaphore, #tpu.memory_space<semaphore_mem>>)
      %dma_wait3A_1452 = arith.constant 0 : i32
      %dma_wait3A_1453 = tpu.memref_slice %arg3[%mul3A_2, %dma_wait3A_1452] : memref<128x128xi32, #tpu.memory_space<hbm>> -> memref<4x128xi32, #tpu.memory_space<hbm>>
      %dma_wait3A_1454 = arith.constant 0 : i32
      %dma_wait3A_1455 = tpu.memref_slice %arg3[%mul3A_2, %dma_wait3A_1454] : memref<128x128xi32, #tpu.memory_space<hbm>> -> memref<4x128xi32, #tpu.memory_space<hbm>>
      tpu.wait_dma2 semaphore(%run_scoped3A : memref<!tpu.dma_semaphore, #tpu.memory_space<semaphore_mem>>) src(%dma_wait3A_1455 : memref<4x128xi32, #tpu.memory_space<hbm>>) dst(%arg10 : memref<4x128xi32, #tpu.memory_space<vmem>>)
      tpu.yield
    }) : () -> ()
    %dma_start3A = arith.constant 0 : i32
    %dma_start3A_3 = arith.constant 0 : i32
    %dma_start3A_4 = tpu.memref_slice %arg9[%dma_start3A, %dma_start3A_3] : memref<4x128xi32, #tpu.memory_space<vmem>> -> memref<1x64xi32, #tpu.memory_space<vmem>>
    %dma_start3A_5 = tpu.memref_squeeze %dma_start3A_4 : memref<1x64xi32, #tpu.memory_space<vmem>> -> memref<64xi32, #tpu.memory_space<vmem>>
    %dma_start3A_6 = arith.constant 0 : i32
    %dma_start3A_7 = arith.constant 0 : i32
    %dma_start3A_8 = tpu.memref_slice %arg4[%dma_start3A_6, %dma_start3A_7] : memref<100100x128xf32, #tpu.memory_space<hbm>> -> memref<100100x128xf32, #tpu.memory_space<hbm>>
    tpu.enqueue_indirect_dma source(%dma_start3A_8 : memref<100100x128xf32, #tpu.memory_space<hbm>>) target(%arg11 : memref<64x128xf32, #tpu.memory_space<vmem>>) offsets(%dma_start3A_5 : memref<64xi32, #tpu.memory_space<vmem>>) semaphore(%arg20 : memref<!tpu.dma_semaphore, #tpu.memory_space<semaphore_mem>>)
    %dma_start3A_9 = arith.constant 0 : i32
    %dma_start3A_10 = arith.constant 0 : i32
    %dma_start3A_11 = tpu.memref_slice %arg10[%dma_start3A_9, %dma_start3A_10] : memref<4x128xi32, #tpu.memory_space<vmem>> -> memref<1x64xi32, #tpu.memory_space<vmem>>
    %dma_start3A_12 = tpu.memref_squeeze %dma_start3A_11 : memref<1x64xi32, #tpu.memory_space<vmem>> -> memref<64xi32, #tpu.memory_space<vmem>>
    %dma_start3A_13 = arith.constant 0 : i32
    %dma_start3A_14 = arith.constant 0 : i32
    %dma_start3A_15 = tpu.memref_slice %arg5[%dma_start3A_13, %dma_start3A_14] : memref<100000x128xf32, #tpu.memory_space<hbm>> -> memref<100000x128xf32, #tpu.memory_space<hbm>>
    tpu.enqueue_indirect_dma source(%dma_start3A_15 : memref<100000x128xf32, #tpu.memory_space<hbm>>) target(%arg12 : memref<64x128xf32, #tpu.memory_space<vmem>>) offsets(%dma_start3A_12 : memref<64xi32, #tpu.memory_space<vmem>>) semaphore(%arg21 : memref<!tpu.dma_semaphore, #tpu.memory_space<semaphore_mem>>)
    %dma_start3A_16 = arith.constant 0 : i32
    %dma_start3A_17 = arith.constant 64 : i32
    %dma_start3A_18 = tpu.memref_slice %arg9[%dma_start3A_16, %dma_start3A_17] : memref<4x128xi32, #tpu.memory_space<vmem>> -> memref<1x64xi32, #tpu.memory_space<vmem>>
    %dma_start3A_19 = tpu.memref_squeeze %dma_start3A_18 : memref<1x64xi32, #tpu.memory_space<vmem>> -> memref<64xi32, #tpu.memory_space<vmem>>
    %dma_start3A_20 = arith.constant 0 : i32
    %dma_start3A_21 = arith.constant 0 : i32
    %dma_start3A_22 = tpu.memref_slice %arg4[%dma_start3A_20, %dma_start3A_21] : memref<100100x128xf32, #tpu.memory_space<hbm>> -> memref<100100x128xf32, #tpu.memory_space<hbm>>
    tpu.enqueue_indirect_dma source(%dma_start3A_22 : memref<100100x128xf32, #tpu.memory_space<hbm>>) target(%arg13 : memref<64x128xf32, #tpu.memory_space<vmem>>) offsets(%dma_start3A_19 : memref<64xi32, #tpu.memory_space<vmem>>) semaphore(%arg22 : memref<!tpu.dma_semaphore, #tpu.memory_space<semaphore_mem>>)
    %dma_start3A_23 = arith.constant 0 : i32
    %dma_start3A_24 = arith.constant 64 : i32
    %dma_start3A_25 = tpu.memref_slice %arg10[%dma_start3A_23, %dma_start3A_24] : memref<4x128xi32, #tpu.memory_space<vmem>> -> memref<1x64xi32, #tpu.memory_space<vmem>>
    %dma_start3A_26 = tpu.memref_squeeze %dma_start3A_25 : memref<1x64xi32, #tpu.memory_space<vmem>> -> memref<64xi32, #tpu.memory_space<vmem>>
    %dma_start3A_27 = arith.constant 0 : i32
    %dma_start3A_28 = arith.constant 0 : i32
    %dma_start3A_29 = tpu.memref_slice %arg5[%dma_start3A_27, %dma_start3A_28] : memref<100000x128xf32, #tpu.memory_space<hbm>> -> memref<100000x128xf32, #tpu.memory_space<hbm>>
    tpu.enqueue_indirect_dma source(%dma_start3A_29 : memref<100000x128xf32, #tpu.memory_space<hbm>>) target(%arg14 : memref<64x128xf32, #tpu.memory_space<vmem>>) offsets(%dma_start3A_26 : memref<64xi32, #tpu.memory_space<vmem>>) semaphore(%arg23 : memref<!tpu.dma_semaphore, #tpu.memory_space<semaphore_mem>>)
    %broadcast_in_dim3A = arith.constant 0.000000e+00 : f32
    %broadcast_in_dim3A_30 = vector.broadcast %broadcast_in_dim3A : f32 to vector<16xf32>
    %broadcast_in_dim3A_31 = arith.constant 0.000000e+00 : f32
    %broadcast_in_dim3A_32 = vector.broadcast %broadcast_in_dim3A_31 : f32 to vector<16xf32>
    %broadcast_in_dim3A_33 = arith.constant 0.000000e+00 : f32
    %broadcast_in_dim3A_34 = vector.broadcast %broadcast_in_dim3A_33 : f32 to vector<16xf32>
    %broadcast_in_dim3A_35 = arith.constant 0.000000e+00 : f32
    %broadcast_in_dim3A_36 = vector.broadcast %broadcast_in_dim3A_35 : f32 to vector<16xf32>
    %broadcast_in_dim3A_37 = arith.constant 0.000000e+00 : f32
    %broadcast_in_dim3A_38 = vector.broadcast %broadcast_in_dim3A_37 : f32 to vector<16xf32>
    %broadcast_in_dim3A_39 = arith.constant 0.000000e+00 : f32
    %broadcast_in_dim3A_40 = vector.broadcast %broadcast_in_dim3A_39 : f32 to vector<16xf32>
    %broadcast_in_dim3A_41 = arith.constant 0.000000e+00 : f32
    %broadcast_in_dim3A_42 = vector.broadcast %broadcast_in_dim3A_41 : f32 to vector<16xf32>
    %broadcast_in_dim3A_43 = arith.constant 0.000000e+00 : f32
    %broadcast_in_dim3A_44 = vector.broadcast %broadcast_in_dim3A_43 : f32 to vector<16xf32>
    %dma_start3A_45 = arith.constant 1 : i32
    %dma_start3A_46 = arith.constant 0 : i32
    %dma_start3A_47 = tpu.memref_slice %arg9[%dma_start3A_45, %dma_start3A_46] : memref<4x128xi32, #tpu.memory_space<vmem>> -> memref<1x64xi32, #tpu.memory_space<vmem>>
    %dma_start3A_48 = tpu.memref_squeeze %dma_start3A_47 : memref<1x64xi32, #tpu.memory_space<vmem>> -> memref<64xi32, #tpu.memory_space<vmem>>
    %dma_start3A_49 = arith.constant 0 : i32
    %dma_start3A_50 = arith.constant 0 : i32
    %dma_start3A_51 = tpu.memref_slice %arg4[%dma_start3A_49, %dma_start3A_50] : memref<100100x128xf32, #tpu.memory_space<hbm>> -> memref<100100x128xf32, #tpu.memory_space<hbm>>
    tpu.enqueue_indirect_dma source(%dma_start3A_51 : memref<100100x128xf32, #tpu.memory_space<hbm>>) target(%arg15 : memref<64x128xf32, #tpu.memory_space<vmem>>) offsets(%dma_start3A_48 : memref<64xi32, #tpu.memory_space<vmem>>) semaphore(%arg24 : memref<!tpu.dma_semaphore, #tpu.memory_space<semaphore_mem>>)
    %dma_start3A_52 = arith.constant 1 : i32
    %dma_start3A_53 = arith.constant 0 : i32
    %dma_start3A_54 = tpu.memref_slice %arg10[%dma_start3A_52, %dma_start3A_53] : memref<4x128xi32, #tpu.memory_space<vmem>> -> memref<1x64xi32, #tpu.memory_space<vmem>>
    %dma_start3A_55 = tpu.memref_squeeze %dma_start3A_54 : memref<1x64xi32, #tpu.memory_space<vmem>> -> memref<64xi32, #tpu.memory_space<vmem>>
    %dma_start3A_56 = arith.constant 0 : i32
    %dma_start3A_57 = arith.constant 0 : i32
    %dma_start3A_58 = tpu.memref_slice %arg5[%dma_start3A_56, %dma_start3A_57] : memref<100000x128xf32, #tpu.memory_space<hbm>> -> memref<100000x128xf32, #tpu.memory_space<hbm>>
    tpu.enqueue_indirect_dma source(%dma_start3A_58 : memref<100000x128xf32, #tpu.memory_space<hbm>>) target(%arg16 : memref<64x128xf32, #tpu.memory_space<vmem>>) offsets(%dma_start3A_55 : memref<64xi32, #tpu.memory_space<vmem>>) semaphore(%arg25 : memref<!tpu.dma_semaphore, #tpu.memory_space<semaphore_mem>>)
    %dma_wait3A = arith.constant 0 : i32
    %dma_wait3A_59 = arith.constant 0 : i32
    %dma_wait3A_60 = tpu.memref_slice %arg9[%dma_wait3A, %dma_wait3A_59] : memref<4x128xi32, #tpu.memory_space<vmem>> -> memref<1x64xi32, #tpu.memory_space<vmem>>
    %dma_wait3A_61 = tpu.memref_squeeze %dma_wait3A_60 : memref<1x64xi32, #tpu.memory_space<vmem>> -> memref<64xi32, #tpu.memory_space<vmem>>
    %dma_wait3A_62 = arith.constant 0 : i32
    %dma_wait3A_63 = arith.constant 0 : i32
    %dma_wait3A_64 = tpu.memref_slice %arg4[%dma_wait3A_62, %dma_wait3A_63] : memref<100100x128xf32, #tpu.memory_space<hbm>> -> memref<100100x128xf32, #tpu.memory_space<hbm>>
    tpu.wait_indirect_dma semaphore(%arg20 : memref<!tpu.dma_semaphore, #tpu.memory_space<semaphore_mem>>) src(%dma_wait3A_64 : memref<100100x128xf32, #tpu.memory_space<hbm>>) dst(%arg11 : memref<64x128xf32, #tpu.memory_space<vmem>>)
    %dma_wait3A_65 = arith.constant 0 : i32
    %dma_wait3A_66 = arith.constant 0 : i32
    %dma_wait3A_67 = tpu.memref_slice %arg10[%dma_wait3A_65, %dma_wait3A_66] : memref<4x128xi32, #tpu.memory_space<vmem>> -> memref<1x64xi32, #tpu.memory_space<vmem>>
    %dma_wait3A_68 = tpu.memref_squeeze %dma_wait3A_67 : memref<1x64xi32, #tpu.memory_space<vmem>> -> memref<64xi32, #tpu.memory_space<vmem>>
    %dma_wait3A_69 = arith.constant 0 : i32
    %dma_wait3A_70 = arith.constant 0 : i32
    %dma_wait3A_71 = tpu.memref_slice %arg5[%dma_wait3A_69, %dma_wait3A_70] : memref<100000x128xf32, #tpu.memory_space<hbm>> -> memref<100000x128xf32, #tpu.memory_space<hbm>>
    tpu.wait_indirect_dma semaphore(%arg21 : memref<!tpu.dma_semaphore, #tpu.memory_space<semaphore_mem>>) src(%dma_wait3A_71 : memref<100000x128xf32, #tpu.memory_space<hbm>>) dst(%arg12 : memref<64x128xf32, #tpu.memory_space<vmem>>)
    %scan3A = arith.constant 0 : i32
    %scan3A_72 = arith.constant 64 : i32
    %scan3A_73 = arith.addi %scan3A, %scan3A_72 : i32
    %scan3A_74 = arith.constant 1 : i32
    %scan3A_75:8 = scf.for %scan3A_1448 = %scan3A to %scan3A_73 step %scan3A_74 iter_args(%scan3A_1449 = %broadcast_in_dim3A_30, %scan3A_1450 = %broadcast_in_dim3A_32, %scan3A_1451 = %broadcast_in_dim3A_34, %scan3A_1452 = %broadcast_in_dim3A_36, %scan3A_1453 = %broadcast_in_dim3A_38, %scan3A_1454 = %broadcast_in_dim3A_40, %scan3A_1455 = %broadcast_in_dim3A_42, %scan3A_1456 = %broadcast_in_dim3A_44) -> (vector<16xf32>, vector<16xf32>, vector<16xf32>, vector<16xf32>, vector<16xf32>, vector<16xf32>, vector<16xf32>, vector<16xf32>)  : i32 {
      %get3A_1457 = arith.index_cast %scan3A_1448 : i32 to index
      %get3A_1458 = arith.constant 0 : index
      %get3A_1459 = tpu.vector_load %arg11[%get3A_1457, %get3A_1458] {strides = array<i32>} : memref<64x128xf32, #tpu.memory_space<vmem>>, vector<1x16xf32>,
      %get3A_1460 = vector.shape_cast %get3A_1459 : vector<1x16xf32> to vector<16xf32>
      %get3A_1461 = arith.index_cast %scan3A_1448 : i32 to index
      %get3A_1462 = arith.constant 0 : index
      %get3A_1463 = tpu.vector_load %arg12[%get3A_1461, %get3A_1462] {strides = array<i32>} : memref<64x128xf32, #tpu.memory_space<vmem>>, vector<1x16xf32>,
      %get3A_1464 = vector.shape_cast %get3A_1463 : vector<1x16xf32> to vector<16xf32>
      %mul3A_1465 = arith.mulf %get3A_1460, %get3A_1464 : vector<16xf32>
      %add3A_1466 = arith.addf %scan3A_1449, %mul3A_1465 : vector<16xf32>
      %get3A_1467 = arith.index_cast %scan3A_1448 : i32 to index
      %get3A_1468 = arith.constant 16 : index
      %get3A_1469 = tpu.vector_load %arg11[%get3A_1467, %get3A_1468] {strides = array<i32>} : memref<64x128xf32, #tpu.memory_space<vmem>>, vector<1x16xf32>,
      %get3A_1470 = vector.shape_cast %get3A_1469 : vector<1x16xf32> to vector<16xf32>
      %get3A_1471 = arith.index_cast %scan3A_1448 : i32 to index
      %get3A_1472 = arith.constant 16 : index
      %get3A_1473 = tpu.vector_load %arg12[%get3A_1471, %get3A_1472] {strides = array<i32>} : memref<64x128xf32, #tpu.memory_space<vmem>>, vector<1x16xf32>,
      %get3A_1474 = vector.shape_cast %get3A_1473 : vector<1x16xf32> to vector<16xf32>
      %mul3A_1475 = arith.mulf %get3A_1470, %get3A_1474 : vector<16xf32>
      %add3A_1476 = arith.addf %scan3A_1450, %mul3A_1475 : vector<16xf32>
      %get3A_1477 = arith.index_cast %scan3A_1448 : i32 to index
      %get3A_1478 = arith.constant 32 : index
      %get3A_1479 = tpu.vector_load %arg11[%get3A_1477, %get3A_1478] {strides = array<i32>} : memref<64x128xf32, #tpu.memory_space<vmem>>, vector<1x16xf32>,
      %get3A_1480 = vector.shape_cast %get3A_1479 : vector<1x16xf32> to vector<16xf32>
      %get3A_1481 = arith.index_cast %scan3A_1448 : i32 to index
      %get3A_1482 = arith.constant 32 : index
      %get3A_1483 = tpu.vector_load %arg12[%get3A_1481, %get3A_1482] {strides = array<i32>} : memref<64x128xf32, #tpu.memory_space<vmem>>, vector<1x16xf32>,
      %get3A_1484 = vector.shape_cast %get3A_1483 : vector<1x16xf32> to vector<16xf32>
      %mul3A_1485 = arith.mulf %get3A_1480, %get3A_1484 : vector<16xf32>
      %add3A_1486 = arith.addf %scan3A_1451, %mul3A_1485 : vector<16xf32>
      %get3A_1487 = arith.index_cast %scan3A_1448 : i32 to index
      %get3A_1488 = arith.constant 48 : index
      %get3A_1489 = tpu.vector_load %arg11[%get3A_1487, %get3A_1488] {strides = array<i32>} : memref<64x128xf32, #tpu.memory_space<vmem>>, vector<1x16xf32>,
      %get3A_1490 = vector.shape_cast %get3A_1489 : vector<1x16xf32> to vector<16xf32>
      %get3A_1491 = arith.index_cast %scan3A_1448 : i32 to index
      %get3A_1492 = arith.constant 48 : index
      %get3A_1493 = tpu.vector_load %arg12[%get3A_1491, %get3A_1492] {strides = array<i32>} : memref<64x128xf32, #tpu.memory_space<vmem>>, vector<1x16xf32>,
      %get3A_1494 = vector.shape_cast %get3A_1493 : vector<1x16xf32> to vector<16xf32>
      %mul3A_1495 = arith.mulf %get3A_1490, %get3A_1494 : vector<16xf32>
      %add3A_1496 = arith.addf %scan3A_1452, %mul3A_1495 : vector<16xf32>
      %get3A_1497 = arith.index_cast %scan3A_1448 : i32 to index
      %get3A_1498 = arith.constant 64 : index
      %get3A_1499 = tpu.vector_load %arg11[%get3A_1497, %get3A_1498] {strides = array<i32>} : memref<64x128xf32, #tpu.memory_space<vmem>>, vector<1x16xf32>,
      %get3A_1500 = vector.shape_cast %get3A_1499 : vector<1x16xf32> to vector<16xf32>
      %get3A_1501 = arith.index_cast %scan3A_1448 : i32 to index
      %get3A_1502 = arith.constant 64 : index
      %get3A_1503 = tpu.vector_load %arg12[%get3A_1501, %get3A_1502] {strides = array<i32>} : memref<64x128xf32, #tpu.memory_space<vmem>>, vector<1x16xf32>,
      %get3A_1504 = vector.shape_cast %get3A_1503 : vector<1x16xf32> to vector<16xf32>
      %mul3A_1505 = arith.mulf %get3A_1500, %get3A_1504 : vector<16xf32>
      %add3A_1506 = arith.addf %scan3A_1453, %mul3A_1505 : vector<16xf32>
      %get3A_1507 = arith.index_cast %scan3A_1448 : i32 to index
      %get3A_1508 = arith.constant 80 : index
      %get3A_1509 = tpu.vector_load %arg11[%get3A_1507, %get3A_1508] {strides = array<i32>} : memref<64x128xf32, #tpu.memory_space<vmem>>, vector<1x16xf32>,
      %get3A_1510 = vector.shape_cast %get3A_1509 : vector<1x16xf32> to vector<16xf32>
      %get3A_1511 = arith.index_cast %scan3A_1448 : i32 to index
      %get3A_1512 = arith.constant 80 : index
      %get3A_1513 = tpu.vector_load %arg12[%get3A_1511, %get3A_1512] {strides = array<i32>} : memref<64x128xf32, #tpu.memory_space<vmem>>, vector<1x16xf32>,
      %get3A_1514 = vector.shape_cast %get3A_1513 : vector<1x16xf32> to vector<16xf32>
      %mul3A_1515 = arith.mulf %get3A_1510, %get3A_1514 : vector<16xf32>
      %add3A_1516 = arith.addf %scan3A_1454, %mul3A_1515 : vector<16xf32>
      %get3A_1517 = arith.index_cast %scan3A_1448 : i32 to index
      %get3A_1518 = arith.constant 96 : index
      %get3A_1519 = tpu.vector_load %arg11[%get3A_1517, %get3A_1518] {strides = array<i32>} : memref<64x128xf32, #tpu.memory_space<vmem>>, vector<1x16xf32>,
      %get3A_1520 = vector.shape_cast %get3A_1519 : vector<1x16xf32> to vector<16xf32>
      %get3A_1521 = arith.index_cast %scan3A_1448 : i32 to index
      %get3A_1522 = arith.constant 96 : index
      %get3A_1523 = tpu.vector_load %arg12[%get3A_1521, %get3A_1522] {strides = array<i32>} : memref<64x128xf32, #tpu.memory_space<vmem>>, vector<1x16xf32>,
      %get3A_1524 = vector.shape_cast %get3A_1523 : vector<1x16xf32> to vector<16xf32>
      %mul3A_1525 = arith.mulf %get3A_1520, %get3A_1524 : vector<16xf32>
      %add3A_1526 = arith.addf %scan3A_1455, %mul3A_1525 : vector<16xf32>
      %get3A_1527 = arith.index_cast %scan3A_1448 : i32 to index
      %get3A_1528 = arith.constant 112 : index
      %get3A_1529 = tpu.vector_load %arg11[%get3A_1527, %get3A_1528] {strides = array<i32>} : memref<64x128xf32, #tpu.memory_space<vmem>>, vector<1x16xf32>,
      %get3A_1530 = vector.shape_cast %get3A_1529 : vector<1x16xf32> to vector<16xf32>
      %get3A_1531 = arith.index_cast %scan3A_1448 : i32 to index
      %get3A_1532 = arith.constant 112 : index
      %get3A_1533 = tpu.vector_load %arg12[%get3A_1531, %get3A_1532] {strides = array<i32>} : memref<64x128xf32, #tpu.memory_space<vmem>>, vector<1x16xf32>,
      %get3A_1534 = vector.shape_cast %get3A_1533 : vector<1x16xf32> to vector<16xf32>
      %mul3A_1535 = arith.mulf %get3A_1530, %get3A_1534 : vector<16xf32>
      %add3A_1536 = arith.addf %scan3A_1456, %mul3A_1535 : vector<16xf32>
      scf.yield %add3A_1466, %add3A_1476, %add3A_1486, %add3A_1496, %add3A_1506, %add3A_1516, %add3A_1526, %add3A_1536 : vector<16xf32>, vector<16xf32>, vector<16xf32>, vector<16xf32>, vector<16xf32>, vector<16xf32>, vector<16xf32>, vector<16xf32>
    }
    %scan3A_76 = arith.constant 64 : i32
    %dma_start3A_77 = arith.constant 1 : i32
    %dma_start3A_78 = arith.constant 64 : i32
    %dma_start3A_79 = tpu.memref_slice %arg9[%dma_start3A_77, %dma_start3A_78] : memref<4x128xi32, #tpu.memory_space<vmem>> -> memref<1x64xi32, #tpu.memory_space<vmem>>
    %dma_start3A_80 = tpu.memref_squeeze %dma_start3A_79 : memref<1x64xi32, #tpu.memory_space<vmem>> -> memref<64xi32, #tpu.memory_space<vmem>>
    %dma_start3A_81 = arith.constant 0 : i32
    %dma_start3A_82 = arith.constant 0 : i32
    %dma_start3A_83 = tpu.memref_slice %arg4[%dma_start3A_81, %dma_start3A_82] : memref<100100x128xf32, #tpu.memory_space<hbm>> -> memref<100100x128xf32, #tpu.memory_space<hbm>>
    tpu.enqueue_indirect_dma source(%dma_start3A_83 : memref<100100x128xf32, #tpu.memory_space<hbm>>) target(%arg11 : memref<64x128xf32, #tpu.memory_space<vmem>>) offsets(%dma_start3A_80 : memref<64xi32, #tpu.memory_space<vmem>>) semaphore(%arg20 : memref<!tpu.dma_semaphore, #tpu.memory_space<semaphore_mem>>)
    %dma_start3A_84 = arith.constant 1 : i32
    %dma_start3A_85 = arith.constant 64 : i32
    %dma_start3A_86 = tpu.memref_slice %arg10[%dma_start3A_84, %dma_start3A_85] : memref<4x128xi32, #tpu.memory_space<vmem>> -> memref<1x64xi32, #tpu.memory_space<vmem>>
    %dma_start3A_87 = tpu.memref_squeeze %dma_start3A_86 : memref<1x64xi32, #tpu.memory_space<vmem>> -> memref<64xi32, #tpu.memory_space<vmem>>
    %dma_start3A_88 = arith.constant 0 : i32
    %dma_start3A_89 = arith.constant 0 : i32
    %dma_start3A_90 = tpu.memref_slice %arg5[%dma_start3A_88, %dma_start3A_89] : memref<100000x128xf32, #tpu.memory_space<hbm>> -> memref<100000x128xf32, #tpu.memory_space<hbm>>
    tpu.enqueue_indirect_dma source(%dma_start3A_90 : memref<100000x128xf32, #tpu.memory_space<hbm>>) target(%arg12 : memref<64x128xf32, #tpu.memory_space<vmem>>) offsets(%dma_start3A_87 : memref<64xi32, #tpu.memory_space<vmem>>) semaphore(%arg21 : memref<!tpu.dma_semaphore, #tpu.memory_space<semaphore_mem>>)
    %dma_wait3A_91 = arith.constant 0 : i32
    %dma_wait3A_92 = arith.constant 64 : i32
    %dma_wait3A_93 = tpu.memref_slice %arg9[%dma_wait3A_91, %dma_wait3A_92] : memref<4x128xi32, #tpu.memory_space<vmem>> -> memref<1x64xi32, #tpu.memory_space<vmem>>
    %dma_wait3A_94 = tpu.memref_squeeze %dma_wait3A_93 : memref<1x64xi32, #tpu.memory_space<vmem>> -> memref<64xi32, #tpu.memory_space<vmem>>
    %dma_wait3A_95 = arith.constant 0 : i32
    %dma_wait3A_96 = arith.constant 0 : i32
    %dma_wait3A_97 = tpu.memref_slice %arg4[%dma_wait3A_95, %dma_wait3A_96] : memref<100100x128xf32, #tpu.memory_space<hbm>> -> memref<100100x128xf32, #tpu.memory_space<hbm>>
    tpu.wait_indirect_dma semaphore(%arg22 : memref<!tpu.dma_semaphore, #tpu.memory_space<semaphore_mem>>) src(%dma_wait3A_97 : memref<100100x128xf32, #tpu.memory_space<hbm>>) dst(%arg13 : memref<64x128xf32, #tpu.memory_space<vmem>>)
    %dma_wait3A_98 = arith.constant 0 : i32
    %dma_wait3A_99 = arith.constant 64 : i32
    %dma_wait3A_100 = tpu.memref_slice %arg10[%dma_wait3A_98, %dma_wait3A_99] : memref<4x128xi32, #tpu.memory_space<vmem>> -> memref<1x64xi32, #tpu.memory_space<vmem>>
    %dma_wait3A_101 = tpu.memref_squeeze %dma_wait3A_100 : memref<1x64xi32, #tpu.memory_space<vmem>> -> memref<64xi32, #tpu.memory_space<vmem>>
    %dma_wait3A_102 = arith.constant 0 : i32
    %dma_wait3A_103 = arith.constant 0 : i32
    %dma_wait3A_104 = tpu.memref_slice %arg5[%dma_wait3A_102, %dma_wait3A_103] : memref<100000x128xf32, #tpu.memory_space<hbm>> -> memref<100000x128xf32, #tpu.memory_space<hbm>>
    tpu.wait_indirect_dma semaphore(%arg23 : memref<!tpu.dma_semaphore, #tpu.memory_space<semaphore_mem>>) src(%dma_wait3A_104 : memref<100000x128xf32, #tpu.memory_space<hbm>>) dst(%arg14 : memref<64x128xf32, #tpu.memory_space<vmem>>)
    %scan3A_105 = arith.constant 0 : i32
    %scan3A_106 = arith.constant 64 : i32
    %scan3A_107 = arith.addi %scan3A_105, %scan3A_106 : i32
    %scan3A_108 = arith.constant 1 : i32
    %scan3A_109:8 = scf.for %scan3A_1448 = %scan3A_105 to %scan3A_107 step %scan3A_108 iter_args(%scan3A_1449 = %scan3A_75#0, %scan3A_1450 = %scan3A_75#1, %scan3A_1451 = %scan3A_75#2, %scan3A_1452 = %scan3A_75#3, %scan3A_1453 = %scan3A_75#4, %scan3A_1454 = %scan3A_75#5, %scan3A_1455 = %scan3A_75#6, %scan3A_1456 = %scan3A_75#7) -> (vector<16xf32>, vector<16xf32>, vector<16xf32>, vector<16xf32>, vector<16xf32>, vector<16xf32>, vector<16xf32>, vector<16xf32>)  : i32 {
      %get3A_1457 = arith.index_cast %scan3A_1448 : i32 to index
      %get3A_1458 = arith.constant 0 : index
      %get3A_1459 = tpu.vector_load %arg13[%get3A_1457, %get3A_1458] {strides = array<i32>} : memref<64x128xf32, #tpu.memory_space<vmem>>, vector<1x16xf32>,
      %get3A_1460 = vector.shape_cast %get3A_1459 : vector<1x16xf32> to vector<16xf32>
      %get3A_1461 = arith.index_cast %scan3A_1448 : i32 to index
      %get3A_1462 = arith.constant 0 : index
      %get3A_1463 = tpu.vector_load %arg14[%get3A_1461, %get3A_1462] {strides = array<i32>} : memref<64x128xf32, #tpu.memory_space<vmem>>, vector<1x16xf32>,
      %get3A_1464 = vector.shape_cast %get3A_1463 : vector<1x16xf32> to vector<16xf32>
      %mul3A_1465 = arith.mulf %get3A_1460, %get3A_1464 : vector<16xf32>
      %add3A_1466 = arith.addf %scan3A_1449, %mul3A_1465 : vector<16xf32>
      %get3A_1467 = arith.index_cast %scan3A_1448 : i32 to index
      %get3A_1468 = arith.constant 16 : index
      %get3A_1469 = tpu.vector_load %arg13[%get3A_1467, %get3A_1468] {strides = array<i32>} : memref<64x128xf32, #tpu.memory_space<vmem>>, vector<1x16xf32>,
      %get3A_1470 = vector.shape_cast %get3A_1469 : vector<1x16xf32> to vector<16xf32>
      %get3A_1471 = arith.index_cast %scan3A_1448 : i32 to index
      %get3A_1472 = arith.constant 16 : index
      %get3A_1473 = tpu.vector_load %arg14[%get3A_1471, %get3A_1472] {strides = array<i32>} : memref<64x128xf32, #tpu.memory_space<vmem>>, vector<1x16xf32>,
      %get3A_1474 = vector.shape_cast %get3A_1473 : vector<1x16xf32> to vector<16xf32>
      %mul3A_1475 = arith.mulf %get3A_1470, %get3A_1474 : vector<16xf32>
      %add3A_1476 = arith.addf %scan3A_1450, %mul3A_1475 : vector<16xf32>
      %get3A_1477 = arith.index_cast %scan3A_1448 : i32 to index
      %get3A_1478 = arith.constant 32 : index
      %get3A_1479 = tpu.vector_load %arg13[%get3A_1477, %get3A_1478] {strides = array<i32>} : memref<64x128xf32, #tpu.memory_space<vmem>>, vector<1x16xf32>,
      %get3A_1480 = vector.shape_cast %get3A_1479 : vector<1x16xf32> to vector<16xf32>
      %get3A_1481 = arith.index_cast %scan3A_1448 : i32 to index
      %get3A_1482 = arith.constant 32 : index
      %get3A_1483 = tpu.vector_load %arg14[%get3A_1481, %get3A_1482] {strides = array<i32>} : memref<64x128xf32, #tpu.memory_space<vmem>>, vector<1x16xf32>,
      %get3A_1484 = vector.shape_cast %get3A_1483 : vector<1x16xf32> to vector<16xf32>
      %mul3A_1485 = arith.mulf %get3A_1480, %get3A_1484 : vector<16xf32>
      %add3A_1486 = arith.addf %scan3A_1451, %mul3A_1485 : vector<16xf32>
      %get3A_1487 = arith.index_cast %scan3A_1448 : i32 to index
      %get3A_1488 = arith.constant 48 : index
      %get3A_1489 = tpu.vector_load %arg13[%get3A_1487, %get3A_1488] {strides = array<i32>} : memref<64x128xf32, #tpu.memory_space<vmem>>, vector<1x16xf32>,
      %get3A_1490 = vector.shape_cast %get3A_1489 : vector<1x16xf32> to vector<16xf32>
      %get3A_1491 = arith.index_cast %scan3A_1448 : i32 to index
      %get3A_1492 = arith.constant 48 : index
      %get3A_1493 = tpu.vector_load %arg14[%get3A_1491, %get3A_1492] {strides = array<i32>} : memref<64x128xf32, #tpu.memory_space<vmem>>, vector<1x16xf32>,
      %get3A_1494 = vector.shape_cast %get3A_1493 : vector<1x16xf32> to vector<16xf32>
      %mul3A_1495 = arith.mulf %get3A_1490, %get3A_1494 : vector<16xf32>
      %add3A_1496 = arith.addf %scan3A_1452, %mul3A_1495 : vector<16xf32>
      %get3A_1497 = arith.index_cast %scan3A_1448 : i32 to index
      %get3A_1498 = arith.constant 64 : index
      %get3A_1499 = tpu.vector_load %arg13[%get3A_1497, %get3A_1498] {strides = array<i32>} : memref<64x128xf32, #tpu.memory_space<vmem>>, vector<1x16xf32>,
      %get3A_1500 = vector.shape_cast %get3A_1499 : vector<1x16xf32> to vector<16xf32>
      %get3A_1501 = arith.index_cast %scan3A_1448 : i32 to index
      %get3A_1502 = arith.constant 64 : index
      %get3A_1503 = tpu.vector_load %arg14[%get3A_1501, %get3A_1502] {strides = array<i32>} : memref<64x128xf32, #tpu.memory_space<vmem>>, vector<1x16xf32>,
      %get3A_1504 = vector.shape_cast %get3A_1503 : vector<1x16xf32> to vector<16xf32>
      %mul3A_1505 = arith.mulf %get3A_1500, %get3A_1504 : vector<16xf32>
      %add3A_1506 = arith.addf %scan3A_1453, %mul3A_1505 : vector<16xf32>
      %get3A_1507 = arith.index_cast %scan3A_1448 : i32 to index
      %get3A_1508 = arith.constant 80 : index
      %get3A_1509 = tpu.vector_load %arg13[%get3A_1507, %get3A_1508] {strides = array<i32>} : memref<64x128xf32, #tpu.memory_space<vmem>>, vector<1x16xf32>,
      %get3A_1510 = vector.shape_cast %get3A_1509 : vector<1x16xf32> to vector<16xf32>
      %get3A_1511 = arith.index_cast %scan3A_1448 : i32 to index
      %get3A_1512 = arith.constant 80 : index
      %get3A_1513 = tpu.vector_load %arg14[%get3A_1511, %get3A_1512] {strides = array<i32>} : memref<64x128xf32, #tpu.memory_space<vmem>>, vector<1x16xf32>,
      %get3A_1514 = vector.shape_cast %get3A_1513 : vector<1x16xf32> to vector<16xf32>
      %mul3A_1515 = arith.mulf %get3A_1510, %get3A_1514 : vector<16xf32>
      %add3A_1516 = arith.addf %scan3A_1454, %mul3A_1515 : vector<16xf32>
      %get3A_1517 = arith.index_cast %scan3A_1448 : i32 to index
      %get3A_1518 = arith.constant 96 : index
      %get3A_1519 = tpu.vector_load %arg13[%get3A_1517, %get3A_1518] {strides = array<i32>} : memref<64x128xf32, #tpu.memory_space<vmem>>, vector<1x16xf32>,
      %get3A_1520 = vector.shape_cast %get3A_1519 : vector<1x16xf32> to vector<16xf32>
      %get3A_1521 = arith.index_cast %scan3A_1448 : i32 to index
      %get3A_1522 = arith.constant 96 : index
      %get3A_1523 = tpu.vector_load %arg14[%get3A_1521, %get3A_1522] {strides = array<i32>} : memref<64x128xf32, #tpu.memory_space<vmem>>, vector<1x16xf32>,
      %get3A_1524 = vector.shape_cast %get3A_1523 : vector<1x16xf32> to vector<16xf32>
      %mul3A_1525 = arith.mulf %get3A_1520, %get3A_1524 : vector<16xf32>
      %add3A_1526 = arith.addf %scan3A_1455, %mul3A_1525 : vector<16xf32>
      %get3A_1527 = arith.index_cast %scan3A_1448 : i32 to index
      %get3A_1528 = arith.constant 112 : index
      %get3A_1529 = tpu.vector_load %arg13[%get3A_1527, %get3A_1528] {strides = array<i32>} : memref<64x128xf32, #tpu.memory_space<vmem>>, vector<1x16xf32>,
      %get3A_1530 = vector.shape_cast %get3A_1529 : vector<1x16xf32> to vector<16xf32>
      %get3A_1531 = arith.index_cast %scan3A_1448 : i32 to index
      %get3A_1532 = arith.constant 112 : index
      %get3A_1533 = tpu.vector_load %arg14[%get3A_1531, %get3A_1532] {strides = array<i32>} : memref<64x128xf32, #tpu.memory_space<vmem>>, vector<1x16xf32>,
      %get3A_1534 = vector.shape_cast %get3A_1533 : vector<1x16xf32> to vector<16xf32>
      %mul3A_1535 = arith.mulf %get3A_1530, %get3A_1534 : vector<16xf32>
      %add3A_1536 = arith.addf %scan3A_1456, %mul3A_1535 : vector<16xf32>
      scf.yield %add3A_1466, %add3A_1476, %add3A_1486, %add3A_1496, %add3A_1506, %add3A_1516, %add3A_1526, %add3A_1536 : vector<16xf32>, vector<16xf32>, vector<16xf32>, vector<16xf32>, vector<16xf32>, vector<16xf32>, vector<16xf32>, vector<16xf32>
    }
    %scan3A_110 = arith.constant 64 : i32
    %dma_start3A_111 = arith.constant 2 : i32
    %dma_start3A_112 = arith.constant 0 : i32
    %dma_start3A_113 = tpu.memref_slice %arg9[%dma_start3A_111, %dma_start3A_112] : memref<4x128xi32, #tpu.memory_space<vmem>> -> memref<1x64xi32, #tpu.memory_space<vmem>>
    %dma_start3A_114 = tpu.memref_squeeze %dma_start3A_113 : memref<1x64xi32, #tpu.memory_space<vmem>> -> memref<64xi32, #tpu.memory_space<vmem>>
    %dma_start3A_115 = arith.constant 0 : i32
    %dma_start3A_116 = arith.constant 0 : i32
    %dma_start3A_117 = tpu.memref_slice %arg4[%dma_start3A_115, %dma_start3A_116] : memref<100100x128xf32, #tpu.memory_space<hbm>> -> memref<100100x128xf32, #tpu.memory_space<hbm>>
    tpu.enqueue_indirect_dma source(%dma_start3A_117 : memref<100100x128xf32, #tpu.memory_space<hbm>>) target(%arg13 : memref<64x128xf32, #tpu.memory_space<vmem>>) offsets(%dma_start3A_114 : memref<64xi32, #tpu.memory_space<vmem>>) semaphore(%arg22 : memref<!tpu.dma_semaphore, #tpu.memory_space<semaphore_mem>>)
    %dma_start3A_118 = arith.constant 2 : i32
    %dma_start3A_119 = arith.constant 0 : i32
    %dma_start3A_120 = tpu.memref_slice %arg10[%dma_start3A_118, %dma_start3A_119] : memref<4x128xi32, #tpu.memory_space<vmem>> -> memref<1x64xi32, #tpu.memory_space<vmem>>
    %dma_start3A_121 = tpu.memref_squeeze %dma_start3A_120 : memref<1x64xi32, #tpu.memory_space<vmem>> -> memref<64xi32, #tpu.memory_space<vmem>>
    %dma_start3A_122 = arith.constant 0 : i32
    %dma_start3A_123 = arith.constant 0 : i32
    %dma_start3A_124 = tpu.memref_slice %arg5[%dma_start3A_122, %dma_start3A_123] : memref<100000x128xf32, #tpu.memory_space<hbm>> -> memref<100000x128xf32, #tpu.memory_space<hbm>>
    tpu.enqueue_indirect_dma source(%dma_start3A_124 : memref<100000x128xf32, #tpu.memory_space<hbm>>) target(%arg14 : memref<64x128xf32, #tpu.memory_space<vmem>>) offsets(%dma_start3A_121 : memref<64xi32, #tpu.memory_space<vmem>>) semaphore(%arg23 : memref<!tpu.dma_semaphore, #tpu.memory_space<semaphore_mem>>)
    %dma_wait3A_125 = arith.constant 1 : i32
    %dma_wait3A_126 = arith.constant 0 : i32
    %dma_wait3A_127 = tpu.memref_slice %arg9[%dma_wait3A_125, %dma_wait3A_126] : memref<4x128xi32, #tpu.memory_space<vmem>> -> memref<1x64xi32, #tpu.memory_space<vmem>>
    %dma_wait3A_128 = tpu.memref_squeeze %dma_wait3A_127 : memref<1x64xi32, #tpu.memory_space<vmem>> -> memref<64xi32, #tpu.memory_space<vmem>>
    %dma_wait3A_129 = arith.constant 0 : i32
    %dma_wait3A_130 = arith.constant 0 : i32
    %dma_wait3A_131 = tpu.memref_slice %arg4[%dma_wait3A_129, %dma_wait3A_130] : memref<100100x128xf32, #tpu.memory_space<hbm>> -> memref<100100x128xf32, #tpu.memory_space<hbm>>
    tpu.wait_indirect_dma semaphore(%arg24 : memref<!tpu.dma_semaphore, #tpu.memory_space<semaphore_mem>>) src(%dma_wait3A_131 : memref<100100x128xf32, #tpu.memory_space<hbm>>) dst(%arg15 : memref<64x128xf32, #tpu.memory_space<vmem>>)
    %dma_wait3A_132 = arith.constant 1 : i32
    %dma_wait3A_133 = arith.constant 0 : i32
    %dma_wait3A_134 = tpu.memref_slice %arg10[%dma_wait3A_132, %dma_wait3A_133] : memref<4x128xi32, #tpu.memory_space<vmem>> -> memref<1x64xi32, #tpu.memory_space<vmem>>
    %dma_wait3A_135 = tpu.memref_squeeze %dma_wait3A_134 : memref<1x64xi32, #tpu.memory_space<vmem>> -> memref<64xi32, #tpu.memory_space<vmem>>
    %dma_wait3A_136 = arith.constant 0 : i32
    %dma_wait3A_137 = arith.constant 0 : i32
    %dma_wait3A_138 = tpu.memref_slice %arg5[%dma_wait3A_136, %dma_wait3A_137] : memref<100000x128xf32, #tpu.memory_space<hbm>> -> memref<100000x128xf32, #tpu.memory_space<hbm>>
    tpu.wait_indirect_dma semaphore(%arg25 : memref<!tpu.dma_semaphore, #tpu.memory_space<semaphore_mem>>) src(%dma_wait3A_138 : memref<100000x128xf32, #tpu.memory_space<hbm>>) dst(%arg16 : memref<64x128xf32, #tpu.memory_space<vmem>>)
    %scan3A_139 = arith.constant 0 : i32
    %scan3A_140 = arith.constant 64 : i32
    %scan3A_141 = arith.addi %scan3A_139, %scan3A_140 : i32
    %scan3A_142 = arith.constant 1 : i32
    %scan3A_143:8 = scf.for %scan3A_1448 = %scan3A_139 to %scan3A_141 step %scan3A_142 iter_args(%scan3A_1449 = %scan3A_109#0, %scan3A_1450 = %scan3A_109#1, %scan3A_1451 = %scan3A_109#2, %scan3A_1452 = %scan3A_109#3, %scan3A_1453 = %scan3A_109#4, %scan3A_1454 = %scan3A_109#5, %scan3A_1455 = %scan3A_109#6, %scan3A_1456 = %scan3A_109#7) -> (vector<16xf32>, vector<16xf32>, vector<16xf32>, vector<16xf32>, vector<16xf32>, vector<16xf32>, vector<16xf32>, vector<16xf32>)  : i32 {
      %get3A_1457 = arith.index_cast %scan3A_1448 : i32 to index
      %get3A_1458 = arith.constant 0 : index
      %get3A_1459 = tpu.vector_load %arg15[%get3A_1457, %get3A_1458] {strides = array<i32>} : memref<64x128xf32, #tpu.memory_space<vmem>>, vector<1x16xf32>,
      %get3A_1460 = vector.shape_cast %get3A_1459 : vector<1x16xf32> to vector<16xf32>
      %get3A_1461 = arith.index_cast %scan3A_1448 : i32 to index
      %get3A_1462 = arith.constant 0 : index
      %get3A_1463 = tpu.vector_load %arg16[%get3A_1461, %get3A_1462] {strides = array<i32>} : memref<64x128xf32, #tpu.memory_space<vmem>>, vector<1x16xf32>,
      %get3A_1464 = vector.shape_cast %get3A_1463 : vector<1x16xf32> to vector<16xf32>
      %mul3A_1465 = arith.mulf %get3A_1460, %get3A_1464 : vector<16xf32>
      %add3A_1466 = arith.addf %scan3A_1449, %mul3A_1465 : vector<16xf32>
      %get3A_1467 = arith.index_cast %scan3A_1448 : i32 to index
      %get3A_1468 = arith.constant 16 : index
      %get3A_1469 = tpu.vector_load %arg15[%get3A_1467, %get3A_1468] {strides = array<i32>} : memref<64x128xf32, #tpu.memory_space<vmem>>, vector<1x16xf32>,
      %get3A_1470 = vector.shape_cast %get3A_1469 : vector<1x16xf32> to vector<16xf32>
      %get3A_1471 = arith.index_cast %scan3A_1448 : i32 to index
      %get3A_1472 = arith.constant 16 : index
      %get3A_1473 = tpu.vector_load %arg16[%get3A_1471, %get3A_1472] {strides = array<i32>} : memref<64x128xf32, #tpu.memory_space<vmem>>, vector<1x16xf32>,
      %get3A_1474 = vector.shape_cast %get3A_1473 : vector<1x16xf32> to vector<16xf32>
      %mul3A_1475 = arith.mulf %get3A_1470, %get3A_1474 : vector<16xf32>
      %add3A_1476 = arith.addf %scan3A_1450, %mul3A_1475 : vector<16xf32>
      %get3A_1477 = arith.index_cast %scan3A_1448 : i32 to index
      %get3A_1478 = arith.constant 32 : index
      %get3A_1479 = tpu.vector_load %arg15[%get3A_1477, %get3A_1478] {strides = array<i32>} : memref<64x128xf32, #tpu.memory_space<vmem>>, vector<1x16xf32>,
      %get3A_1480 = vector.shape_cast %get3A_1479 : vector<1x16xf32> to vector<16xf32>
      %get3A_1481 = arith.index_cast %scan3A_1448 : i32 to index
      %get3A_1482 = arith.constant 32 : index
      %get3A_1483 = tpu.vector_load %arg16[%get3A_1481, %get3A_1482] {strides = array<i32>} : memref<64x128xf32, #tpu.memory_space<vmem>>, vector<1x16xf32>,
      %get3A_1484 = vector.shape_cast %get3A_1483 : vector<1x16xf32> to vector<16xf32>
      %mul3A_1485 = arith.mulf %get3A_1480, %get3A_1484 : vector<16xf32>
      %add3A_1486 = arith.addf %scan3A_1451, %mul3A_1485 : vector<16xf32>
      %get3A_1487 = arith.index_cast %scan3A_1448 : i32 to index
      %get3A_1488 = arith.constant 48 : index
      %get3A_1489 = tpu.vector_load %arg15[%get3A_1487, %get3A_1488] {strides = array<i32>} : memref<64x128xf32, #tpu.memory_space<vmem>>, vector<1x16xf32>,
      %get3A_1490 = vector.shape_cast %get3A_1489 : vector<1x16xf32> to vector<16xf32>
      %get3A_1491 = arith.index_cast %scan3A_1448 : i32 to index
      %get3A_1492 = arith.constant 48 : index
      %get3A_1493 = tpu.vector_load %arg16[%get3A_1491, %get3A_1492] {strides = array<i32>} : memref<64x128xf32, #tpu.memory_space<vmem>>, vector<1x16xf32>,
      %get3A_1494 = vector.shape_cast %get3A_1493 : vector<1x16xf32> to vector<16xf32>
      %mul3A_1495 = arith.mulf %get3A_1490, %get3A_1494 : vector<16xf32>
      %add3A_1496 = arith.addf %scan3A_1452, %mul3A_1495 : vector<16xf32>
      %get3A_1497 = arith.index_cast %scan3A_1448 : i32 to index
      %get3A_1498 = arith.constant 64 : index
      %get3A_1499 = tpu.vector_load %arg15[%get3A_1497, %get3A_1498] {strides = array<i32>} : memref<64x128xf32, #tpu.memory_space<vmem>>, vector<1x16xf32>,
      %get3A_1500 = vector.shape_cast %get3A_1499 : vector<1x16xf32> to vector<16xf32>
      %get3A_1501 = arith.index_cast %scan3A_1448 : i32 to index
      %get3A_1502 = arith.constant 64 : index
      %get3A_1503 = tpu.vector_load %arg16[%get3A_1501, %get3A_1502] {strides = array<i32>} : memref<64x128xf32, #tpu.memory_space<vmem>>, vector<1x16xf32>,
      %get3A_1504 = vector.shape_cast %get3A_1503 : vector<1x16xf32> to vector<16xf32>
      %mul3A_1505 = arith.mulf %get3A_1500, %get3A_1504 : vector<16xf32>
      %add3A_1506 = arith.addf %scan3A_1453, %mul3A_1505 : vector<16xf32>
      %get3A_1507 = arith.index_cast %scan3A_1448 : i32 to index
      %get3A_1508 = arith.constant 80 : index
      %get3A_1509 = tpu.vector_load %arg15[%get3A_1507, %get3A_1508] {strides = array<i32>} : memref<64x128xf32, #tpu.memory_space<vmem>>, vector<1x16xf32>,
      %get3A_1510 = vector.shape_cast %get3A_1509 : vector<1x16xf32> to vector<16xf32>
      %get3A_1511 = arith.index_cast %scan3A_1448 : i32 to index
      %get3A_1512 = arith.constant 80 : index
      %get3A_1513 = tpu.vector_load %arg16[%get3A_1511, %get3A_1512] {strides = array<i32>} : memref<64x128xf32, #tpu.memory_space<vmem>>, vector<1x16xf32>,
      %get3A_1514 = vector.shape_cast %get3A_1513 : vector<1x16xf32> to vector<16xf32>
      %mul3A_1515 = arith.mulf %get3A_1510, %get3A_1514 : vector<16xf32>
      %add3A_1516 = arith.addf %scan3A_1454, %mul3A_1515 : vector<16xf32>
      %get3A_1517 = arith.index_cast %scan3A_1448 : i32 to index
      %get3A_1518 = arith.constant 96 : index
      %get3A_1519 = tpu.vector_load %arg15[%get3A_1517, %get3A_1518] {strides = array<i32>} : memref<64x128xf32, #tpu.memory_space<vmem>>, vector<1x16xf32>,
      %get3A_1520 = vector.shape_cast %get3A_1519 : vector<1x16xf32> to vector<16xf32>
      %get3A_1521 = arith.index_cast %scan3A_1448 : i32 to index
      %get3A_1522 = arith.constant 96 : index
      %get3A_1523 = tpu.vector_load %arg16[%get3A_1521, %get3A_1522] {strides = array<i32>} : memref<64x128xf32, #tpu.memory_space<vmem>>, vector<1x16xf32>,
      %get3A_1524 = vector.shape_cast %get3A_1523 : vector<1x16xf32> to vector<16xf32>
      %mul3A_1525 = arith.mulf %get3A_1520, %get3A_1524 : vector<16xf32>
      %add3A_1526 = arith.addf %scan3A_1455, %mul3A_1525 : vector<16xf32>
      %get3A_1527 = arith.index_cast %scan3A_1448 : i32 to index
      %get3A_1528 = arith.constant 112 : index
      %get3A_1529 = tpu.vector_load %arg15[%get3A_1527, %get3A_1528] {strides = array<i32>} : memref<64x128xf32, #tpu.memory_space<vmem>>, vector<1x16xf32>,
      %get3A_1530 = vector.shape_cast %get3A_1529 : vector<1x16xf32> to vector<16xf32>
      %get3A_1531 = arith.index_cast %scan3A_1448 : i32 to index
      %get3A_1532 = arith.constant 112 : index
      %get3A_1533 = tpu.vector_load %arg16[%get3A_1531, %get3A_1532] {strides = array<i32>} : memref<64x128xf32, #tpu.memory_space<vmem>>, vector<1x16xf32>,
      %get3A_1534 = vector.shape_cast %get3A_1533 : vector<1x16xf32> to vector<16xf32>
      %mul3A_1535 = arith.mulf %get3A_1530, %get3A_1534 : vector<16xf32>
      %add3A_1536 = arith.addf %scan3A_1456, %mul3A_1535 : vector<16xf32>
      scf.yield %add3A_1466, %add3A_1476, %add3A_1486, %add3A_1496, %add3A_1506, %add3A_1516, %add3A_1526, %add3A_1536 : vector<16xf32>, vector<16xf32>, vector<16xf32>, vector<16xf32>, vector<16xf32>, vector<16xf32>, vector<16xf32>, vector<16xf32>
    }
    %scan3A_144 = arith.constant 64 : i32
    %dma_start3A_145 = arith.constant 2 : i32
    %dma_start3A_146 = arith.constant 64 : i32
    %dma_start3A_147 = tpu.memref_slice %arg9[%dma_start3A_145, %dma_start3A_146] : memref<4x128xi32, #tpu.memory_space<vmem>> -> memref<1x64xi32, #tpu.memory_space<vmem>>
    %dma_start3A_148 = tpu.memref_squeeze %dma_start3A_147 : memref<1x64xi32, #tpu.memory_space<vmem>> -> memref<64xi32, #tpu.memory_space<vmem>>
    %dma_start3A_149 = arith.constant 0 : i32
    %dma_start3A_150 = arith.constant 0 : i32
    %dma_start3A_151 = tpu.memref_slice %arg4[%dma_start3A_149, %dma_start3A_150] : memref<100100x128xf32, #tpu.memory_space<hbm>> -> memref<100100x128xf32, #tpu.memory_space<hbm>>
    tpu.enqueue_indirect_dma source(%dma_start3A_151 : memref<100100x128xf32, #tpu.memory_space<hbm>>) target(%arg15 : memref<64x128xf32, #tpu.memory_space<vmem>>) offsets(%dma_start3A_148 : memref<64xi32, #tpu.memory_space<vmem>>) semaphore(%arg24 : memref<!tpu.dma_semaphore, #tpu.memory_space<semaphore_mem>>)
    %dma_start3A_152 = arith.constant 2 : i32
    %dma_start3A_153 = arith.constant 64 : i32
    %dma_start3A_154 = tpu.memref_slice %arg10[%dma_start3A_152, %dma_start3A_153] : memref<4x128xi32, #tpu.memory_space<vmem>> -> memref<1x64xi32, #tpu.memory_space<vmem>>
    %dma_start3A_155 = tpu.memref_squeeze %dma_start3A_154 : memref<1x64xi32, #tpu.memory_space<vmem>> -> memref<64xi32, #tpu.memory_space<vmem>>
    %dma_start3A_156 = arith.constant 0 : i32
    %dma_start3A_157 = arith.constant 0 : i32
    %dma_start3A_158 = tpu.memref_slice %arg5[%dma_start3A_156, %dma_start3A_157] : memref<100000x128xf32, #tpu.memory_space<hbm>> -> memref<100000x128xf32, #tpu.memory_space<hbm>>
    tpu.enqueue_indirect_dma source(%dma_start3A_158 : memref<100000x128xf32, #tpu.memory_space<hbm>>) target(%arg16 : memref<64x128xf32, #tpu.memory_space<vmem>>) offsets(%dma_start3A_155 : memref<64xi32, #tpu.memory_space<vmem>>) semaphore(%arg25 : memref<!tpu.dma_semaphore, #tpu.memory_space<semaphore_mem>>)
    %dma_wait3A_159 = arith.constant 1 : i32
    %dma_wait3A_160 = arith.constant 64 : i32
    %dma_wait3A_161 = tpu.memref_slice %arg9[%dma_wait3A_159, %dma_wait3A_160] : memref<4x128xi32, #tpu.memory_space<vmem>> -> memref<1x64xi32, #tpu.memory_space<vmem>>
    %dma_wait3A_162 = tpu.memref_squeeze %dma_wait3A_161 : memref<1x64xi32, #tpu.memory_space<vmem>> -> memref<64xi32, #tpu.memory_space<vmem>>
    %dma_wait3A_163 = arith.constant 0 : i32
    %dma_wait3A_164 = arith.constant 0 : i32
    %dma_wait3A_165 = tpu.memref_slice %arg4[%dma_wait3A_163, %dma_wait3A_164] : memref<100100x128xf32, #tpu.memory_space<hbm>> -> memref<100100x128xf32, #tpu.memory_space<hbm>>
    tpu.wait_indirect_dma semaphore(%arg20 : memref<!tpu.dma_semaphore, #tpu.memory_space<semaphore_mem>>) src(%dma_wait3A_165 : memref<100100x128xf32, #tpu.memory_space<hbm>>) dst(%arg11 : memref<64x128xf32, #tpu.memory_space<vmem>>)
    %dma_wait3A_166 = arith.constant 1 : i32
    %dma_wait3A_167 = arith.constant 64 : i32
    %dma_wait3A_168 = tpu.memref_slice %arg10[%dma_wait3A_166, %dma_wait3A_167] : memref<4x128xi32, #tpu.memory_space<vmem>> -> memref<1x64xi32, #tpu.memory_space<vmem>>
    %dma_wait3A_169 = tpu.memref_squeeze %dma_wait3A_168 : memref<1x64xi32, #tpu.memory_space<vmem>> -> memref<64xi32, #tpu.memory_space<vmem>>
    %dma_wait3A_170 = arith.constant 0 : i32
    %dma_wait3A_171 = arith.constant 0 : i32
    %dma_wait3A_172 = tpu.memref_slice %arg5[%dma_wait3A_170, %dma_wait3A_171] : memref<100000x128xf32, #tpu.memory_space<hbm>> -> memref<100000x128xf32, #tpu.memory_space<hbm>>
    tpu.wait_indirect_dma semaphore(%arg21 : memref<!tpu.dma_semaphore, #tpu.memory_space<semaphore_mem>>) src(%dma_wait3A_172 : memref<100000x128xf32, #tpu.memory_space<hbm>>) dst(%arg12 : memref<64x128xf32, #tpu.memory_space<vmem>>)
    %scan3A_173 = arith.constant 0 : i32
    %scan3A_174 = arith.constant 64 : i32
    %scan3A_175 = arith.addi %scan3A_173, %scan3A_174 : i32
    %scan3A_176 = arith.constant 1 : i32
    %scan3A_177:8 = scf.for %scan3A_1448 = %scan3A_173 to %scan3A_175 step %scan3A_176 iter_args(%scan3A_1449 = %scan3A_143#0, %scan3A_1450 = %scan3A_143#1, %scan3A_1451 = %scan3A_143#2, %scan3A_1452 = %scan3A_143#3, %scan3A_1453 = %scan3A_143#4, %scan3A_1454 = %scan3A_143#5, %scan3A_1455 = %scan3A_143#6, %scan3A_1456 = %scan3A_143#7) -> (vector<16xf32>, vector<16xf32>, vector<16xf32>, vector<16xf32>, vector<16xf32>, vector<16xf32>, vector<16xf32>, vector<16xf32>)  : i32 {
      %get3A_1457 = arith.index_cast %scan3A_1448 : i32 to index
      %get3A_1458 = arith.constant 0 : index
      %get3A_1459 = tpu.vector_load %arg11[%get3A_1457, %get3A_1458] {strides = array<i32>} : memref<64x128xf32, #tpu.memory_space<vmem>>, vector<1x16xf32>,
      %get3A_1460 = vector.shape_cast %get3A_1459 : vector<1x16xf32> to vector<16xf32>
      %get3A_1461 = arith.index_cast %scan3A_1448 : i32 to index
      %get3A_1462 = arith.constant 0 : index
      %get3A_1463 = tpu.vector_load %arg12[%get3A_1461, %get3A_1462] {strides = array<i32>} : memref<64x128xf32, #tpu.memory_space<vmem>>, vector<1x16xf32>,
      %get3A_1464 = vector.shape_cast %get3A_1463 : vector<1x16xf32> to vector<16xf32>
      %mul3A_1465 = arith.mulf %get3A_1460, %get3A_1464 : vector<16xf32>
      %add3A_1466 = arith.addf %scan3A_1449, %mul3A_1465 : vector<16xf32>
      %get3A_1467 = arith.index_cast %scan3A_1448 : i32 to index
      %get3A_1468 = arith.constant 16 : index
      %get3A_1469 = tpu.vector_load %arg11[%get3A_1467, %get3A_1468] {strides = array<i32>} : memref<64x128xf32, #tpu.memory_space<vmem>>, vector<1x16xf32>,
      %get3A_1470 = vector.shape_cast %get3A_1469 : vector<1x16xf32> to vector<16xf32>
      %get3A_1471 = arith.index_cast %scan3A_1448 : i32 to index
      %get3A_1472 = arith.constant 16 : index
      %get3A_1473 = tpu.vector_load %arg12[%get3A_1471, %get3A_1472] {strides = array<i32>} : memref<64x128xf32, #tpu.memory_space<vmem>>, vector<1x16xf32>,
      %get3A_1474 = vector.shape_cast %get3A_1473 : vector<1x16xf32> to vector<16xf32>
      %mul3A_1475 = arith.mulf %get3A_1470, %get3A_1474 : vector<16xf32>
      %add3A_1476 = arith.addf %scan3A_1450, %mul3A_1475 : vector<16xf32>
      %get3A_1477 = arith.index_cast %scan3A_1448 : i32 to index
      %get3A_1478 = arith.constant 32 : index
      %get3A_1479 = tpu.vector_load %arg11[%get3A_1477, %get3A_1478] {strides = array<i32>} : memref<64x128xf32, #tpu.memory_space<vmem>>, vector<1x16xf32>,
      %get3A_1480 = vector.shape_cast %get3A_1479 : vector<1x16xf32> to vector<16xf32>
      %get3A_1481 = arith.index_cast %scan3A_1448 : i32 to index
      %get3A_1482 = arith.constant 32 : index
      %get3A_1483 = tpu.vector_load %arg12[%get3A_1481, %get3A_1482] {strides = array<i32>} : memref<64x128xf32, #tpu.memory_space<vmem>>, vector<1x16xf32>,
      %get3A_1484 = vector.shape_cast %get3A_1483 : vector<1x16xf32> to vector<16xf32>
      %mul3A_1485 = arith.mulf %get3A_1480, %get3A_1484 : vector<16xf32>
      %add3A_1486 = arith.addf %scan3A_1451, %mul3A_1485 : vector<16xf32>
      %get3A_1487 = arith.index_cast %scan3A_1448 : i32 to index
      %get3A_1488 = arith.constant 48 : index
      %get3A_1489 = tpu.vector_load %arg11[%get3A_1487, %get3A_1488] {strides = array<i32>} : memref<64x128xf32, #tpu.memory_space<vmem>>, vector<1x16xf32>,
      %get3A_1490 = vector.shape_cast %get3A_1489 : vector<1x16xf32> to vector<16xf32>
      %get3A_1491 = arith.index_cast %scan3A_1448 : i32 to index
      %get3A_1492 = arith.constant 48 : index
      %get3A_1493 = tpu.vector_load %arg12[%get3A_1491, %get3A_1492] {strides = array<i32>} : memref<64x128xf32, #tpu.memory_space<vmem>>, vector<1x16xf32>,
      %get3A_1494 = vector.shape_cast %get3A_1493 : vector<1x16xf32> to vector<16xf32>
      %mul3A_1495 = arith.mulf %get3A_1490, %get3A_1494 : vector<16xf32>
      %add3A_1496 = arith.addf %scan3A_1452, %mul3A_1495 : vector<16xf32>
      %get3A_1497 = arith.index_cast %scan3A_1448 : i32 to index
      %get3A_1498 = arith.constant 64 : index
      %get3A_1499 = tpu.vector_load %arg11[%get3A_1497, %get3A_1498] {strides = array<i32>} : memref<64x128xf32, #tpu.memory_space<vmem>>, vector<1x16xf32>,
      %get3A_1500 = vector.shape_cast %get3A_1499 : vector<1x16xf32> to vector<16xf32>
      %get3A_1501 = arith.index_cast %scan3A_1448 : i32 to index
      %get3A_1502 = arith.constant 64 : index
      %get3A_1503 = tpu.vector_load %arg12[%get3A_1501, %get3A_1502] {strides = array<i32>} : memref<64x128xf32, #tpu.memory_space<vmem>>, vector<1x16xf32>,
      %get3A_1504 = vector.shape_cast %get3A_1503 : vector<1x16xf32> to vector<16xf32>
      %mul3A_1505 = arith.mulf %get3A_1500, %get3A_1504 : vector<16xf32>
      %add3A_1506 = arith.addf %scan3A_1453, %mul3A_1505 : vector<16xf32>
      %get3A_1507 = arith.index_cast %scan3A_1448 : i32 to index
      %get3A_1508 = arith.constant 80 : index
      %get3A_1509 = tpu.vector_load %arg11[%get3A_1507, %get3A_1508] {strides = array<i32>} : memref<64x128xf32, #tpu.memory_space<vmem>>, vector<1x16xf32>,
      %get3A_1510 = vector.shape_cast %get3A_1509 : vector<1x16xf32> to vector<16xf32>
      %get3A_1511 = arith.index_cast %scan3A_1448 : i32 to index
      %get3A_1512 = arith.constant 80 : index
      %get3A_1513 = tpu.vector_load %arg12[%get3A_1511, %get3A_1512] {strides = array<i32>} : memref<64x128xf32, #tpu.memory_space<vmem>>, vector<1x16xf32>,
      %get3A_1514 = vector.shape_cast %get3A_1513 : vector<1x16xf32> to vector<16xf32>
      %mul3A_1515 = arith.mulf %get3A_1510, %get3A_1514 : vector<16xf32>
      %add3A_1516 = arith.addf %scan3A_1454, %mul3A_1515 : vector<16xf32>
      %get3A_1517 = arith.index_cast %scan3A_1448 : i32 to index
      %get3A_1518 = arith.constant 96 : index
      %get3A_1519 = tpu.vector_load %arg11[%get3A_1517, %get3A_1518] {strides = array<i32>} : memref<64x128xf32, #tpu.memory_space<vmem>>, vector<1x16xf32>,
      %get3A_1520 = vector.shape_cast %get3A_1519 : vector<1x16xf32> to vector<16xf32>
      %get3A_1521 = arith.index_cast %scan3A_1448 : i32 to index
      %get3A_1522 = arith.constant 96 : index
      %get3A_1523 = tpu.vector_load %arg12[%get3A_1521, %get3A_1522] {strides = array<i32>} : memref<64x128xf32, #tpu.memory_space<vmem>>, vector<1x16xf32>,
      %get3A_1524 = vector.shape_cast %get3A_1523 : vector<1x16xf32> to vector<16xf32>
      %mul3A_1525 = arith.mulf %get3A_1520, %get3A_1524 : vector<16xf32>
      %add3A_1526 = arith.addf %scan3A_1455, %mul3A_1525 : vector<16xf32>
      %get3A_1527 = arith.index_cast %scan3A_1448 : i32 to index
      %get3A_1528 = arith.constant 112 : index
      %get3A_1529 = tpu.vector_load %arg11[%get3A_1527, %get3A_1528] {strides = array<i32>} : memref<64x128xf32, #tpu.memory_space<vmem>>, vector<1x16xf32>,
      %get3A_1530 = vector.shape_cast %get3A_1529 : vector<1x16xf32> to vector<16xf32>
      %get3A_1531 = arith.index_cast %scan3A_1448 : i32 to index
      %get3A_1532 = arith.constant 112 : index
      %get3A_1533 = tpu.vector_load %arg12[%get3A_1531, %get3A_1532] {strides = array<i32>} : memref<64x128xf32, #tpu.memory_space<vmem>>, vector<1x16xf32>,
      %get3A_1534 = vector.shape_cast %get3A_1533 : vector<1x16xf32> to vector<16xf32>
      %mul3A_1535 = arith.mulf %get3A_1530, %get3A_1534 : vector<16xf32>
      %add3A_1536 = arith.addf %scan3A_1456, %mul3A_1535 : vector<16xf32>
      scf.yield %add3A_1466, %add3A_1476, %add3A_1486, %add3A_1496, %add3A_1506, %add3A_1516, %add3A_1526, %add3A_1536 : vector<16xf32>, vector<16xf32>, vector<16xf32>, vector<16xf32>, vector<16xf32>, vector<16xf32>, vector<16xf32>, vector<16xf32>
    }
    %scan3A_178 = arith.constant 64 : i32
    %dma_start3A_179 = arith.constant 3 : i32
    %dma_start3A_180 = arith.constant 0 : i32
    %dma_start3A_181 = tpu.memref_slice %arg9[%dma_start3A_179, %dma_start3A_180] : memref<4x128xi32, #tpu.memory_space<vmem>> -> memref<1x64xi32, #tpu.memory_space<vmem>>
    %dma_start3A_182 = tpu.memref_squeeze %dma_start3A_181 : memref<1x64xi32, #tpu.memory_space<vmem>> -> memref<64xi32, #tpu.memory_space<vmem>>
    %dma_start3A_183 = arith.constant 0 : i32
    %dma_start3A_184 = arith.constant 0 : i32
    %dma_start3A_185 = tpu.memref_slice %arg4[%dma_start3A_183, %dma_start3A_184] : memref<100100x128xf32, #tpu.memory_space<hbm>> -> memref<100100x128xf32, #tpu.memory_space<hbm>>
    tpu.enqueue_indirect_dma source(%dma_start3A_185 : memref<100100x128xf32, #tpu.memory_space<hbm>>) target(%arg11 : memref<64x128xf32, #tpu.memory_space<vmem>>) offsets(%dma_start3A_182 : memref<64xi32, #tpu.memory_space<vmem>>) semaphore(%arg20 : memref<!tpu.dma_semaphore, #tpu.memory_space<semaphore_mem>>)
    %dma_start3A_186 = arith.constant 3 : i32
    %dma_start3A_187 = arith.constant 0 : i32
    %dma_start3A_188 = tpu.memref_slice %arg10[%dma_start3A_186, %dma_start3A_187] : memref<4x128xi32, #tpu.memory_space<vmem>> -> memref<1x64xi32, #tpu.memory_space<vmem>>
    %dma_start3A_189 = tpu.memref_squeeze %dma_start3A_188 : memref<1x64xi32, #tpu.memory_space<vmem>> -> memref<64xi32, #tpu.memory_space<vmem>>
    %dma_start3A_190 = arith.constant 0 : i32
    %dma_start3A_191 = arith.constant 0 : i32
    %dma_start3A_192 = tpu.memref_slice %arg5[%dma_start3A_190, %dma_start3A_191] : memref<100000x128xf32, #tpu.memory_space<hbm>> -> memref<100000x128xf32, #tpu.memory_space<hbm>>
    tpu.enqueue_indirect_dma source(%dma_start3A_192 : memref<100000x128xf32, #tpu.memory_space<hbm>>) target(%arg12 : memref<64x128xf32, #tpu.memory_space<vmem>>) offsets(%dma_start3A_189 : memref<64xi32, #tpu.memory_space<vmem>>) semaphore(%arg21 : memref<!tpu.dma_semaphore, #tpu.memory_space<semaphore_mem>>)
    %dma_wait3A_193 = arith.constant 2 : i32
    %dma_wait3A_194 = arith.constant 0 : i32
    %dma_wait3A_195 = tpu.memref_slice %arg9[%dma_wait3A_193, %dma_wait3A_194] : memref<4x128xi32, #tpu.memory_space<vmem>> -> memref<1x64xi32, #tpu.memory_space<vmem>>
    %dma_wait3A_196 = tpu.memref_squeeze %dma_wait3A_195 : memref<1x64xi32, #tpu.memory_space<vmem>> -> memref<64xi32, #tpu.memory_space<vmem>>
    %dma_wait3A_197 = arith.constant 0 : i32
    %dma_wait3A_198 = arith.constant 0 : i32
    %dma_wait3A_199 = tpu.memref_slice %arg4[%dma_wait3A_197, %dma_wait3A_198] : memref<100100x128xf32, #tpu.memory_space<hbm>> -> memref<100100x128xf32, #tpu.memory_space<hbm>>
    tpu.wait_indirect_dma semaphore(%arg22 : memref<!tpu.dma_semaphore, #tpu.memory_space<semaphore_mem>>) src(%dma_wait3A_199 : memref<100100x128xf32, #tpu.memory_space<hbm>>) dst(%arg13 : memref<64x128xf32, #tpu.memory_space<vmem>>)
    %dma_wait3A_200 = arith.constant 2 : i32
    %dma_wait3A_201 = arith.constant 0 : i32
    %dma_wait3A_202 = tpu.memref_slice %arg10[%dma_wait3A_200, %dma_wait3A_201] : memref<4x128xi32, #tpu.memory_space<vmem>> -> memref<1x64xi32, #tpu.memory_space<vmem>>
    %dma_wait3A_203 = tpu.memref_squeeze %dma_wait3A_202 : memref<1x64xi32, #tpu.memory_space<vmem>> -> memref<64xi32, #tpu.memory_space<vmem>>
    %dma_wait3A_204 = arith.constant 0 : i32
    %dma_wait3A_205 = arith.constant 0 : i32
    %dma_wait3A_206 = tpu.memref_slice %arg5[%dma_wait3A_204, %dma_wait3A_205] : memref<100000x128xf32, #tpu.memory_space<hbm>> -> memref<100000x128xf32, #tpu.memory_space<hbm>>
    tpu.wait_indirect_dma semaphore(%arg23 : memref<!tpu.dma_semaphore, #tpu.memory_space<semaphore_mem>>) src(%dma_wait3A_206 : memref<100000x128xf32, #tpu.memory_space<hbm>>) dst(%arg14 : memref<64x128xf32, #tpu.memory_space<vmem>>)
    %scan3A_207 = arith.constant 0 : i32
    %scan3A_208 = arith.constant 64 : i32
    %scan3A_209 = arith.addi %scan3A_207, %scan3A_208 : i32
    %scan3A_210 = arith.constant 1 : i32
    %scan3A_211:8 = scf.for %scan3A_1448 = %scan3A_207 to %scan3A_209 step %scan3A_210 iter_args(%scan3A_1449 = %scan3A_177#0, %scan3A_1450 = %scan3A_177#1, %scan3A_1451 = %scan3A_177#2, %scan3A_1452 = %scan3A_177#3, %scan3A_1453 = %scan3A_177#4, %scan3A_1454 = %scan3A_177#5, %scan3A_1455 = %scan3A_177#6, %scan3A_1456 = %scan3A_177#7) -> (vector<16xf32>, vector<16xf32>, vector<16xf32>, vector<16xf32>, vector<16xf32>, vector<16xf32>, vector<16xf32>, vector<16xf32>)  : i32 {
      %get3A_1457 = arith.index_cast %scan3A_1448 : i32 to index
      %get3A_1458 = arith.constant 0 : index
      %get3A_1459 = tpu.vector_load %arg13[%get3A_1457, %get3A_1458] {strides = array<i32>} : memref<64x128xf32, #tpu.memory_space<vmem>>, vector<1x16xf32>,
      %get3A_1460 = vector.shape_cast %get3A_1459 : vector<1x16xf32> to vector<16xf32>
      %get3A_1461 = arith.index_cast %scan3A_1448 : i32 to index
      %get3A_1462 = arith.constant 0 : index
      %get3A_1463 = tpu.vector_load %arg14[%get3A_1461, %get3A_1462] {strides = array<i32>} : memref<64x128xf32, #tpu.memory_space<vmem>>, vector<1x16xf32>,
      %get3A_1464 = vector.shape_cast %get3A_1463 : vector<1x16xf32> to vector<16xf32>
      %mul3A_1465 = arith.mulf %get3A_1460, %get3A_1464 : vector<16xf32>
      %add3A_1466 = arith.addf %scan3A_1449, %mul3A_1465 : vector<16xf32>
      %get3A_1467 = arith.index_cast %scan3A_1448 : i32 to index
      %get3A_1468 = arith.constant 16 : index
      %get3A_1469 = tpu.vector_load %arg13[%get3A_1467, %get3A_1468] {strides = array<i32>} : memref<64x128xf32, #tpu.memory_space<vmem>>, vector<1x16xf32>,
      %get3A_1470 = vector.shape_cast %get3A_1469 : vector<1x16xf32> to vector<16xf32>
      %get3A_1471 = arith.index_cast %scan3A_1448 : i32 to index
      %get3A_1472 = arith.constant 16 : index
      %get3A_1473 = tpu.vector_load %arg14[%get3A_1471, %get3A_1472] {strides = array<i32>} : memref<64x128xf32, #tpu.memory_space<vmem>>, vector<1x16xf32>,
      %get3A_1474 = vector.shape_cast %get3A_1473 : vector<1x16xf32> to vector<16xf32>
      %mul3A_1475 = arith.mulf %get3A_1470, %get3A_1474 : vector<16xf32>
      %add3A_1476 = arith.addf %scan3A_1450, %mul3A_1475 : vector<16xf32>
      %get3A_1477 = arith.index_cast %scan3A_1448 : i32 to index
      %get3A_1478 = arith.constant 32 : index
      %get3A_1479 = tpu.vector_load %arg13[%get3A_1477, %get3A_1478] {strides = array<i32>} : memref<64x128xf32, #tpu.memory_space<vmem>>, vector<1x16xf32>,
      %get3A_1480 = vector.shape_cast %get3A_1479 : vector<1x16xf32> to vector<16xf32>
      %get3A_1481 = arith.index_cast %scan3A_1448 : i32 to index
      %get3A_1482 = arith.constant 32 : index
      %get3A_1483 = tpu.vector_load %arg14[%get3A_1481, %get3A_1482] {strides = array<i32>} : memref<64x128xf32, #tpu.memory_space<vmem>>, vector<1x16xf32>,
      %get3A_1484 = vector.shape_cast %get3A_1483 : vector<1x16xf32> to vector<16xf32>
      %mul3A_1485 = arith.mulf %get3A_1480, %get3A_1484 : vector<16xf32>
      %add3A_1486 = arith.addf %scan3A_1451, %mul3A_1485 : vector<16xf32>
      %get3A_1487 = arith.index_cast %scan3A_1448 : i32 to index
      %get3A_1488 = arith.constant 48 : index
      %get3A_1489 = tpu.vector_load %arg13[%get3A_1487, %get3A_1488] {strides = array<i32>} : memref<64x128xf32, #tpu.memory_space<vmem>>, vector<1x16xf32>,
      %get3A_1490 = vector.shape_cast %get3A_1489 : vector<1x16xf32> to vector<16xf32>
      %get3A_1491 = arith.index_cast %scan3A_1448 : i32 to index
      %get3A_1492 = arith.constant 48 : index
      %get3A_1493 = tpu.vector_load %arg14[%get3A_1491, %get3A_1492] {strides = array<i32>} : memref<64x128xf32, #tpu.memory_space<vmem>>, vector<1x16xf32>,
      %get3A_1494 = vector.shape_cast %get3A_1493 : vector<1x16xf32> to vector<16xf32>
      %mul3A_1495 = arith.mulf %get3A_1490, %get3A_1494 : vector<16xf32>
      %add3A_1496 = arith.addf %scan3A_1452, %mul3A_1495 : vector<16xf32>
      %get3A_1497 = arith.index_cast %scan3A_1448 : i32 to index
      %get3A_1498 = arith.constant 64 : index
      %get3A_1499 = tpu.vector_load %arg13[%get3A_1497, %get3A_1498] {strides = array<i32>} : memref<64x128xf32, #tpu.memory_space<vmem>>, vector<1x16xf32>,
      %get3A_1500 = vector.shape_cast %get3A_1499 : vector<1x16xf32> to vector<16xf32>
      %get3A_1501 = arith.index_cast %scan3A_1448 : i32 to index
      %get3A_1502 = arith.constant 64 : index
      %get3A_1503 = tpu.vector_load %arg14[%get3A_1501, %get3A_1502] {strides = array<i32>} : memref<64x128xf32, #tpu.memory_space<vmem>>, vector<1x16xf32>,
      %get3A_1504 = vector.shape_cast %get3A_1503 : vector<1x16xf32> to vector<16xf32>
      %mul3A_1505 = arith.mulf %get3A_1500, %get3A_1504 : vector<16xf32>
      %add3A_1506 = arith.addf %scan3A_1453, %mul3A_1505 : vector<16xf32>
      %get3A_1507 = arith.index_cast %scan3A_1448 : i32 to index
      %get3A_1508 = arith.constant 80 : index
      %get3A_1509 = tpu.vector_load %arg13[%get3A_1507, %get3A_1508] {strides = array<i32>} : memref<64x128xf32, #tpu.memory_space<vmem>>, vector<1x16xf32>,
      %get3A_1510 = vector.shape_cast %get3A_1509 : vector<1x16xf32> to vector<16xf32>
      %get3A_1511 = arith.index_cast %scan3A_1448 : i32 to index
      %get3A_1512 = arith.constant 80 : index
      %get3A_1513 = tpu.vector_load %arg14[%get3A_1511, %get3A_1512] {strides = array<i32>} : memref<64x128xf32, #tpu.memory_space<vmem>>, vector<1x16xf32>,
      %get3A_1514 = vector.shape_cast %get3A_1513 : vector<1x16xf32> to vector<16xf32>
      %mul3A_1515 = arith.mulf %get3A_1510, %get3A_1514 : vector<16xf32>
      %add3A_1516 = arith.addf %scan3A_1454, %mul3A_1515 : vector<16xf32>
      %get3A_1517 = arith.index_cast %scan3A_1448 : i32 to index
      %get3A_1518 = arith.constant 96 : index
      %get3A_1519 = tpu.vector_load %arg13[%get3A_1517, %get3A_1518] {strides = array<i32>} : memref<64x128xf32, #tpu.memory_space<vmem>>, vector<1x16xf32>,
      %get3A_1520 = vector.shape_cast %get3A_1519 : vector<1x16xf32> to vector<16xf32>
      %get3A_1521 = arith.index_cast %scan3A_1448 : i32 to index
      %get3A_1522 = arith.constant 96 : index
      %get3A_1523 = tpu.vector_load %arg14[%get3A_1521, %get3A_1522] {strides = array<i32>} : memref<64x128xf32, #tpu.memory_space<vmem>>, vector<1x16xf32>,
      %get3A_1524 = vector.shape_cast %get3A_1523 : vector<1x16xf32> to vector<16xf32>
      %mul3A_1525 = arith.mulf %get3A_1520, %get3A_1524 : vector<16xf32>
      %add3A_1526 = arith.addf %scan3A_1455, %mul3A_1525 : vector<16xf32>
      %get3A_1527 = arith.index_cast %scan3A_1448 : i32 to index
      %get3A_1528 = arith.constant 112 : index
      %get3A_1529 = tpu.vector_load %arg13[%get3A_1527, %get3A_1528] {strides = array<i32>} : memref<64x128xf32, #tpu.memory_space<vmem>>, vector<1x16xf32>,
      %get3A_1530 = vector.shape_cast %get3A_1529 : vector<1x16xf32> to vector<16xf32>
      %get3A_1531 = arith.index_cast %scan3A_1448 : i32 to index
      %get3A_1532 = arith.constant 112 : index
      %get3A_1533 = tpu.vector_load %arg14[%get3A_1531, %get3A_1532] {strides = array<i32>} : memref<64x128xf32, #tpu.memory_space<vmem>>, vector<1x16xf32>,
      %get3A_1534 = vector.shape_cast %get3A_1533 : vector<1x16xf32> to vector<16xf32>
      %mul3A_1535 = arith.mulf %get3A_1530, %get3A_1534 : vector<16xf32>
      %add3A_1536 = arith.addf %scan3A_1456, %mul3A_1535 : vector<16xf32>
      scf.yield %add3A_1466, %add3A_1476, %add3A_1486, %add3A_1496, %add3A_1506, %add3A_1516, %add3A_1526, %add3A_1536 : vector<16xf32>, vector<16xf32>, vector<16xf32>, vector<16xf32>, vector<16xf32>, vector<16xf32>, vector<16xf32>, vector<16xf32>
    }
    %scan3A_212 = arith.constant 64 : i32
    %dma_start3A_213 = arith.constant 3 : i32
    %dma_start3A_214 = arith.constant 64 : i32
    %dma_start3A_215 = tpu.memref_slice %arg9[%dma_start3A_213, %dma_start3A_214] : memref<4x128xi32, #tpu.memory_space<vmem>> -> memref<1x64xi32, #tpu.memory_space<vmem>>
    %dma_start3A_216 = tpu.memref_squeeze %dma_start3A_215 : memref<1x64xi32, #tpu.memory_space<vmem>> -> memref<64xi32, #tpu.memory_space<vmem>>
    %dma_start3A_217 = arith.constant 0 : i32
    %dma_start3A_218 = arith.constant 0 : i32
    %dma_start3A_219 = tpu.memref_slice %arg4[%dma_start3A_217, %dma_start3A_218] : memref<100100x128xf32, #tpu.memory_space<hbm>> -> memref<100100x128xf32, #tpu.memory_space<hbm>>
    tpu.enqueue_indirect_dma source(%dma_start3A_219 : memref<100100x128xf32, #tpu.memory_space<hbm>>) target(%arg13 : memref<64x128xf32, #tpu.memory_space<vmem>>) offsets(%dma_start3A_216 : memref<64xi32, #tpu.memory_space<vmem>>) semaphore(%arg22 : memref<!tpu.dma_semaphore, #tpu.memory_space<semaphore_mem>>)
    %dma_start3A_220 = arith.constant 3 : i32
    %dma_start3A_221 = arith.constant 64 : i32
    %dma_start3A_222 = tpu.memref_slice %arg10[%dma_start3A_220, %dma_start3A_221] : memref<4x128xi32, #tpu.memory_space<vmem>> -> memref<1x64xi32, #tpu.memory_space<vmem>>
    %dma_start3A_223 = tpu.memref_squeeze %dma_start3A_222 : memref<1x64xi32, #tpu.memory_space<vmem>> -> memref<64xi32, #tpu.memory_space<vmem>>
    %dma_start3A_224 = arith.constant 0 : i32
    %dma_start3A_225 = arith.constant 0 : i32
    %dma_start3A_226 = tpu.memref_slice %arg5[%dma_start3A_224, %dma_start3A_225] : memref<100000x128xf32, #tpu.memory_space<hbm>> -> memref<100000x128xf32, #tpu.memory_space<hbm>>
    tpu.enqueue_indirect_dma source(%dma_start3A_226 : memref<100000x128xf32, #tpu.memory_space<hbm>>) target(%arg14 : memref<64x128xf32, #tpu.memory_space<vmem>>) offsets(%dma_start3A_223 : memref<64xi32, #tpu.memory_space<vmem>>) semaphore(%arg23 : memref<!tpu.dma_semaphore, #tpu.memory_space<semaphore_mem>>)
    %dma_wait3A_227 = arith.constant 2 : i32
    %dma_wait3A_228 = arith.constant 64 : i32
    %dma_wait3A_229 = tpu.memref_slice %arg9[%dma_wait3A_227, %dma_wait3A_228] : memref<4x128xi32, #tpu.memory_space<vmem>> -> memref<1x64xi32, #tpu.memory_space<vmem>>
    %dma_wait3A_230 = tpu.memref_squeeze %dma_wait3A_229 : memref<1x64xi32, #tpu.memory_space<vmem>> -> memref<64xi32, #tpu.memory_space<vmem>>
    %dma_wait3A_231 = arith.constant 0 : i32
    %dma_wait3A_232 = arith.constant 0 : i32
    %dma_wait3A_233 = tpu.memref_slice %arg4[%dma_wait3A_231, %dma_wait3A_232] : memref<100100x128xf32, #tpu.memory_space<hbm>> -> memref<100100x128xf32, #tpu.memory_space<hbm>>
    tpu.wait_indirect_dma semaphore(%arg24 : memref<!tpu.dma_semaphore, #tpu.memory_space<semaphore_mem>>) src(%dma_wait3A_233 : memref<100100x128xf32, #tpu.memory_space<hbm>>) dst(%arg15 : memref<64x128xf32, #tpu.memory_space<vmem>>)
    %dma_wait3A_234 = arith.constant 2 : i32
    %dma_wait3A_235 = arith.constant 64 : i32
    %dma_wait3A_236 = tpu.memref_slice %arg10[%dma_wait3A_234, %dma_wait3A_235] : memref<4x128xi32, #tpu.memory_space<vmem>> -> memref<1x64xi32, #tpu.memory_space<vmem>>
    %dma_wait3A_237 = tpu.memref_squeeze %dma_wait3A_236 : memref<1x64xi32, #tpu.memory_space<vmem>> -> memref<64xi32, #tpu.memory_space<vmem>>
    %dma_wait3A_238 = arith.constant 0 : i32
    %dma_wait3A_239 = arith.constant 0 : i32
    %dma_wait3A_240 = tpu.memref_slice %arg5[%dma_wait3A_238, %dma_wait3A_239] : memref<100000x128xf32, #tpu.memory_space<hbm>> -> memref<100000x128xf32, #tpu.memory_space<hbm>>
    tpu.wait_indirect_dma semaphore(%arg25 : memref<!tpu.dma_semaphore, #tpu.memory_space<semaphore_mem>>) src(%dma_wait3A_240 : memref<100000x128xf32, #tpu.memory_space<hbm>>) dst(%arg16 : memref<64x128xf32, #tpu.memory_space<vmem>>)
    %scan3A_241 = arith.constant 0 : i32
    %scan3A_242 = arith.constant 64 : i32
    %scan3A_243 = arith.addi %scan3A_241, %scan3A_242 : i32
    %scan3A_244 = arith.constant 1 : i32
    %scan3A_245:8 = scf.for %scan3A_1448 = %scan3A_241 to %scan3A_243 step %scan3A_244 iter_args(%scan3A_1449 = %scan3A_211#0, %scan3A_1450 = %scan3A_211#1, %scan3A_1451 = %scan3A_211#2, %scan3A_1452 = %scan3A_211#3, %scan3A_1453 = %scan3A_211#4, %scan3A_1454 = %scan3A_211#5, %scan3A_1455 = %scan3A_211#6, %scan3A_1456 = %scan3A_211#7) -> (vector<16xf32>, vector<16xf32>, vector<16xf32>, vector<16xf32>, vector<16xf32>, vector<16xf32>, vector<16xf32>, vector<16xf32>)  : i32 {
      %get3A_1457 = arith.index_cast %scan3A_1448 : i32 to index
      %get3A_1458 = arith.constant 0 : index
      %get3A_1459 = tpu.vector_load %arg15[%get3A_1457, %get3A_1458] {strides = array<i32>} : memref<64x128xf32, #tpu.memory_space<vmem>>, vector<1x16xf32>,
      %get3A_1460 = vector.shape_cast %get3A_1459 : vector<1x16xf32> to vector<16xf32>
      %get3A_1461 = arith.index_cast %scan3A_1448 : i32 to index
      %get3A_1462 = arith.constant 0 : index
      %get3A_1463 = tpu.vector_load %arg16[%get3A_1461, %get3A_1462] {strides = array<i32>} : memref<64x128xf32, #tpu.memory_space<vmem>>, vector<1x16xf32>,
      %get3A_1464 = vector.shape_cast %get3A_1463 : vector<1x16xf32> to vector<16xf32>
      %mul3A_1465 = arith.mulf %get3A_1460, %get3A_1464 : vector<16xf32>
      %add3A_1466 = arith.addf %scan3A_1449, %mul3A_1465 : vector<16xf32>
      %get3A_1467 = arith.index_cast %scan3A_1448 : i32 to index
      %get3A_1468 = arith.constant 16 : index
      %get3A_1469 = tpu.vector_load %arg15[%get3A_1467, %get3A_1468] {strides = array<i32>} : memref<64x128xf32, #tpu.memory_space<vmem>>, vector<1x16xf32>,
      %get3A_1470 = vector.shape_cast %get3A_1469 : vector<1x16xf32> to vector<16xf32>
      %get3A_1471 = arith.index_cast %scan3A_1448 : i32 to index
      %get3A_1472 = arith.constant 16 : index
      %get3A_1473 = tpu.vector_load %arg16[%get3A_1471, %get3A_1472] {strides = array<i32>} : memref<64x128xf32, #tpu.memory_space<vmem>>, vector<1x16xf32>,
      %get3A_1474 = vector.shape_cast %get3A_1473 : vector<1x16xf32> to vector<16xf32>
      %mul3A_1475 = arith.mulf %get3A_1470, %get3A_1474 : vector<16xf32>
      %add3A_1476 = arith.addf %scan3A_1450, %mul3A_1475 : vector<16xf32>
      %get3A_1477 = arith.index_cast %scan3A_1448 : i32 to index
      %get3A_1478 = arith.constant 32 : index
      %get3A_1479 = tpu.vector_load %arg15[%get3A_1477, %get3A_1478] {strides = array<i32>} : memref<64x128xf32, #tpu.memory_space<vmem>>, vector<1x16xf32>,
      %get3A_1480 = vector.shape_cast %get3A_1479 : vector<1x16xf32> to vector<16xf32>
      %get3A_1481 = arith.index_cast %scan3A_1448 : i32 to index
      %get3A_1482 = arith.constant 32 : index
      %get3A_1483 = tpu.vector_load %arg16[%get3A_1481, %get3A_1482] {strides = array<i32>} : memref<64x128xf32, #tpu.memory_space<vmem>>, vector<1x16xf32>,
      %get3A_1484 = vector.shape_cast %get3A_1483 : vector<1x16xf32> to vector<16xf32>
      %mul3A_1485 = arith.mulf %get3A_1480, %get3A_1484 : vector<16xf32>
      %add3A_1486 = arith.addf %scan3A_1451, %mul3A_1485 : vector<16xf32>
      %get3A_1487 = arith.index_cast %scan3A_1448 : i32 to index
      %get3A_1488 = arith.constant 48 : index
      %get3A_1489 = tpu.vector_load %arg15[%get3A_1487, %get3A_1488] {strides = array<i32>} : memref<64x128xf32, #tpu.memory_space<vmem>>, vector<1x16xf32>,
      %get3A_1490 = vector.shape_cast %get3A_1489 : vector<1x16xf32> to vector<16xf32>
      %get3A_1491 = arith.index_cast %scan3A_1448 : i32 to index
      %get3A_1492 = arith.constant 48 : index
      %get3A_1493 = tpu.vector_load %arg16[%get3A_1491, %get3A_1492] {strides = array<i32>} : memref<64x128xf32, #tpu.memory_space<vmem>>, vector<1x16xf32>,
      %get3A_1494 = vector.shape_cast %get3A_1493 : vector<1x16xf32> to vector<16xf32>
      %mul3A_1495 = arith.mulf %get3A_1490, %get3A_1494 : vector<16xf32>
      %add3A_1496 = arith.addf %scan3A_1452, %mul3A_1495 : vector<16xf32>
      %get3A_1497 = arith.index_cast %scan3A_1448 : i32 to index
      %get3A_1498 = arith.constant 64 : index
      %get3A_1499 = tpu.vector_load %arg15[%get3A_1497, %get3A_1498] {strides = array<i32>} : memref<64x128xf32, #tpu.memory_space<vmem>>, vector<1x16xf32>,
      %get3A_1500 = vector.shape_cast %get3A_1499 : vector<1x16xf32> to vector<16xf32>
      %get3A_1501 = arith.index_cast %scan3A_1448 : i32 to index
      %get3A_1502 = arith.constant 64 : index
      %get3A_1503 = tpu.vector_load %arg16[%get3A_1501, %get3A_1502] {strides = array<i32>} : memref<64x128xf32, #tpu.memory_space<vmem>>, vector<1x16xf32>,
      %get3A_1504 = vector.shape_cast %get3A_1503 : vector<1x16xf32> to vector<16xf32>
      %mul3A_1505 = arith.mulf %get3A_1500, %get3A_1504 : vector<16xf32>
      %add3A_1506 = arith.addf %scan3A_1453, %mul3A_1505 : vector<16xf32>
      %get3A_1507 = arith.index_cast %scan3A_1448 : i32 to index
      %get3A_1508 = arith.constant 80 : index
      %get3A_1509 = tpu.vector_load %arg15[%get3A_1507, %get3A_1508] {strides = array<i32>} : memref<64x128xf32, #tpu.memory_space<vmem>>, vector<1x16xf32>,
      %get3A_1510 = vector.shape_cast %get3A_1509 : vector<1x16xf32> to vector<16xf32>
      %get3A_1511 = arith.index_cast %scan3A_1448 : i32 to index
      %get3A_1512 = arith.constant 80 : index
      %get3A_1513 = tpu.vector_load %arg16[%get3A_1511, %get3A_1512] {strides = array<i32>} : memref<64x128xf32, #tpu.memory_space<vmem>>, vector<1x16xf32>,
      %get3A_1514 = vector.shape_cast %get3A_1513 : vector<1x16xf32> to vector<16xf32>
      %mul3A_1515 = arith.mulf %get3A_1510, %get3A_1514 : vector<16xf32>
      %add3A_1516 = arith.addf %scan3A_1454, %mul3A_1515 : vector<16xf32>
      %get3A_1517 = arith.index_cast %scan3A_1448 : i32 to index
      %get3A_1518 = arith.constant 96 : index
      %get3A_1519 = tpu.vector_load %arg15[%get3A_1517, %get3A_1518] {strides = array<i32>} : memref<64x128xf32, #tpu.memory_space<vmem>>, vector<1x16xf32>,
      %get3A_1520 = vector.shape_cast %get3A_1519 : vector<1x16xf32> to vector<16xf32>
      %get3A_1521 = arith.index_cast %scan3A_1448 : i32 to index
      %get3A_1522 = arith.constant 96 : index
      %get3A_1523 = tpu.vector_load %arg16[%get3A_1521, %get3A_1522] {strides = array<i32>} : memref<64x128xf32, #tpu.memory_space<vmem>>, vector<1x16xf32>,
      %get3A_1524 = vector.shape_cast %get3A_1523 : vector<1x16xf32> to vector<16xf32>
      %mul3A_1525 = arith.mulf %get3A_1520, %get3A_1524 : vector<16xf32>
      %add3A_1526 = arith.addf %scan3A_1455, %mul3A_1525 : vector<16xf32>
      %get3A_1527 = arith.index_cast %scan3A_1448 : i32 to index
      %get3A_1528 = arith.constant 112 : index
      %get3A_1529 = tpu.vector_load %arg15[%get3A_1527, %get3A_1528] {strides = array<i32>} : memref<64x128xf32, #tpu.memory_space<vmem>>, vector<1x16xf32>,
      %get3A_1530 = vector.shape_cast %get3A_1529 : vector<1x16xf32> to vector<16xf32>
      %get3A_1531 = arith.index_cast %scan3A_1448 : i32 to index
      %get3A_1532 = arith.constant 112 : index
      %get3A_1533 = tpu.vector_load %arg16[%get3A_1531, %get3A_1532] {strides = array<i32>} : memref<64x128xf32, #tpu.memory_space<vmem>>, vector<1x16xf32>,
      %get3A_1534 = vector.shape_cast %get3A_1533 : vector<1x16xf32> to vector<16xf32>
      %mul3A_1535 = arith.mulf %get3A_1530, %get3A_1534 : vector<16xf32>
      %add3A_1536 = arith.addf %scan3A_1456, %mul3A_1535 : vector<16xf32>
      scf.yield %add3A_1466, %add3A_1476, %add3A_1486, %add3A_1496, %add3A_1506, %add3A_1516, %add3A_1526, %add3A_1536 : vector<16xf32>, vector<16xf32>, vector<16xf32>, vector<16xf32>, vector<16xf32>, vector<16xf32>, vector<16xf32>, vector<16xf32>
    }
    %scan3A_246 = arith.constant 64 : i32
    %dma_wait3A_247 = arith.constant 3 : i32
    %dma_wait3A_248 = arith.constant 0 : i32
    %dma_wait3A_249 = tpu.memref_slice %arg9[%dma_wait3A_247, %dma_wait3A_248] : memref<4x128xi32, #tpu.memory_space<vmem>> -> memref<1x64xi32, #tpu.memory_space<vmem>>
    %dma_wait3A_250 = tpu.memref_squeeze %dma_wait3A_249 : memref<1x64xi32, #tpu.memory_space<vmem>> -> memref<64xi32, #tpu.memory_space<vmem>>
    %dma_wait3A_251 = arith.constant 0 : i32
    %dma_wait3A_252 = arith.constant 0 : i32
    %dma_wait3A_253 = tpu.memref_slice %arg4[%dma_wait3A_251, %dma_wait3A_252] : memref<100100x128xf32, #tpu.memory_space<hbm>> -> memref<100100x128xf32, #tpu.memory_space<hbm>>
    tpu.wait_indirect_dma semaphore(%arg20 : memref<!tpu.dma_semaphore, #tpu.memory_space<semaphore_mem>>) src(%dma_wait3A_253 : memref<100100x128xf32, #tpu.memory_space<hbm>>) dst(%arg11 : memref<64x128xf32, #tpu.memory_space<vmem>>)
    %dma_wait3A_254 = arith.constant 3 : i32
    %dma_wait3A_255 = arith.constant 0 : i32
    %dma_wait3A_256 = tpu.memref_slice %arg10[%dma_wait3A_254, %dma_wait3A_255] : memref<4x128xi32, #tpu.memory_space<vmem>> -> memref<1x64xi32, #tpu.memory_space<vmem>>
    %dma_wait3A_257 = tpu.memref_squeeze %dma_wait3A_256 : memref<1x64xi32, #tpu.memory_space<vmem>> -> memref<64xi32, #tpu.memory_space<vmem>>
    %dma_wait3A_258 = arith.constant 0 : i32
    %dma_wait3A_259 = arith.constant 0 : i32
    %dma_wait3A_260 = tpu.memref_slice %arg5[%dma_wait3A_258, %dma_wait3A_259] : memref<100000x128xf32, #tpu.memory_space<hbm>> -> memref<100000x128xf32, #tpu.memory_space<hbm>>
    tpu.wait_indirect_dma semaphore(%arg21 : memref<!tpu.dma_semaphore, #tpu.memory_space<semaphore_mem>>) src(%dma_wait3A_260 : memref<100000x128xf32, #tpu.memory_space<hbm>>) dst(%arg12 : memref<64x128xf32, #tpu.memory_space<vmem>>)
    %dma_start3A_261 = arith.constant 0 : i32
    %dma_start3A_262 = arith.constant 0 : i32
    %dma_start3A_263 = arith.constant 0 : i32
    %dma_start3A_264 = tpu.memref_slice %arg17[%dma_start3A_262, %dma_start3A_263] : memref<4x128xf32, #tpu.memory_space<vmem>> -> memref<1x128xf32, #tpu.memory_space<vmem>>
    %dma_start3A_265 = tpu.memref_squeeze %dma_start3A_264 : memref<1x128xf32, #tpu.memory_space<vmem>> -> memref<128xf32, #tpu.memory_space<vmem>>
    %dma_start3A_266 = arith.constant 0 : i32
    %dma_start3A_267 = tpu.memref_slice %arg9[%dma_start3A_261, %dma_start3A_266] : memref<4x128xi32, #tpu.memory_space<vmem>> -> memref<1x128xi32, #tpu.memory_space<vmem>>
    %dma_start3A_268 = tpu.memref_squeeze %dma_start3A_267 : memref<1x128xi32, #tpu.memory_space<vmem>> -> memref<128xi32, #tpu.memory_space<vmem>>
    %dma_start3A_269 = arith.constant 0 : i32
    %dma_start3A_270 = tpu.memref_slice %arg6[%dma_start3A_269] : memref<200100xf32, #tpu.memory_space<hbm>> -> memref<200100xf32, #tpu.memory_space<hbm>>
    tpu.enqueue_indirect_dma source(%dma_start3A_270 : memref<200100xf32, #tpu.memory_space<hbm>>) target(%dma_start3A_265 : memref<128xf32, #tpu.memory_space<vmem>>) offsets(%dma_start3A_268 : memref<128xi32, #tpu.memory_space<vmem>>) semaphore(%arg26 : memref<!tpu.dma_semaphore, #tpu.memory_space<semaphore_mem>>)
    %dma_start3A_271 = arith.constant 1 : i32
    %dma_start3A_272 = arith.constant 1 : i32
    %dma_start3A_273 = arith.constant 0 : i32
    %dma_start3A_274 = tpu.memref_slice %arg17[%dma_start3A_272, %dma_start3A_273] : memref<4x128xf32, #tpu.memory_space<vmem>> -> memref<1x128xf32, #tpu.memory_space<vmem>>
    %dma_start3A_275 = tpu.memref_squeeze %dma_start3A_274 : memref<1x128xf32, #tpu.memory_space<vmem>> -> memref<128xf32, #tpu.memory_space<vmem>>
    %dma_start3A_276 = arith.constant 0 : i32
    %dma_start3A_277 = tpu.memref_slice %arg9[%dma_start3A_271, %dma_start3A_276] : memref<4x128xi32, #tpu.memory_space<vmem>> -> memref<1x128xi32, #tpu.memory_space<vmem>>
    %dma_start3A_278 = tpu.memref_squeeze %dma_start3A_277 : memref<1x128xi32, #tpu.memory_space<vmem>> -> memref<128xi32, #tpu.memory_space<vmem>>
    %dma_start3A_279 = arith.constant 0 : i32
    %dma_start3A_280 = tpu.memref_slice %arg6[%dma_start3A_279] : memref<200100xf32, #tpu.memory_space<hbm>> -> memref<200100xf32, #tpu.memory_space<hbm>>
    tpu.enqueue_indirect_dma source(%dma_start3A_280 : memref<200100xf32, #tpu.memory_space<hbm>>) target(%dma_start3A_275 : memref<128xf32, #tpu.memory_space<vmem>>) offsets(%dma_start3A_278 : memref<128xi32, #tpu.memory_space<vmem>>) semaphore(%arg26 : memref<!tpu.dma_semaphore, #tpu.memory_space<semaphore_mem>>)
    %dma_start3A_281 = arith.constant 2 : i32
    %dma_start3A_282 = arith.constant 2 : i32
    %dma_start3A_283 = arith.constant 0 : i32
    %dma_start3A_284 = tpu.memref_slice %arg17[%dma_start3A_282, %dma_start3A_283] : memref<4x128xf32, #tpu.memory_space<vmem>> -> memref<1x128xf32, #tpu.memory_space<vmem>>
    %dma_start3A_285 = tpu.memref_squeeze %dma_start3A_284 : memref<1x128xf32, #tpu.memory_space<vmem>> -> memref<128xf32, #tpu.memory_space<vmem>>
    %dma_start3A_286 = arith.constant 0 : i32
    %dma_start3A_287 = tpu.memref_slice %arg9[%dma_start3A_281, %dma_start3A_286] : memref<4x128xi32, #tpu.memory_space<vmem>> -> memref<1x128xi32, #tpu.memory_space<vmem>>
    %dma_start3A_288 = tpu.memref_squeeze %dma_start3A_287 : memref<1x128xi32, #tpu.memory_space<vmem>> -> memref<128xi32, #tpu.memory_space<vmem>>
    %dma_start3A_289 = arith.constant 0 : i32
    %dma_start3A_290 = tpu.memref_slice %arg6[%dma_start3A_289] : memref<200100xf32, #tpu.memory_space<hbm>> -> memref<200100xf32, #tpu.memory_space<hbm>>
    tpu.enqueue_indirect_dma source(%dma_start3A_290 : memref<200100xf32, #tpu.memory_space<hbm>>) target(%dma_start3A_285 : memref<128xf32, #tpu.memory_space<vmem>>) offsets(%dma_start3A_288 : memref<128xi32, #tpu.memory_space<vmem>>) semaphore(%arg26 : memref<!tpu.dma_semaphore, #tpu.memory_space<semaphore_mem>>)
    %dma_start3A_291 = arith.constant 3 : i32
    %dma_start3A_292 = arith.constant 3 : i32
    %dma_start3A_293 = arith.constant 0 : i32
    %dma_start3A_294 = tpu.memref_slice %arg17[%dma_start3A_292, %dma_start3A_293] : memref<4x128xf32, #tpu.memory_space<vmem>> -> memref<1x128xf32, #tpu.memory_space<vmem>>
    %dma_start3A_295 = tpu.memref_squeeze %dma_start3A_294 : memref<1x128xf32, #tpu.memory_space<vmem>> -> memref<128xf32, #tpu.memory_space<vmem>>
    %dma_start3A_296 = arith.constant 0 : i32
    %dma_start3A_297 = tpu.memref_slice %arg9[%dma_start3A_291, %dma_start3A_296] : memref<4x128xi32, #tpu.memory_space<vmem>> -> memref<1x128xi32, #tpu.memory_space<vmem>>
    %dma_start3A_298 = tpu.memref_squeeze %dma_start3A_297 : memref<1x128xi32, #tpu.memory_space<vmem>> -> memref<128xi32, #tpu.memory_space<vmem>>
    %dma_start3A_299 = arith.constant 0 : i32
    %dma_start3A_300 = tpu.memref_slice %arg6[%dma_start3A_299] : memref<200100xf32, #tpu.memory_space<hbm>> -> memref<200100xf32, #tpu.memory_space<hbm>>
    tpu.enqueue_indirect_dma source(%dma_start3A_300 : memref<200100xf32, #tpu.memory_space<hbm>>) target(%dma_start3A_295 : memref<128xf32, #tpu.memory_space<vmem>>) offsets(%dma_start3A_298 : memref<128xi32, #tpu.memory_space<vmem>>) semaphore(%arg26 : memref<!tpu.dma_semaphore, #tpu.memory_space<semaphore_mem>>)
    %scan3A_301 = arith.constant 0 : i32
    %scan3A_302 = arith.constant 64 : i32
    %scan3A_303 = arith.addi %scan3A_301, %scan3A_302 : i32
    %scan3A_304 = arith.constant 1 : i32
    %scan3A_305:8 = scf.for %scan3A_1448 = %scan3A_301 to %scan3A_303 step %scan3A_304 iter_args(%scan3A_1449 = %scan3A_245#0, %scan3A_1450 = %scan3A_245#1, %scan3A_1451 = %scan3A_245#2, %scan3A_1452 = %scan3A_245#3, %scan3A_1453 = %scan3A_245#4, %scan3A_1454 = %scan3A_245#5, %scan3A_1455 = %scan3A_245#6, %scan3A_1456 = %scan3A_245#7) -> (vector<16xf32>, vector<16xf32>, vector<16xf32>, vector<16xf32>, vector<16xf32>, vector<16xf32>, vector<16xf32>, vector<16xf32>)  : i32 {
      %get3A_1457 = arith.index_cast %scan3A_1448 : i32 to index
      %get3A_1458 = arith.constant 0 : index
      %get3A_1459 = tpu.vector_load %arg11[%get3A_1457, %get3A_1458] {strides = array<i32>} : memref<64x128xf32, #tpu.memory_space<vmem>>, vector<1x16xf32>,
      %get3A_1460 = vector.shape_cast %get3A_1459 : vector<1x16xf32> to vector<16xf32>
      %get3A_1461 = arith.index_cast %scan3A_1448 : i32 to index
      %get3A_1462 = arith.constant 0 : index
      %get3A_1463 = tpu.vector_load %arg12[%get3A_1461, %get3A_1462] {strides = array<i32>} : memref<64x128xf32, #tpu.memory_space<vmem>>, vector<1x16xf32>,
      %get3A_1464 = vector.shape_cast %get3A_1463 : vector<1x16xf32> to vector<16xf32>
      %mul3A_1465 = arith.mulf %get3A_1460, %get3A_1464 : vector<16xf32>
      %add3A_1466 = arith.addf %scan3A_1449, %mul3A_1465 : vector<16xf32>
      %get3A_1467 = arith.index_cast %scan3A_1448 : i32 to index
      %get3A_1468 = arith.constant 16 : index
      %get3A_1469 = tpu.vector_load %arg11[%get3A_1467, %get3A_1468] {strides = array<i32>} : memref<64x128xf32, #tpu.memory_space<vmem>>, vector<1x16xf32>,
      %get3A_1470 = vector.shape_cast %get3A_1469 : vector<1x16xf32> to vector<16xf32>
      %get3A_1471 = arith.index_cast %scan3A_1448 : i32 to index
      %get3A_1472 = arith.constant 16 : index
      %get3A_1473 = tpu.vector_load %arg12[%get3A_1471, %get3A_1472] {strides = array<i32>} : memref<64x128xf32, #tpu.memory_space<vmem>>, vector<1x16xf32>,
      %get3A_1474 = vector.shape_cast %get3A_1473 : vector<1x16xf32> to vector<16xf32>
      %mul3A_1475 = arith.mulf %get3A_1470, %get3A_1474 : vector<16xf32>
      %add3A_1476 = arith.addf %scan3A_1450, %mul3A_1475 : vector<16xf32>
      %get3A_1477 = arith.index_cast %scan3A_1448 : i32 to index
      %get3A_1478 = arith.constant 32 : index
      %get3A_1479 = tpu.vector_load %arg11[%get3A_1477, %get3A_1478] {strides = array<i32>} : memref<64x128xf32, #tpu.memory_space<vmem>>, vector<1x16xf32>,
      %get3A_1480 = vector.shape_cast %get3A_1479 : vector<1x16xf32> to vector<16xf32>
      %get3A_1481 = arith.index_cast %scan3A_1448 : i32 to index
      %get3A_1482 = arith.constant 32 : index
      %get3A_1483 = tpu.vector_load %arg12[%get3A_1481, %get3A_1482] {strides = array<i32>} : memref<64x128xf32, #tpu.memory_space<vmem>>, vector<1x16xf32>,
      %get3A_1484 = vector.shape_cast %get3A_1483 : vector<1x16xf32> to vector<16xf32>
      %mul3A_1485 = arith.mulf %get3A_1480, %get3A_1484 : vector<16xf32>
      %add3A_1486 = arith.addf %scan3A_1451, %mul3A_1485 : vector<16xf32>
      %get3A_1487 = arith.index_cast %scan3A_1448 : i32 to index
      %get3A_1488 = arith.constant 48 : index
      %get3A_1489 = tpu.vector_load %arg11[%get3A_1487, %get3A_1488] {strides = array<i32>} : memref<64x128xf32, #tpu.memory_space<vmem>>, vector<1x16xf32>,
      %get3A_1490 = vector.shape_cast %get3A_1489 : vector<1x16xf32> to vector<16xf32>
      %get3A_1491 = arith.index_cast %scan3A_1448 : i32 to index
      %get3A_1492 = arith.constant 48 : index
      %get3A_1493 = tpu.vector_load %arg12[%get3A_1491, %get3A_1492] {strides = array<i32>} : memref<64x128xf32, #tpu.memory_space<vmem>>, vector<1x16xf32>,
      %get3A_1494 = vector.shape_cast %get3A_1493 : vector<1x16xf32> to vector<16xf32>
      %mul3A_1495 = arith.mulf %get3A_1490, %get3A_1494 : vector<16xf32>
      %add3A_1496 = arith.addf %scan3A_1452, %mul3A_1495 : vector<16xf32>
      %get3A_1497 = arith.index_cast %scan3A_1448 : i32 to index
      %get3A_1498 = arith.constant 64 : index
      %get3A_1499 = tpu.vector_load %arg11[%get3A_1497, %get3A_1498] {strides = array<i32>} : memref<64x128xf32, #tpu.memory_space<vmem>>, vector<1x16xf32>,
      %get3A_1500 = vector.shape_cast %get3A_1499 : vector<1x16xf32> to vector<16xf32>
      %get3A_1501 = arith.index_cast %scan3A_1448 : i32 to index
      %get3A_1502 = arith.constant 64 : index
      %get3A_1503 = tpu.vector_load %arg12[%get3A_1501, %get3A_1502] {strides = array<i32>} : memref<64x128xf32, #tpu.memory_space<vmem>>, vector<1x16xf32>,
      %get3A_1504 = vector.shape_cast %get3A_1503 : vector<1x16xf32> to vector<16xf32>
      %mul3A_1505 = arith.mulf %get3A_1500, %get3A_1504 : vector<16xf32>
      %add3A_1506 = arith.addf %scan3A_1453, %mul3A_1505 : vector<16xf32>
      %get3A_1507 = arith.index_cast %scan3A_1448 : i32 to index
      %get3A_1508 = arith.constant 80 : index
      %get3A_1509 = tpu.vector_load %arg11[%get3A_1507, %get3A_1508] {strides = array<i32>} : memref<64x128xf32, #tpu.memory_space<vmem>>, vector<1x16xf32>,
      %get3A_1510 = vector.shape_cast %get3A_1509 : vector<1x16xf32> to vector<16xf32>
      %get3A_1511 = arith.index_cast %scan3A_1448 : i32 to index
      %get3A_1512 = arith.constant 80 : index
      %get3A_1513 = tpu.vector_load %arg12[%get3A_1511, %get3A_1512] {strides = array<i32>} : memref<64x128xf32, #tpu.memory_space<vmem>>, vector<1x16xf32>,
      %get3A_1514 = vector.shape_cast %get3A_1513 : vector<1x16xf32> to vector<16xf32>
      %mul3A_1515 = arith.mulf %get3A_1510, %get3A_1514 : vector<16xf32>
      %add3A_1516 = arith.addf %scan3A_1454, %mul3A_1515 : vector<16xf32>
      %get3A_1517 = arith.index_cast %scan3A_1448 : i32 to index
      %get3A_1518 = arith.constant 96 : index
      %get3A_1519 = tpu.vector_load %arg11[%get3A_1517, %get3A_1518] {strides = array<i32>} : memref<64x128xf32, #tpu.memory_space<vmem>>, vector<1x16xf32>,
      %get3A_1520 = vector.shape_cast %get3A_1519 : vector<1x16xf32> to vector<16xf32>
      %get3A_1521 = arith.index_cast %scan3A_1448 : i32 to index
      %get3A_1522 = arith.constant 96 : index
      %get3A_1523 = tpu.vector_load %arg12[%get3A_1521, %get3A_1522] {strides = array<i32>} : memref<64x128xf32, #tpu.memory_space<vmem>>, vector<1x16xf32>,
      %get3A_1524 = vector.shape_cast %get3A_1523 : vector<1x16xf32> to vector<16xf32>
      %mul3A_1525 = arith.mulf %get3A_1520, %get3A_1524 : vector<16xf32>
      %add3A_1526 = arith.addf %scan3A_1455, %mul3A_1525 : vector<16xf32>
      %get3A_1527 = arith.index_cast %scan3A_1448 : i32 to index
      %get3A_1528 = arith.constant 112 : index
      %get3A_1529 = tpu.vector_load %arg11[%get3A_1527, %get3A_1528] {strides = array<i32>} : memref<64x128xf32, #tpu.memory_space<vmem>>, vector<1x16xf32>,
      %get3A_1530 = vector.shape_cast %get3A_1529 : vector<1x16xf32> to vector<16xf32>
      %get3A_1531 = arith.index_cast %scan3A_1448 : i32 to index
      %get3A_1532 = arith.constant 112 : index
      %get3A_1533 = tpu.vector_load %arg12[%get3A_1531, %get3A_1532] {strides = array<i32>} : memref<64x128xf32, #tpu.memory_space<vmem>>, vector<1x16xf32>,
      %get3A_1534 = vector.shape_cast %get3A_1533 : vector<1x16xf32> to vector<16xf32>
      %mul3A_1535 = arith.mulf %get3A_1530, %get3A_1534 : vector<16xf32>
      %add3A_1536 = arith.addf %scan3A_1456, %mul3A_1535 : vector<16xf32>
      scf.yield %add3A_1466, %add3A_1476, %add3A_1486, %add3A_1496, %add3A_1506, %add3A_1516, %add3A_1526, %add3A_1536 : vector<16xf32>, vector<16xf32>, vector<16xf32>, vector<16xf32>, vector<16xf32>, vector<16xf32>, vector<16xf32>, vector<16xf32>
    }
    %scan3A_306 = arith.constant 64 : i32
    %dma_wait3A_307 = arith.constant 3 : i32
    %dma_wait3A_308 = arith.constant 64 : i32
    %dma_wait3A_309 = tpu.memref_slice %arg9[%dma_wait3A_307, %dma_wait3A_308] : memref<4x128xi32, #tpu.memory_space<vmem>> -> memref<1x64xi32, #tpu.memory_space<vmem>>
    %dma_wait3A_310 = tpu.memref_squeeze %dma_wait3A_309 : memref<1x64xi32, #tpu.memory_space<vmem>> -> memref<64xi32, #tpu.memory_space<vmem>>
    %dma_wait3A_311 = arith.constant 0 : i32
    %dma_wait3A_312 = arith.constant 0 : i32
    %dma_wait3A_313 = tpu.memref_slice %arg4[%dma_wait3A_311, %dma_wait3A_312] : memref<100100x128xf32, #tpu.memory_space<hbm>> -> memref<100100x128xf32, #tpu.memory_space<hbm>>
    tpu.wait_indirect_dma semaphore(%arg22 : memref<!tpu.dma_semaphore, #tpu.memory_space<semaphore_mem>>) src(%dma_wait3A_313 : memref<100100x128xf32, #tpu.memory_space<hbm>>) dst(%arg13 : memref<64x128xf32, #tpu.memory_space<vmem>>)
    %dma_wait3A_314 = arith.constant 3 : i32
    %dma_wait3A_315 = arith.constant 64 : i32
    %dma_wait3A_316 = tpu.memref_slice %arg10[%dma_wait3A_314, %dma_wait3A_315] : memref<4x128xi32, #tpu.memory_space<vmem>> -> memref<1x64xi32, #tpu.memory_space<vmem>>
    %dma_wait3A_317 = tpu.memref_squeeze %dma_wait3A_316 : memref<1x64xi32, #tpu.memory_space<vmem>> -> memref<64xi32, #tpu.memory_space<vmem>>
    %dma_wait3A_318 = arith.constant 0 : i32
    %dma_wait3A_319 = arith.constant 0 : i32
    %dma_wait3A_320 = tpu.memref_slice %arg5[%dma_wait3A_318, %dma_wait3A_319] : memref<100000x128xf32, #tpu.memory_space<hbm>> -> memref<100000x128xf32, #tpu.memory_space<hbm>>
    tpu.wait_indirect_dma semaphore(%arg23 : memref<!tpu.dma_semaphore, #tpu.memory_space<semaphore_mem>>) src(%dma_wait3A_320 : memref<100000x128xf32, #tpu.memory_space<hbm>>) dst(%arg14 : memref<64x128xf32, #tpu.memory_space<vmem>>)
    %get3A = arith.constant 0 : i32
    %get3A_321 = arith.index_cast %get3A : i32 to index
    %get3A_322 = arith.constant 0 : index
    %get3A_323 = tpu.vector_load %arg10[%get3A_321, %get3A_322] {strides = array<i32>} : memref<4x128xi32, #tpu.memory_space<vmem>>, vector<1x16xi32>,
    %get3A_324 = vector.shape_cast %get3A_323 : vector<1x16xi32> to vector<16xi32>
    %add3A_325 = arith.constant 100100 : i32
    %add3A_326 = vector.broadcast %add3A_325 : i32 to vector<16xi32>
    %add3A_327 = arith.addi %get3A_324, %add3A_326 : vector<16xi32>
    %swap3A = arith.constant 0 : i32
    %swap3A_328 = arith.index_cast %swap3A : i32 to index
    %swap3A_329 = arith.constant 0 : index
    %swap3A_330 = tpu.vector_load %arg10[%swap3A_328, %swap3A_329] {strides = array<i32>} : memref<4x128xi32, #tpu.memory_space<vmem>>, vector<1x16xi32>,
    %swap3A_331 = vector.shape_cast %swap3A_330 : vector<1x16xi32> to vector<16xi32>
    %swap3A_332 = vector.shape_cast %add3A_327 : vector<16xi32> to vector<1x16xi32>
    tpu.vector_store %arg10[%swap3A_328, %swap3A_329], %swap3A_332 {strides = array<i32>} : memref<4x128xi32, #tpu.memory_space<vmem>>, vector<1x16xi32>,
    %get3A_333 = arith.constant 0 : i32
    %get3A_334 = arith.index_cast %get3A_333 : i32 to index
    %get3A_335 = arith.constant 16 : index
    %get3A_336 = tpu.vector_load %arg10[%get3A_334, %get3A_335] {strides = array<i32>} : memref<4x128xi32, #tpu.memory_space<vmem>>, vector<1x16xi32>,
    %get3A_337 = vector.shape_cast %get3A_336 : vector<1x16xi32> to vector<16xi32>
    %add3A_338 = arith.constant 100100 : i32
    %add3A_339 = vector.broadcast %add3A_338 : i32 to vector<16xi32>
    %add3A_340 = arith.addi %get3A_337, %add3A_339 : vector<16xi32>
    %swap3A_341 = arith.constant 0 : i32
    %swap3A_342 = arith.index_cast %swap3A_341 : i32 to index
    %swap3A_343 = arith.constant 16 : index
    %swap3A_344 = tpu.vector_load %arg10[%swap3A_342, %swap3A_343] {strides = array<i32>} : memref<4x128xi32, #tpu.memory_space<vmem>>, vector<1x16xi32>,
    %swap3A_345 = vector.shape_cast %swap3A_344 : vector<1x16xi32> to vector<16xi32>
    %swap3A_346 = vector.shape_cast %add3A_340 : vector<16xi32> to vector<1x16xi32>
    tpu.vector_store %arg10[%swap3A_342, %swap3A_343], %swap3A_346 {strides = array<i32>} : memref<4x128xi32, #tpu.memory_space<vmem>>, vector<1x16xi32>,
    %get3A_347 = arith.constant 0 : i32
    %get3A_348 = arith.index_cast %get3A_347 : i32 to index
    %get3A_349 = arith.constant 32 : index
    %get3A_350 = tpu.vector_load %arg10[%get3A_348, %get3A_349] {strides = array<i32>} : memref<4x128xi32, #tpu.memory_space<vmem>>, vector<1x16xi32>,
    %get3A_351 = vector.shape_cast %get3A_350 : vector<1x16xi32> to vector<16xi32>
    %add3A_352 = arith.constant 100100 : i32
    %add3A_353 = vector.broadcast %add3A_352 : i32 to vector<16xi32>
    %add3A_354 = arith.addi %get3A_351, %add3A_353 : vector<16xi32>
    %swap3A_355 = arith.constant 0 : i32
    %swap3A_356 = arith.index_cast %swap3A_355 : i32 to index
    %swap3A_357 = arith.constant 32 : index
    %swap3A_358 = tpu.vector_load %arg10[%swap3A_356, %swap3A_357] {strides = array<i32>} : memref<4x128xi32, #tpu.memory_space<vmem>>, vector<1x16xi32>,
    %swap3A_359 = vector.shape_cast %swap3A_358 : vector<1x16xi32> to vector<16xi32>
    %swap3A_360 = vector.shape_cast %add3A_354 : vector<16xi32> to vector<1x16xi32>
    tpu.vector_store %arg10[%swap3A_356, %swap3A_357], %swap3A_360 {strides = array<i32>} : memref<4x128xi32, #tpu.memory_space<vmem>>, vector<1x16xi32>,
    %get3A_361 = arith.constant 0 : i32
    %get3A_362 = arith.index_cast %get3A_361 : i32 to index
    %get3A_363 = arith.constant 48 : index
    %get3A_364 = tpu.vector_load %arg10[%get3A_362, %get3A_363] {strides = array<i32>} : memref<4x128xi32, #tpu.memory_space<vmem>>, vector<1x16xi32>,
    %get3A_365 = vector.shape_cast %get3A_364 : vector<1x16xi32> to vector<16xi32>
    %add3A_366 = arith.constant 100100 : i32
    %add3A_367 = vector.broadcast %add3A_366 : i32 to vector<16xi32>
    %add3A_368 = arith.addi %get3A_365, %add3A_367 : vector<16xi32>
    %swap3A_369 = arith.constant 0 : i32
    %swap3A_370 = arith.index_cast %swap3A_369 : i32 to index
    %swap3A_371 = arith.constant 48 : index
    %swap3A_372 = tpu.vector_load %arg10[%swap3A_370, %swap3A_371] {strides = array<i32>} : memref<4x128xi32, #tpu.memory_space<vmem>>, vector<1x16xi32>,
    %swap3A_373 = vector.shape_cast %swap3A_372 : vector<1x16xi32> to vector<16xi32>
    %swap3A_374 = vector.shape_cast %add3A_368 : vector<16xi32> to vector<1x16xi32>
    tpu.vector_store %arg10[%swap3A_370, %swap3A_371], %swap3A_374 {strides = array<i32>} : memref<4x128xi32, #tpu.memory_space<vmem>>, vector<1x16xi32>,
    %get3A_375 = arith.constant 0 : i32
    %get3A_376 = arith.index_cast %get3A_375 : i32 to index
    %get3A_377 = arith.constant 64 : index
    %get3A_378 = tpu.vector_load %arg10[%get3A_376, %get3A_377] {strides = array<i32>} : memref<4x128xi32, #tpu.memory_space<vmem>>, vector<1x16xi32>,
    %get3A_379 = vector.shape_cast %get3A_378 : vector<1x16xi32> to vector<16xi32>
    %add3A_380 = arith.constant 100100 : i32
    %add3A_381 = vector.broadcast %add3A_380 : i32 to vector<16xi32>
    %add3A_382 = arith.addi %get3A_379, %add3A_381 : vector<16xi32>
    %swap3A_383 = arith.constant 0 : i32
    %swap3A_384 = arith.index_cast %swap3A_383 : i32 to index
    %swap3A_385 = arith.constant 64 : index
    %swap3A_386 = tpu.vector_load %arg10[%swap3A_384, %swap3A_385] {strides = array<i32>} : memref<4x128xi32, #tpu.memory_space<vmem>>, vector<1x16xi32>,
    %swap3A_387 = vector.shape_cast %swap3A_386 : vector<1x16xi32> to vector<16xi32>
    %swap3A_388 = vector.shape_cast %add3A_382 : vector<16xi32> to vector<1x16xi32>
    tpu.vector_store %arg10[%swap3A_384, %swap3A_385], %swap3A_388 {strides = array<i32>} : memref<4x128xi32, #tpu.memory_space<vmem>>, vector<1x16xi32>,
    %get3A_389 = arith.constant 0 : i32
    %get3A_390 = arith.index_cast %get3A_389 : i32 to index
    %get3A_391 = arith.constant 80 : index
    %get3A_392 = tpu.vector_load %arg10[%get3A_390, %get3A_391] {strides = array<i32>} : memref<4x128xi32, #tpu.memory_space<vmem>>, vector<1x16xi32>,
    %get3A_393 = vector.shape_cast %get3A_392 : vector<1x16xi32> to vector<16xi32>
    %add3A_394 = arith.constant 100100 : i32
    %add3A_395 = vector.broadcast %add3A_394 : i32 to vector<16xi32>
    %add3A_396 = arith.addi %get3A_393, %add3A_395 : vector<16xi32>
    %swap3A_397 = arith.constant 0 : i32
    %swap3A_398 = arith.index_cast %swap3A_397 : i32 to index
    %swap3A_399 = arith.constant 80 : index
    %swap3A_400 = tpu.vector_load %arg10[%swap3A_398, %swap3A_399] {strides = array<i32>} : memref<4x128xi32, #tpu.memory_space<vmem>>, vector<1x16xi32>,
    %swap3A_401 = vector.shape_cast %swap3A_400 : vector<1x16xi32> to vector<16xi32>
    %swap3A_402 = vector.shape_cast %add3A_396 : vector<16xi32> to vector<1x16xi32>
    tpu.vector_store %arg10[%swap3A_398, %swap3A_399], %swap3A_402 {strides = array<i32>} : memref<4x128xi32, #tpu.memory_space<vmem>>, vector<1x16xi32>,
    %get3A_403 = arith.constant 0 : i32
    %get3A_404 = arith.index_cast %get3A_403 : i32 to index
    %get3A_405 = arith.constant 96 : index
    %get3A_406 = tpu.vector_load %arg10[%get3A_404, %get3A_405] {strides = array<i32>} : memref<4x128xi32, #tpu.memory_space<vmem>>, vector<1x16xi32>,
    %get3A_407 = vector.shape_cast %get3A_406 : vector<1x16xi32> to vector<16xi32>
    %add3A_408 = arith.constant 100100 : i32
    %add3A_409 = vector.broadcast %add3A_408 : i32 to vector<16xi32>
    %add3A_410 = arith.addi %get3A_407, %add3A_409 : vector<16xi32>
    %swap3A_411 = arith.constant 0 : i32
    %swap3A_412 = arith.index_cast %swap3A_411 : i32 to index
    %swap3A_413 = arith.constant 96 : index
    %swap3A_414 = tpu.vector_load %arg10[%swap3A_412, %swap3A_413] {strides = array<i32>} : memref<4x128xi32, #tpu.memory_space<vmem>>, vector<1x16xi32>,
    %swap3A_415 = vector.shape_cast %swap3A_414 : vector<1x16xi32> to vector<16xi32>
    %swap3A_416 = vector.shape_cast %add3A_410 : vector<16xi32> to vector<1x16xi32>
    tpu.vector_store %arg10[%swap3A_412, %swap3A_413], %swap3A_416 {strides = array<i32>} : memref<4x128xi32, #tpu.memory_space<vmem>>, vector<1x16xi32>,
    %get3A_417 = arith.constant 0 : i32
    %get3A_418 = arith.index_cast %get3A_417 : i32 to index
    %get3A_419 = arith.constant 112 : index
    %get3A_420 = tpu.vector_load %arg10[%get3A_418, %get3A_419] {strides = array<i32>} : memref<4x128xi32, #tpu.memory_space<vmem>>, vector<1x16xi32>,
    %get3A_421 = vector.shape_cast %get3A_420 : vector<1x16xi32> to vector<16xi32>
    %add3A_422 = arith.constant 100100 : i32
    %add3A_423 = vector.broadcast %add3A_422 : i32 to vector<16xi32>
    %add3A_424 = arith.addi %get3A_421, %add3A_423 : vector<16xi32>
    %swap3A_425 = arith.constant 0 : i32
    %swap3A_426 = arith.index_cast %swap3A_425 : i32 to index
    %swap3A_427 = arith.constant 112 : index
    %swap3A_428 = tpu.vector_load %arg10[%swap3A_426, %swap3A_427] {strides = array<i32>} : memref<4x128xi32, #tpu.memory_space<vmem>>, vector<1x16xi32>,
    %swap3A_429 = vector.shape_cast %swap3A_428 : vector<1x16xi32> to vector<16xi32>
    %swap3A_430 = vector.shape_cast %add3A_424 : vector<16xi32> to vector<1x16xi32>
    tpu.vector_store %arg10[%swap3A_426, %swap3A_427], %swap3A_430 {strides = array<i32>} : memref<4x128xi32, #tpu.memory_space<vmem>>, vector<1x16xi32>,
    %get3A_431 = arith.constant 1 : i32
    %get3A_432 = arith.index_cast %get3A_431 : i32 to index
    %get3A_433 = arith.constant 0 : index
    %get3A_434 = tpu.vector_load %arg10[%get3A_432, %get3A_433] {strides = array<i32>} : memref<4x128xi32, #tpu.memory_space<vmem>>, vector<1x16xi32>,
    %get3A_435 = vector.shape_cast %get3A_434 : vector<1x16xi32> to vector<16xi32>
    %add3A_436 = arith.constant 100100 : i32
    %add3A_437 = vector.broadcast %add3A_436 : i32 to vector<16xi32>
    %add3A_438 = arith.addi %get3A_435, %add3A_437 : vector<16xi32>
    %swap3A_439 = arith.constant 1 : i32
    %swap3A_440 = arith.index_cast %swap3A_439 : i32 to index
    %swap3A_441 = arith.constant 0 : index
    %swap3A_442 = tpu.vector_load %arg10[%swap3A_440, %swap3A_441] {strides = array<i32>} : memref<4x128xi32, #tpu.memory_space<vmem>>, vector<1x16xi32>,
    %swap3A_443 = vector.shape_cast %swap3A_442 : vector<1x16xi32> to vector<16xi32>
    %swap3A_444 = vector.shape_cast %add3A_438 : vector<16xi32> to vector<1x16xi32>
    tpu.vector_store %arg10[%swap3A_440, %swap3A_441], %swap3A_444 {strides = array<i32>} : memref<4x128xi32, #tpu.memory_space<vmem>>, vector<1x16xi32>,
    %get3A_445 = arith.constant 1 : i32
    %get3A_446 = arith.index_cast %get3A_445 : i32 to index
    %get3A_447 = arith.constant 16 : index
    %get3A_448 = tpu.vector_load %arg10[%get3A_446, %get3A_447] {strides = array<i32>} : memref<4x128xi32, #tpu.memory_space<vmem>>, vector<1x16xi32>,
    %get3A_449 = vector.shape_cast %get3A_448 : vector<1x16xi32> to vector<16xi32>
    %add3A_450 = arith.constant 100100 : i32
    %add3A_451 = vector.broadcast %add3A_450 : i32 to vector<16xi32>
    %add3A_452 = arith.addi %get3A_449, %add3A_451 : vector<16xi32>
    %swap3A_453 = arith.constant 1 : i32
    %swap3A_454 = arith.index_cast %swap3A_453 : i32 to index
    %swap3A_455 = arith.constant 16 : index
    %swap3A_456 = tpu.vector_load %arg10[%swap3A_454, %swap3A_455] {strides = array<i32>} : memref<4x128xi32, #tpu.memory_space<vmem>>, vector<1x16xi32>,
    %swap3A_457 = vector.shape_cast %swap3A_456 : vector<1x16xi32> to vector<16xi32>
    %swap3A_458 = vector.shape_cast %add3A_452 : vector<16xi32> to vector<1x16xi32>
    tpu.vector_store %arg10[%swap3A_454, %swap3A_455], %swap3A_458 {strides = array<i32>} : memref<4x128xi32, #tpu.memory_space<vmem>>, vector<1x16xi32>,
    %get3A_459 = arith.constant 1 : i32
    %get3A_460 = arith.index_cast %get3A_459 : i32 to index
    %get3A_461 = arith.constant 32 : index
    %get3A_462 = tpu.vector_load %arg10[%get3A_460, %get3A_461] {strides = array<i32>} : memref<4x128xi32, #tpu.memory_space<vmem>>, vector<1x16xi32>,
    %get3A_463 = vector.shape_cast %get3A_462 : vector<1x16xi32> to vector<16xi32>
    %add3A_464 = arith.constant 100100 : i32
    %add3A_465 = vector.broadcast %add3A_464 : i32 to vector<16xi32>
    %add3A_466 = arith.addi %get3A_463, %add3A_465 : vector<16xi32>
    %swap3A_467 = arith.constant 1 : i32
    %swap3A_468 = arith.index_cast %swap3A_467 : i32 to index
    %swap3A_469 = arith.constant 32 : index
    %swap3A_470 = tpu.vector_load %arg10[%swap3A_468, %swap3A_469] {strides = array<i32>} : memref<4x128xi32, #tpu.memory_space<vmem>>, vector<1x16xi32>,
    %swap3A_471 = vector.shape_cast %swap3A_470 : vector<1x16xi32> to vector<16xi32>
    %swap3A_472 = vector.shape_cast %add3A_466 : vector<16xi32> to vector<1x16xi32>
    tpu.vector_store %arg10[%swap3A_468, %swap3A_469], %swap3A_472 {strides = array<i32>} : memref<4x128xi32, #tpu.memory_space<vmem>>, vector<1x16xi32>,
    %get3A_473 = arith.constant 1 : i32
    %get3A_474 = arith.index_cast %get3A_473 : i32 to index
    %get3A_475 = arith.constant 48 : index
    %get3A_476 = tpu.vector_load %arg10[%get3A_474, %get3A_475] {strides = array<i32>} : memref<4x128xi32, #tpu.memory_space<vmem>>, vector<1x16xi32>,
    %get3A_477 = vector.shape_cast %get3A_476 : vector<1x16xi32> to vector<16xi32>
    %add3A_478 = arith.constant 100100 : i32
    %add3A_479 = vector.broadcast %add3A_478 : i32 to vector<16xi32>
    %add3A_480 = arith.addi %get3A_477, %add3A_479 : vector<16xi32>
    %swap3A_481 = arith.constant 1 : i32
    %swap3A_482 = arith.index_cast %swap3A_481 : i32 to index
    %swap3A_483 = arith.constant 48 : index
    %swap3A_484 = tpu.vector_load %arg10[%swap3A_482, %swap3A_483] {strides = array<i32>} : memref<4x128xi32, #tpu.memory_space<vmem>>, vector<1x16xi32>,
    %swap3A_485 = vector.shape_cast %swap3A_484 : vector<1x16xi32> to vector<16xi32>
    %swap3A_486 = vector.shape_cast %add3A_480 : vector<16xi32> to vector<1x16xi32>
    tpu.vector_store %arg10[%swap3A_482, %swap3A_483], %swap3A_486 {strides = array<i32>} : memref<4x128xi32, #tpu.memory_space<vmem>>, vector<1x16xi32>,
    %get3A_487 = arith.constant 1 : i32
    %get3A_488 = arith.index_cast %get3A_487 : i32 to index
    %get3A_489 = arith.constant 64 : index
    %get3A_490 = tpu.vector_load %arg10[%get3A_488, %get3A_489] {strides = array<i32>} : memref<4x128xi32, #tpu.memory_space<vmem>>, vector<1x16xi32>,
    %get3A_491 = vector.shape_cast %get3A_490 : vector<1x16xi32> to vector<16xi32>
    %add3A_492 = arith.constant 100100 : i32
    %add3A_493 = vector.broadcast %add3A_492 : i32 to vector<16xi32>
    %add3A_494 = arith.addi %get3A_491, %add3A_493 : vector<16xi32>
    %swap3A_495 = arith.constant 1 : i32
    %swap3A_496 = arith.index_cast %swap3A_495 : i32 to index
    %swap3A_497 = arith.constant 64 : index
    %swap3A_498 = tpu.vector_load %arg10[%swap3A_496, %swap3A_497] {strides = array<i32>} : memref<4x128xi32, #tpu.memory_space<vmem>>, vector<1x16xi32>,
    %swap3A_499 = vector.shape_cast %swap3A_498 : vector<1x16xi32> to vector<16xi32>
    %swap3A_500 = vector.shape_cast %add3A_494 : vector<16xi32> to vector<1x16xi32>
    tpu.vector_store %arg10[%swap3A_496, %swap3A_497], %swap3A_500 {strides = array<i32>} : memref<4x128xi32, #tpu.memory_space<vmem>>, vector<1x16xi32>,
    %get3A_501 = arith.constant 1 : i32
    %get3A_502 = arith.index_cast %get3A_501 : i32 to index
    %get3A_503 = arith.constant 80 : index
    %get3A_504 = tpu.vector_load %arg10[%get3A_502, %get3A_503] {strides = array<i32>} : memref<4x128xi32, #tpu.memory_space<vmem>>, vector<1x16xi32>,
    %get3A_505 = vector.shape_cast %get3A_504 : vector<1x16xi32> to vector<16xi32>
    %add3A_506 = arith.constant 100100 : i32
    %add3A_507 = vector.broadcast %add3A_506 : i32 to vector<16xi32>
    %add3A_508 = arith.addi %get3A_505, %add3A_507 : vector<16xi32>
    %swap3A_509 = arith.constant 1 : i32
    %swap3A_510 = arith.index_cast %swap3A_509 : i32 to index
    %swap3A_511 = arith.constant 80 : index
    %swap3A_512 = tpu.vector_load %arg10[%swap3A_510, %swap3A_511] {strides = array<i32>} : memref<4x128xi32, #tpu.memory_space<vmem>>, vector<1x16xi32>,
    %swap3A_513 = vector.shape_cast %swap3A_512 : vector<1x16xi32> to vector<16xi32>
    %swap3A_514 = vector.shape_cast %add3A_508 : vector<16xi32> to vector<1x16xi32>
    tpu.vector_store %arg10[%swap3A_510, %swap3A_511], %swap3A_514 {strides = array<i32>} : memref<4x128xi32, #tpu.memory_space<vmem>>, vector<1x16xi32>,
    %get3A_515 = arith.constant 1 : i32
    %get3A_516 = arith.index_cast %get3A_515 : i32 to index
    %get3A_517 = arith.constant 96 : index
    %get3A_518 = tpu.vector_load %arg10[%get3A_516, %get3A_517] {strides = array<i32>} : memref<4x128xi32, #tpu.memory_space<vmem>>, vector<1x16xi32>,
    %get3A_519 = vector.shape_cast %get3A_518 : vector<1x16xi32> to vector<16xi32>
    %add3A_520 = arith.constant 100100 : i32
    %add3A_521 = vector.broadcast %add3A_520 : i32 to vector<16xi32>
    %add3A_522 = arith.addi %get3A_519, %add3A_521 : vector<16xi32>
    %swap3A_523 = arith.constant 1 : i32
    %swap3A_524 = arith.index_cast %swap3A_523 : i32 to index
    %swap3A_525 = arith.constant 96 : index
    %swap3A_526 = tpu.vector_load %arg10[%swap3A_524, %swap3A_525] {strides = array<i32>} : memref<4x128xi32, #tpu.memory_space<vmem>>, vector<1x16xi32>,
    %swap3A_527 = vector.shape_cast %swap3A_526 : vector<1x16xi32> to vector<16xi32>
    %swap3A_528 = vector.shape_cast %add3A_522 : vector<16xi32> to vector<1x16xi32>
    tpu.vector_store %arg10[%swap3A_524, %swap3A_525], %swap3A_528 {strides = array<i32>} : memref<4x128xi32, #tpu.memory_space<vmem>>, vector<1x16xi32>,
    %get3A_529 = arith.constant 1 : i32
    %get3A_530 = arith.index_cast %get3A_529 : i32 to index
    %get3A_531 = arith.constant 112 : index
    %get3A_532 = tpu.vector_load %arg10[%get3A_530, %get3A_531] {strides = array<i32>} : memref<4x128xi32, #tpu.memory_space<vmem>>, vector<1x16xi32>,
    %get3A_533 = vector.shape_cast %get3A_532 : vector<1x16xi32> to vector<16xi32>
    %add3A_534 = arith.constant 100100 : i32
    %add3A_535 = vector.broadcast %add3A_534 : i32 to vector<16xi32>
    %add3A_536 = arith.addi %get3A_533, %add3A_535 : vector<16xi32>
    %swap3A_537 = arith.constant 1 : i32
    %swap3A_538 = arith.index_cast %swap3A_537 : i32 to index
    %swap3A_539 = arith.constant 112 : index
    %swap3A_540 = tpu.vector_load %arg10[%swap3A_538, %swap3A_539] {strides = array<i32>} : memref<4x128xi32, #tpu.memory_space<vmem>>, vector<1x16xi32>,
    %swap3A_541 = vector.shape_cast %swap3A_540 : vector<1x16xi32> to vector<16xi32>
    %swap3A_542 = vector.shape_cast %add3A_536 : vector<16xi32> to vector<1x16xi32>
    tpu.vector_store %arg10[%swap3A_538, %swap3A_539], %swap3A_542 {strides = array<i32>} : memref<4x128xi32, #tpu.memory_space<vmem>>, vector<1x16xi32>,
    %get3A_543 = arith.constant 2 : i32
    %get3A_544 = arith.index_cast %get3A_543 : i32 to index
    %get3A_545 = arith.constant 0 : index
    %get3A_546 = tpu.vector_load %arg10[%get3A_544, %get3A_545] {strides = array<i32>} : memref<4x128xi32, #tpu.memory_space<vmem>>, vector<1x16xi32>,
    %get3A_547 = vector.shape_cast %get3A_546 : vector<1x16xi32> to vector<16xi32>
    %add3A_548 = arith.constant 100100 : i32
    %add3A_549 = vector.broadcast %add3A_548 : i32 to vector<16xi32>
    %add3A_550 = arith.addi %get3A_547, %add3A_549 : vector<16xi32>
    %swap3A_551 = arith.constant 2 : i32
    %swap3A_552 = arith.index_cast %swap3A_551 : i32 to index
    %swap3A_553 = arith.constant 0 : index
    %swap3A_554 = tpu.vector_load %arg10[%swap3A_552, %swap3A_553] {strides = array<i32>} : memref<4x128xi32, #tpu.memory_space<vmem>>, vector<1x16xi32>,
    %swap3A_555 = vector.shape_cast %swap3A_554 : vector<1x16xi32> to vector<16xi32>
    %swap3A_556 = vector.shape_cast %add3A_550 : vector<16xi32> to vector<1x16xi32>
    tpu.vector_store %arg10[%swap3A_552, %swap3A_553], %swap3A_556 {strides = array<i32>} : memref<4x128xi32, #tpu.memory_space<vmem>>, vector<1x16xi32>,
    %get3A_557 = arith.constant 2 : i32
    %get3A_558 = arith.index_cast %get3A_557 : i32 to index
    %get3A_559 = arith.constant 16 : index
    %get3A_560 = tpu.vector_load %arg10[%get3A_558, %get3A_559] {strides = array<i32>} : memref<4x128xi32, #tpu.memory_space<vmem>>, vector<1x16xi32>,
    %get3A_561 = vector.shape_cast %get3A_560 : vector<1x16xi32> to vector<16xi32>
    %add3A_562 = arith.constant 100100 : i32
    %add3A_563 = vector.broadcast %add3A_562 : i32 to vector<16xi32>
    %add3A_564 = arith.addi %get3A_561, %add3A_563 : vector<16xi32>
    %swap3A_565 = arith.constant 2 : i32
    %swap3A_566 = arith.index_cast %swap3A_565 : i32 to index
    %swap3A_567 = arith.constant 16 : index
    %swap3A_568 = tpu.vector_load %arg10[%swap3A_566, %swap3A_567] {strides = array<i32>} : memref<4x128xi32, #tpu.memory_space<vmem>>, vector<1x16xi32>,
    %swap3A_569 = vector.shape_cast %swap3A_568 : vector<1x16xi32> to vector<16xi32>
    %swap3A_570 = vector.shape_cast %add3A_564 : vector<16xi32> to vector<1x16xi32>
    tpu.vector_store %arg10[%swap3A_566, %swap3A_567], %swap3A_570 {strides = array<i32>} : memref<4x128xi32, #tpu.memory_space<vmem>>, vector<1x16xi32>,
    %get3A_571 = arith.constant 2 : i32
    %get3A_572 = arith.index_cast %get3A_571 : i32 to index
    %get3A_573 = arith.constant 32 : index
    %get3A_574 = tpu.vector_load %arg10[%get3A_572, %get3A_573] {strides = array<i32>} : memref<4x128xi32, #tpu.memory_space<vmem>>, vector<1x16xi32>,
    %get3A_575 = vector.shape_cast %get3A_574 : vector<1x16xi32> to vector<16xi32>
    %add3A_576 = arith.constant 100100 : i32
    %add3A_577 = vector.broadcast %add3A_576 : i32 to vector<16xi32>
    %add3A_578 = arith.addi %get3A_575, %add3A_577 : vector<16xi32>
    %swap3A_579 = arith.constant 2 : i32
    %swap3A_580 = arith.index_cast %swap3A_579 : i32 to index
    %swap3A_581 = arith.constant 32 : index
    %swap3A_582 = tpu.vector_load %arg10[%swap3A_580, %swap3A_581] {strides = array<i32>} : memref<4x128xi32, #tpu.memory_space<vmem>>, vector<1x16xi32>,
    %swap3A_583 = vector.shape_cast %swap3A_582 : vector<1x16xi32> to vector<16xi32>
    %swap3A_584 = vector.shape_cast %add3A_578 : vector<16xi32> to vector<1x16xi32>
    tpu.vector_store %arg10[%swap3A_580, %swap3A_581], %swap3A_584 {strides = array<i32>} : memref<4x128xi32, #tpu.memory_space<vmem>>, vector<1x16xi32>,
    %get3A_585 = arith.constant 2 : i32
    %get3A_586 = arith.index_cast %get3A_585 : i32 to index
    %get3A_587 = arith.constant 48 : index
    %get3A_588 = tpu.vector_load %arg10[%get3A_586, %get3A_587] {strides = array<i32>} : memref<4x128xi32, #tpu.memory_space<vmem>>, vector<1x16xi32>,
    %get3A_589 = vector.shape_cast %get3A_588 : vector<1x16xi32> to vector<16xi32>
    %add3A_590 = arith.constant 100100 : i32
    %add3A_591 = vector.broadcast %add3A_590 : i32 to vector<16xi32>
    %add3A_592 = arith.addi %get3A_589, %add3A_591 : vector<16xi32>
    %swap3A_593 = arith.constant 2 : i32
    %swap3A_594 = arith.index_cast %swap3A_593 : i32 to index
    %swap3A_595 = arith.constant 48 : index
    %swap3A_596 = tpu.vector_load %arg10[%swap3A_594, %swap3A_595] {strides = array<i32>} : memref<4x128xi32, #tpu.memory_space<vmem>>, vector<1x16xi32>,
    %swap3A_597 = vector.shape_cast %swap3A_596 : vector<1x16xi32> to vector<16xi32>
    %swap3A_598 = vector.shape_cast %add3A_592 : vector<16xi32> to vector<1x16xi32>
    tpu.vector_store %arg10[%swap3A_594, %swap3A_595], %swap3A_598 {strides = array<i32>} : memref<4x128xi32, #tpu.memory_space<vmem>>, vector<1x16xi32>,
    %get3A_599 = arith.constant 2 : i32
    %get3A_600 = arith.index_cast %get3A_599 : i32 to index
    %get3A_601 = arith.constant 64 : index
    %get3A_602 = tpu.vector_load %arg10[%get3A_600, %get3A_601] {strides = array<i32>} : memref<4x128xi32, #tpu.memory_space<vmem>>, vector<1x16xi32>,
    %get3A_603 = vector.shape_cast %get3A_602 : vector<1x16xi32> to vector<16xi32>
    %add3A_604 = arith.constant 100100 : i32
    %add3A_605 = vector.broadcast %add3A_604 : i32 to vector<16xi32>
    %add3A_606 = arith.addi %get3A_603, %add3A_605 : vector<16xi32>
    %swap3A_607 = arith.constant 2 : i32
    %swap3A_608 = arith.index_cast %swap3A_607 : i32 to index
    %swap3A_609 = arith.constant 64 : index
    %swap3A_610 = tpu.vector_load %arg10[%swap3A_608, %swap3A_609] {strides = array<i32>} : memref<4x128xi32, #tpu.memory_space<vmem>>, vector<1x16xi32>,
    %swap3A_611 = vector.shape_cast %swap3A_610 : vector<1x16xi32> to vector<16xi32>
    %swap3A_612 = vector.shape_cast %add3A_606 : vector<16xi32> to vector<1x16xi32>
    tpu.vector_store %arg10[%swap3A_608, %swap3A_609], %swap3A_612 {strides = array<i32>} : memref<4x128xi32, #tpu.memory_space<vmem>>, vector<1x16xi32>,
    %get3A_613 = arith.constant 2 : i32
    %get3A_614 = arith.index_cast %get3A_613 : i32 to index
    %get3A_615 = arith.constant 80 : index
    %get3A_616 = tpu.vector_load %arg10[%get3A_614, %get3A_615] {strides = array<i32>} : memref<4x128xi32, #tpu.memory_space<vmem>>, vector<1x16xi32>,
    %get3A_617 = vector.shape_cast %get3A_616 : vector<1x16xi32> to vector<16xi32>
    %add3A_618 = arith.constant 100100 : i32
    %add3A_619 = vector.broadcast %add3A_618 : i32 to vector<16xi32>
    %add3A_620 = arith.addi %get3A_617, %add3A_619 : vector<16xi32>
    %swap3A_621 = arith.constant 2 : i32
    %swap3A_622 = arith.index_cast %swap3A_621 : i32 to index
    %swap3A_623 = arith.constant 80 : index
    %swap3A_624 = tpu.vector_load %arg10[%swap3A_622, %swap3A_623] {strides = array<i32>} : memref<4x128xi32, #tpu.memory_space<vmem>>, vector<1x16xi32>,
    %swap3A_625 = vector.shape_cast %swap3A_624 : vector<1x16xi32> to vector<16xi32>
    %swap3A_626 = vector.shape_cast %add3A_620 : vector<16xi32> to vector<1x16xi32>
    tpu.vector_store %arg10[%swap3A_622, %swap3A_623], %swap3A_626 {strides = array<i32>} : memref<4x128xi32, #tpu.memory_space<vmem>>, vector<1x16xi32>,
    %get3A_627 = arith.constant 2 : i32
    %get3A_628 = arith.index_cast %get3A_627 : i32 to index
    %get3A_629 = arith.constant 96 : index
    %get3A_630 = tpu.vector_load %arg10[%get3A_628, %get3A_629] {strides = array<i32>} : memref<4x128xi32, #tpu.memory_space<vmem>>, vector<1x16xi32>,
    %get3A_631 = vector.shape_cast %get3A_630 : vector<1x16xi32> to vector<16xi32>
    %add3A_632 = arith.constant 100100 : i32
    %add3A_633 = vector.broadcast %add3A_632 : i32 to vector<16xi32>
    %add3A_634 = arith.addi %get3A_631, %add3A_633 : vector<16xi32>
    %swap3A_635 = arith.constant 2 : i32
    %swap3A_636 = arith.index_cast %swap3A_635 : i32 to index
    %swap3A_637 = arith.constant 96 : index
    %swap3A_638 = tpu.vector_load %arg10[%swap3A_636, %swap3A_637] {strides = array<i32>} : memref<4x128xi32, #tpu.memory_space<vmem>>, vector<1x16xi32>,
    %swap3A_639 = vector.shape_cast %swap3A_638 : vector<1x16xi32> to vector<16xi32>
    %swap3A_640 = vector.shape_cast %add3A_634 : vector<16xi32> to vector<1x16xi32>
    tpu.vector_store %arg10[%swap3A_636, %swap3A_637], %swap3A_640 {strides = array<i32>} : memref<4x128xi32, #tpu.memory_space<vmem>>, vector<1x16xi32>,
    %get3A_641 = arith.constant 2 : i32
    %get3A_642 = arith.index_cast %get3A_641 : i32 to index
    %get3A_643 = arith.constant 112 : index
    %get3A_644 = tpu.vector_load %arg10[%get3A_642, %get3A_643] {strides = array<i32>} : memref<4x128xi32, #tpu.memory_space<vmem>>, vector<1x16xi32>,
    %get3A_645 = vector.shape_cast %get3A_644 : vector<1x16xi32> to vector<16xi32>
    %add3A_646 = arith.constant 100100 : i32
    %add3A_647 = vector.broadcast %add3A_646 : i32 to vector<16xi32>
    %add3A_648 = arith.addi %get3A_645, %add3A_647 : vector<16xi32>
    %swap3A_649 = arith.constant 2 : i32
    %swap3A_650 = arith.index_cast %swap3A_649 : i32 to index
    %swap3A_651 = arith.constant 112 : index
    %swap3A_652 = tpu.vector_load %arg10[%swap3A_650, %swap3A_651] {strides = array<i32>} : memref<4x128xi32, #tpu.memory_space<vmem>>, vector<1x16xi32>,
    %swap3A_653 = vector.shape_cast %swap3A_652 : vector<1x16xi32> to vector<16xi32>
    %swap3A_654 = vector.shape_cast %add3A_648 : vector<16xi32> to vector<1x16xi32>
    tpu.vector_store %arg10[%swap3A_650, %swap3A_651], %swap3A_654 {strides = array<i32>} : memref<4x128xi32, #tpu.memory_space<vmem>>, vector<1x16xi32>,
    %get3A_655 = arith.constant 3 : i32
    %get3A_656 = arith.index_cast %get3A_655 : i32 to index
    %get3A_657 = arith.constant 0 : index
    %get3A_658 = tpu.vector_load %arg10[%get3A_656, %get3A_657] {strides = array<i32>} : memref<4x128xi32, #tpu.memory_space<vmem>>, vector<1x16xi32>,
    %get3A_659 = vector.shape_cast %get3A_658 : vector<1x16xi32> to vector<16xi32>
    %add3A_660 = arith.constant 100100 : i32
    %add3A_661 = vector.broadcast %add3A_660 : i32 to vector<16xi32>
    %add3A_662 = arith.addi %get3A_659, %add3A_661 : vector<16xi32>
    %swap3A_663 = arith.constant 3 : i32
    %swap3A_664 = arith.index_cast %swap3A_663 : i32 to index
    %swap3A_665 = arith.constant 0 : index
    %swap3A_666 = tpu.vector_load %arg10[%swap3A_664, %swap3A_665] {strides = array<i32>} : memref<4x128xi32, #tpu.memory_space<vmem>>, vector<1x16xi32>,
    %swap3A_667 = vector.shape_cast %swap3A_666 : vector<1x16xi32> to vector<16xi32>
    %swap3A_668 = vector.shape_cast %add3A_662 : vector<16xi32> to vector<1x16xi32>
    tpu.vector_store %arg10[%swap3A_664, %swap3A_665], %swap3A_668 {strides = array<i32>} : memref<4x128xi32, #tpu.memory_space<vmem>>, vector<1x16xi32>,
    %get3A_669 = arith.constant 3 : i32
    %get3A_670 = arith.index_cast %get3A_669 : i32 to index
    %get3A_671 = arith.constant 16 : index
    %get3A_672 = tpu.vector_load %arg10[%get3A_670, %get3A_671] {strides = array<i32>} : memref<4x128xi32, #tpu.memory_space<vmem>>, vector<1x16xi32>,
    %get3A_673 = vector.shape_cast %get3A_672 : vector<1x16xi32> to vector<16xi32>
    %add3A_674 = arith.constant 100100 : i32
    %add3A_675 = vector.broadcast %add3A_674 : i32 to vector<16xi32>
    %add3A_676 = arith.addi %get3A_673, %add3A_675 : vector<16xi32>
    %swap3A_677 = arith.constant 3 : i32
    %swap3A_678 = arith.index_cast %swap3A_677 : i32 to index
    %swap3A_679 = arith.constant 16 : index
    %swap3A_680 = tpu.vector_load %arg10[%swap3A_678, %swap3A_679] {strides = array<i32>} : memref<4x128xi32, #tpu.memory_space<vmem>>, vector<1x16xi32>,
    %swap3A_681 = vector.shape_cast %swap3A_680 : vector<1x16xi32> to vector<16xi32>
    %swap3A_682 = vector.shape_cast %add3A_676 : vector<16xi32> to vector<1x16xi32>
    tpu.vector_store %arg10[%swap3A_678, %swap3A_679], %swap3A_682 {strides = array<i32>} : memref<4x128xi32, #tpu.memory_space<vmem>>, vector<1x16xi32>,
    %get3A_683 = arith.constant 3 : i32
    %get3A_684 = arith.index_cast %get3A_683 : i32 to index
    %get3A_685 = arith.constant 32 : index
    %get3A_686 = tpu.vector_load %arg10[%get3A_684, %get3A_685] {strides = array<i32>} : memref<4x128xi32, #tpu.memory_space<vmem>>, vector<1x16xi32>,
    %get3A_687 = vector.shape_cast %get3A_686 : vector<1x16xi32> to vector<16xi32>
    %add3A_688 = arith.constant 100100 : i32
    %add3A_689 = vector.broadcast %add3A_688 : i32 to vector<16xi32>
    %add3A_690 = arith.addi %get3A_687, %add3A_689 : vector<16xi32>
    %swap3A_691 = arith.constant 3 : i32
    %swap3A_692 = arith.index_cast %swap3A_691 : i32 to index
    %swap3A_693 = arith.constant 32 : index
    %swap3A_694 = tpu.vector_load %arg10[%swap3A_692, %swap3A_693] {strides = array<i32>} : memref<4x128xi32, #tpu.memory_space<vmem>>, vector<1x16xi32>,
    %swap3A_695 = vector.shape_cast %swap3A_694 : vector<1x16xi32> to vector<16xi32>
    %swap3A_696 = vector.shape_cast %add3A_690 : vector<16xi32> to vector<1x16xi32>
    tpu.vector_store %arg10[%swap3A_692, %swap3A_693], %swap3A_696 {strides = array<i32>} : memref<4x128xi32, #tpu.memory_space<vmem>>, vector<1x16xi32>,
    %get3A_697 = arith.constant 3 : i32
    %get3A_698 = arith.index_cast %get3A_697 : i32 to index
    %get3A_699 = arith.constant 48 : index
    %get3A_700 = tpu.vector_load %arg10[%get3A_698, %get3A_699] {strides = array<i32>} : memref<4x128xi32, #tpu.memory_space<vmem>>, vector<1x16xi32>,
    %get3A_701 = vector.shape_cast %get3A_700 : vector<1x16xi32> to vector<16xi32>
    %add3A_702 = arith.constant 100100 : i32
    %add3A_703 = vector.broadcast %add3A_702 : i32 to vector<16xi32>
    %add3A_704 = arith.addi %get3A_701, %add3A_703 : vector<16xi32>
    %swap3A_705 = arith.constant 3 : i32
    %swap3A_706 = arith.index_cast %swap3A_705 : i32 to index
    %swap3A_707 = arith.constant 48 : index
    %swap3A_708 = tpu.vector_load %arg10[%swap3A_706, %swap3A_707] {strides = array<i32>} : memref<4x128xi32, #tpu.memory_space<vmem>>, vector<1x16xi32>,
    %swap3A_709 = vector.shape_cast %swap3A_708 : vector<1x16xi32> to vector<16xi32>
    %swap3A_710 = vector.shape_cast %add3A_704 : vector<16xi32> to vector<1x16xi32>
    tpu.vector_store %arg10[%swap3A_706, %swap3A_707], %swap3A_710 {strides = array<i32>} : memref<4x128xi32, #tpu.memory_space<vmem>>, vector<1x16xi32>,
    %get3A_711 = arith.constant 3 : i32
    %get3A_712 = arith.index_cast %get3A_711 : i32 to index
    %get3A_713 = arith.constant 64 : index
    %get3A_714 = tpu.vector_load %arg10[%get3A_712, %get3A_713] {strides = array<i32>} : memref<4x128xi32, #tpu.memory_space<vmem>>, vector<1x16xi32>,
    %get3A_715 = vector.shape_cast %get3A_714 : vector<1x16xi32> to vector<16xi32>
    %add3A_716 = arith.constant 100100 : i32
    %add3A_717 = vector.broadcast %add3A_716 : i32 to vector<16xi32>
    %add3A_718 = arith.addi %get3A_715, %add3A_717 : vector<16xi32>
    %swap3A_719 = arith.constant 3 : i32
    %swap3A_720 = arith.index_cast %swap3A_719 : i32 to index
    %swap3A_721 = arith.constant 64 : index
    %swap3A_722 = tpu.vector_load %arg10[%swap3A_720, %swap3A_721] {strides = array<i32>} : memref<4x128xi32, #tpu.memory_space<vmem>>, vector<1x16xi32>,
    %swap3A_723 = vector.shape_cast %swap3A_722 : vector<1x16xi32> to vector<16xi32>
    %swap3A_724 = vector.shape_cast %add3A_718 : vector<16xi32> to vector<1x16xi32>
    tpu.vector_store %arg10[%swap3A_720, %swap3A_721], %swap3A_724 {strides = array<i32>} : memref<4x128xi32, #tpu.memory_space<vmem>>, vector<1x16xi32>,
    %get3A_725 = arith.constant 3 : i32
    %get3A_726 = arith.index_cast %get3A_725 : i32 to index
    %get3A_727 = arith.constant 80 : index
    %get3A_728 = tpu.vector_load %arg10[%get3A_726, %get3A_727] {strides = array<i32>} : memref<4x128xi32, #tpu.memory_space<vmem>>, vector<1x16xi32>,
    %get3A_729 = vector.shape_cast %get3A_728 : vector<1x16xi32> to vector<16xi32>
    %add3A_730 = arith.constant 100100 : i32
    %add3A_731 = vector.broadcast %add3A_730 : i32 to vector<16xi32>
    %add3A_732 = arith.addi %get3A_729, %add3A_731 : vector<16xi32>
    %swap3A_733 = arith.constant 3 : i32
    %swap3A_734 = arith.index_cast %swap3A_733 : i32 to index
    %swap3A_735 = arith.constant 80 : index
    %swap3A_736 = tpu.vector_load %arg10[%swap3A_734, %swap3A_735] {strides = array<i32>} : memref<4x128xi32, #tpu.memory_space<vmem>>, vector<1x16xi32>,
    %swap3A_737 = vector.shape_cast %swap3A_736 : vector<1x16xi32> to vector<16xi32>
    %swap3A_738 = vector.shape_cast %add3A_732 : vector<16xi32> to vector<1x16xi32>
    tpu.vector_store %arg10[%swap3A_734, %swap3A_735], %swap3A_738 {strides = array<i32>} : memref<4x128xi32, #tpu.memory_space<vmem>>, vector<1x16xi32>,
    %get3A_739 = arith.constant 3 : i32
    %get3A_740 = arith.index_cast %get3A_739 : i32 to index
    %get3A_741 = arith.constant 96 : index
    %get3A_742 = tpu.vector_load %arg10[%get3A_740, %get3A_741] {strides = array<i32>} : memref<4x128xi32, #tpu.memory_space<vmem>>, vector<1x16xi32>,
    %get3A_743 = vector.shape_cast %get3A_742 : vector<1x16xi32> to vector<16xi32>
    %add3A_744 = arith.constant 100100 : i32
    %add3A_745 = vector.broadcast %add3A_744 : i32 to vector<16xi32>
    %add3A_746 = arith.addi %get3A_743, %add3A_745 : vector<16xi32>
    %swap3A_747 = arith.constant 3 : i32
    %swap3A_748 = arith.index_cast %swap3A_747 : i32 to index
    %swap3A_749 = arith.constant 96 : index
    %swap3A_750 = tpu.vector_load %arg10[%swap3A_748, %swap3A_749] {strides = array<i32>} : memref<4x128xi32, #tpu.memory_space<vmem>>, vector<1x16xi32>,
    %swap3A_751 = vector.shape_cast %swap3A_750 : vector<1x16xi32> to vector<16xi32>
    %swap3A_752 = vector.shape_cast %add3A_746 : vector<16xi32> to vector<1x16xi32>
    tpu.vector_store %arg10[%swap3A_748, %swap3A_749], %swap3A_752 {strides = array<i32>} : memref<4x128xi32, #tpu.memory_space<vmem>>, vector<1x16xi32>,
    %get3A_753 = arith.constant 3 : i32
    %get3A_754 = arith.index_cast %get3A_753 : i32 to index
    %get3A_755 = arith.constant 112 : index
    %get3A_756 = tpu.vector_load %arg10[%get3A_754, %get3A_755] {strides = array<i32>} : memref<4x128xi32, #tpu.memory_space<vmem>>, vector<1x16xi32>,
    %get3A_757 = vector.shape_cast %get3A_756 : vector<1x16xi32> to vector<16xi32>
    %add3A_758 = arith.constant 100100 : i32
    %add3A_759 = vector.broadcast %add3A_758 : i32 to vector<16xi32>
    %add3A_760 = arith.addi %get3A_757, %add3A_759 : vector<16xi32>
    %swap3A_761 = arith.constant 3 : i32
    %swap3A_762 = arith.index_cast %swap3A_761 : i32 to index
    %swap3A_763 = arith.constant 112 : index
    %swap3A_764 = tpu.vector_load %arg10[%swap3A_762, %swap3A_763] {strides = array<i32>} : memref<4x128xi32, #tpu.memory_space<vmem>>, vector<1x16xi32>,
    %swap3A_765 = vector.shape_cast %swap3A_764 : vector<1x16xi32> to vector<16xi32>
    %swap3A_766 = vector.shape_cast %add3A_760 : vector<16xi32> to vector<1x16xi32>
    tpu.vector_store %arg10[%swap3A_762, %swap3A_763], %swap3A_766 {strides = array<i32>} : memref<4x128xi32, #tpu.memory_space<vmem>>, vector<1x16xi32>,
    %dma_start3A_767 = arith.constant 0 : i32
    %dma_start3A_768 = arith.constant 0 : i32
    %dma_start3A_769 = arith.constant 0 : i32
    %dma_start3A_770 = tpu.memref_slice %arg18[%dma_start3A_768, %dma_start3A_769] : memref<4x128xf32, #tpu.memory_space<vmem>> -> memref<1x128xf32, #tpu.memory_space<vmem>>
    %dma_start3A_771 = tpu.memref_squeeze %dma_start3A_770 : memref<1x128xf32, #tpu.memory_space<vmem>> -> memref<128xf32, #tpu.memory_space<vmem>>
    %dma_start3A_772 = arith.constant 0 : i32
    %dma_start3A_773 = tpu.memref_slice %arg10[%dma_start3A_767, %dma_start3A_772] : memref<4x128xi32, #tpu.memory_space<vmem>> -> memref<1x128xi32, #tpu.memory_space<vmem>>
    %dma_start3A_774 = tpu.memref_squeeze %dma_start3A_773 : memref<1x128xi32, #tpu.memory_space<vmem>> -> memref<128xi32, #tpu.memory_space<vmem>>
    %dma_start3A_775 = arith.constant 0 : i32
    %dma_start3A_776 = tpu.memref_slice %arg6[%dma_start3A_775] : memref<200100xf32, #tpu.memory_space<hbm>> -> memref<200100xf32, #tpu.memory_space<hbm>>
    tpu.enqueue_indirect_dma source(%dma_start3A_776 : memref<200100xf32, #tpu.memory_space<hbm>>) target(%dma_start3A_771 : memref<128xf32, #tpu.memory_space<vmem>>) offsets(%dma_start3A_774 : memref<128xi32, #tpu.memory_space<vmem>>) semaphore(%arg26 : memref<!tpu.dma_semaphore, #tpu.memory_space<semaphore_mem>>)
    %dma_start3A_777 = arith.constant 1 : i32
    %dma_start3A_778 = arith.constant 1 : i32
    %dma_start3A_779 = arith.constant 0 : i32
    %dma_start3A_780 = tpu.memref_slice %arg18[%dma_start3A_778, %dma_start3A_779] : memref<4x128xf32, #tpu.memory_space<vmem>> -> memref<1x128xf32, #tpu.memory_space<vmem>>
    %dma_start3A_781 = tpu.memref_squeeze %dma_start3A_780 : memref<1x128xf32, #tpu.memory_space<vmem>> -> memref<128xf32, #tpu.memory_space<vmem>>
    %dma_start3A_782 = arith.constant 0 : i32
    %dma_start3A_783 = tpu.memref_slice %arg10[%dma_start3A_777, %dma_start3A_782] : memref<4x128xi32, #tpu.memory_space<vmem>> -> memref<1x128xi32, #tpu.memory_space<vmem>>
    %dma_start3A_784 = tpu.memref_squeeze %dma_start3A_783 : memref<1x128xi32, #tpu.memory_space<vmem>> -> memref<128xi32, #tpu.memory_space<vmem>>
    %dma_start3A_785 = arith.constant 0 : i32
    %dma_start3A_786 = tpu.memref_slice %arg6[%dma_start3A_785] : memref<200100xf32, #tpu.memory_space<hbm>> -> memref<200100xf32, #tpu.memory_space<hbm>>
    tpu.enqueue_indirect_dma source(%dma_start3A_786 : memref<200100xf32, #tpu.memory_space<hbm>>) target(%dma_start3A_781 : memref<128xf32, #tpu.memory_space<vmem>>) offsets(%dma_start3A_784 : memref<128xi32, #tpu.memory_space<vmem>>) semaphore(%arg26 : memref<!tpu.dma_semaphore, #tpu.memory_space<semaphore_mem>>)
    %dma_start3A_787 = arith.constant 2 : i32
    %dma_start3A_788 = arith.constant 2 : i32
    %dma_start3A_789 = arith.constant 0 : i32
    %dma_start3A_790 = tpu.memref_slice %arg18[%dma_start3A_788, %dma_start3A_789] : memref<4x128xf32, #tpu.memory_space<vmem>> -> memref<1x128xf32, #tpu.memory_space<vmem>>
    %dma_start3A_791 = tpu.memref_squeeze %dma_start3A_790 : memref<1x128xf32, #tpu.memory_space<vmem>> -> memref<128xf32, #tpu.memory_space<vmem>>
    %dma_start3A_792 = arith.constant 0 : i32
    %dma_start3A_793 = tpu.memref_slice %arg10[%dma_start3A_787, %dma_start3A_792] : memref<4x128xi32, #tpu.memory_space<vmem>> -> memref<1x128xi32, #tpu.memory_space<vmem>>
    %dma_start3A_794 = tpu.memref_squeeze %dma_start3A_793 : memref<1x128xi32, #tpu.memory_space<vmem>> -> memref<128xi32, #tpu.memory_space<vmem>>
    %dma_start3A_795 = arith.constant 0 : i32
    %dma_start3A_796 = tpu.memref_slice %arg6[%dma_start3A_795] : memref<200100xf32, #tpu.memory_space<hbm>> -> memref<200100xf32, #tpu.memory_space<hbm>>
    tpu.enqueue_indirect_dma source(%dma_start3A_796 : memref<200100xf32, #tpu.memory_space<hbm>>) target(%dma_start3A_791 : memref<128xf32, #tpu.memory_space<vmem>>) offsets(%dma_start3A_794 : memref<128xi32, #tpu.memory_space<vmem>>) semaphore(%arg26 : memref<!tpu.dma_semaphore, #tpu.memory_space<semaphore_mem>>)
    %dma_start3A_797 = arith.constant 3 : i32
    %dma_start3A_798 = arith.constant 3 : i32
    %dma_start3A_799 = arith.constant 0 : i32
    %dma_start3A_800 = tpu.memref_slice %arg18[%dma_start3A_798, %dma_start3A_799] : memref<4x128xf32, #tpu.memory_space<vmem>> -> memref<1x128xf32, #tpu.memory_space<vmem>>
    %dma_start3A_801 = tpu.memref_squeeze %dma_start3A_800 : memref<1x128xf32, #tpu.memory_space<vmem>> -> memref<128xf32, #tpu.memory_space<vmem>>
    %dma_start3A_802 = arith.constant 0 : i32
    %dma_start3A_803 = tpu.memref_slice %arg10[%dma_start3A_797, %dma_start3A_802] : memref<4x128xi32, #tpu.memory_space<vmem>> -> memref<1x128xi32, #tpu.memory_space<vmem>>
    %dma_start3A_804 = tpu.memref_squeeze %dma_start3A_803 : memref<1x128xi32, #tpu.memory_space<vmem>> -> memref<128xi32, #tpu.memory_space<vmem>>
    %dma_start3A_805 = arith.constant 0 : i32
    %dma_start3A_806 = tpu.memref_slice %arg6[%dma_start3A_805] : memref<200100xf32, #tpu.memory_space<hbm>> -> memref<200100xf32, #tpu.memory_space<hbm>>
    tpu.enqueue_indirect_dma source(%dma_start3A_806 : memref<200100xf32, #tpu.memory_space<hbm>>) target(%dma_start3A_801 : memref<128xf32, #tpu.memory_space<vmem>>) offsets(%dma_start3A_804 : memref<128xi32, #tpu.memory_space<vmem>>) semaphore(%arg26 : memref<!tpu.dma_semaphore, #tpu.memory_space<semaphore_mem>>)
    %scan3A_807 = arith.constant 0 : i32
    %scan3A_808 = arith.constant 64 : i32
    %scan3A_809 = arith.addi %scan3A_807, %scan3A_808 : i32
    %scan3A_810 = arith.constant 1 : i32
    %scan3A_811:8 = scf.for %scan3A_1448 = %scan3A_807 to %scan3A_809 step %scan3A_810 iter_args(%scan3A_1449 = %scan3A_305#0, %scan3A_1450 = %scan3A_305#1, %scan3A_1451 = %scan3A_305#2, %scan3A_1452 = %scan3A_305#3, %scan3A_1453 = %scan3A_305#4, %scan3A_1454 = %scan3A_305#5, %scan3A_1455 = %scan3A_305#6, %scan3A_1456 = %scan3A_305#7) -> (vector<16xf32>, vector<16xf32>, vector<16xf32>, vector<16xf32>, vector<16xf32>, vector<16xf32>, vector<16xf32>, vector<16xf32>)  : i32 {
      %get3A_1457 = arith.index_cast %scan3A_1448 : i32 to index
      %get3A_1458 = arith.constant 0 : index
      %get3A_1459 = tpu.vector_load %arg13[%get3A_1457, %get3A_1458] {strides = array<i32>} : memref<64x128xf32, #tpu.memory_space<vmem>>, vector<1x16xf32>,
      %get3A_1460 = vector.shape_cast %get3A_1459 : vector<1x16xf32> to vector<16xf32>
      %get3A_1461 = arith.index_cast %scan3A_1448 : i32 to index
      %get3A_1462 = arith.constant 0 : index
      %get3A_1463 = tpu.vector_load %arg14[%get3A_1461, %get3A_1462] {strides = array<i32>} : memref<64x128xf32, #tpu.memory_space<vmem>>, vector<1x16xf32>,
      %get3A_1464 = vector.shape_cast %get3A_1463 : vector<1x16xf32> to vector<16xf32>
      %mul3A_1465 = arith.mulf %get3A_1460, %get3A_1464 : vector<16xf32>
      %add3A_1466 = arith.addf %scan3A_1449, %mul3A_1465 : vector<16xf32>
      %get3A_1467 = arith.index_cast %scan3A_1448 : i32 to index
      %get3A_1468 = arith.constant 16 : index
      %get3A_1469 = tpu.vector_load %arg13[%get3A_1467, %get3A_1468] {strides = array<i32>} : memref<64x128xf32, #tpu.memory_space<vmem>>, vector<1x16xf32>,
      %get3A_1470 = vector.shape_cast %get3A_1469 : vector<1x16xf32> to vector<16xf32>
      %get3A_1471 = arith.index_cast %scan3A_1448 : i32 to index
      %get3A_1472 = arith.constant 16 : index
      %get3A_1473 = tpu.vector_load %arg14[%get3A_1471, %get3A_1472] {strides = array<i32>} : memref<64x128xf32, #tpu.memory_space<vmem>>, vector<1x16xf32>,
      %get3A_1474 = vector.shape_cast %get3A_1473 : vector<1x16xf32> to vector<16xf32>
      %mul3A_1475 = arith.mulf %get3A_1470, %get3A_1474 : vector<16xf32>
      %add3A_1476 = arith.addf %scan3A_1450, %mul3A_1475 : vector<16xf32>
      %get3A_1477 = arith.index_cast %scan3A_1448 : i32 to index
      %get3A_1478 = arith.constant 32 : index
      %get3A_1479 = tpu.vector_load %arg13[%get3A_1477, %get3A_1478] {strides = array<i32>} : memref<64x128xf32, #tpu.memory_space<vmem>>, vector<1x16xf32>,
      %get3A_1480 = vector.shape_cast %get3A_1479 : vector<1x16xf32> to vector<16xf32>
      %get3A_1481 = arith.index_cast %scan3A_1448 : i32 to index
      %get3A_1482 = arith.constant 32 : index
      %get3A_1483 = tpu.vector_load %arg14[%get3A_1481, %get3A_1482] {strides = array<i32>} : memref<64x128xf32, #tpu.memory_space<vmem>>, vector<1x16xf32>,
      %get3A_1484 = vector.shape_cast %get3A_1483 : vector<1x16xf32> to vector<16xf32>
      %mul3A_1485 = arith.mulf %get3A_1480, %get3A_1484 : vector<16xf32>
      %add3A_1486 = arith.addf %scan3A_1451, %mul3A_1485 : vector<16xf32>
      %get3A_1487 = arith.index_cast %scan3A_1448 : i32 to index
      %get3A_1488 = arith.constant 48 : index
      %get3A_1489 = tpu.vector_load %arg13[%get3A_1487, %get3A_1488] {strides = array<i32>} : memref<64x128xf32, #tpu.memory_space<vmem>>, vector<1x16xf32>,
      %get3A_1490 = vector.shape_cast %get3A_1489 : vector<1x16xf32> to vector<16xf32>
      %get3A_1491 = arith.index_cast %scan3A_1448 : i32 to index
      %get3A_1492 = arith.constant 48 : index
      %get3A_1493 = tpu.vector_load %arg14[%get3A_1491, %get3A_1492] {strides = array<i32>} : memref<64x128xf32, #tpu.memory_space<vmem>>, vector<1x16xf32>,
      %get3A_1494 = vector.shape_cast %get3A_1493 : vector<1x16xf32> to vector<16xf32>
      %mul3A_1495 = arith.mulf %get3A_1490, %get3A_1494 : vector<16xf32>
      %add3A_1496 = arith.addf %scan3A_1452, %mul3A_1495 : vector<16xf32>
      %get3A_1497 = arith.index_cast %scan3A_1448 : i32 to index
      %get3A_1498 = arith.constant 64 : index
      %get3A_1499 = tpu.vector_load %arg13[%get3A_1497, %get3A_1498] {strides = array<i32>} : memref<64x128xf32, #tpu.memory_space<vmem>>, vector<1x16xf32>,
      %get3A_1500 = vector.shape_cast %get3A_1499 : vector<1x16xf32> to vector<16xf32>
      %get3A_1501 = arith.index_cast %scan3A_1448 : i32 to index
      %get3A_1502 = arith.constant 64 : index
      %get3A_1503 = tpu.vector_load %arg14[%get3A_1501, %get3A_1502] {strides = array<i32>} : memref<64x128xf32, #tpu.memory_space<vmem>>, vector<1x16xf32>,
      %get3A_1504 = vector.shape_cast %get3A_1503 : vector<1x16xf32> to vector<16xf32>
      %mul3A_1505 = arith.mulf %get3A_1500, %get3A_1504 : vector<16xf32>
      %add3A_1506 = arith.addf %scan3A_1453, %mul3A_1505 : vector<16xf32>
      %get3A_1507 = arith.index_cast %scan3A_1448 : i32 to index
      %get3A_1508 = arith.constant 80 : index
      %get3A_1509 = tpu.vector_load %arg13[%get3A_1507, %get3A_1508] {strides = array<i32>} : memref<64x128xf32, #tpu.memory_space<vmem>>, vector<1x16xf32>,
      %get3A_1510 = vector.shape_cast %get3A_1509 : vector<1x16xf32> to vector<16xf32>
      %get3A_1511 = arith.index_cast %scan3A_1448 : i32 to index
      %get3A_1512 = arith.constant 80 : index
      %get3A_1513 = tpu.vector_load %arg14[%get3A_1511, %get3A_1512] {strides = array<i32>} : memref<64x128xf32, #tpu.memory_space<vmem>>, vector<1x16xf32>,
      %get3A_1514 = vector.shape_cast %get3A_1513 : vector<1x16xf32> to vector<16xf32>
      %mul3A_1515 = arith.mulf %get3A_1510, %get3A_1514 : vector<16xf32>
      %add3A_1516 = arith.addf %scan3A_1454, %mul3A_1515 : vector<16xf32>
      %get3A_1517 = arith.index_cast %scan3A_1448 : i32 to index
      %get3A_1518 = arith.constant 96 : index
      %get3A_1519 = tpu.vector_load %arg13[%get3A_1517, %get3A_1518] {strides = array<i32>} : memref<64x128xf32, #tpu.memory_space<vmem>>, vector<1x16xf32>,
      %get3A_1520 = vector.shape_cast %get3A_1519 : vector<1x16xf32> to vector<16xf32>
      %get3A_1521 = arith.index_cast %scan3A_1448 : i32 to index
      %get3A_1522 = arith.constant 96 : index
      %get3A_1523 = tpu.vector_load %arg14[%get3A_1521, %get3A_1522] {strides = array<i32>} : memref<64x128xf32, #tpu.memory_space<vmem>>, vector<1x16xf32>,
      %get3A_1524 = vector.shape_cast %get3A_1523 : vector<1x16xf32> to vector<16xf32>
      %mul3A_1525 = arith.mulf %get3A_1520, %get3A_1524 : vector<16xf32>
      %add3A_1526 = arith.addf %scan3A_1455, %mul3A_1525 : vector<16xf32>
      %get3A_1527 = arith.index_cast %scan3A_1448 : i32 to index
      %get3A_1528 = arith.constant 112 : index
      %get3A_1529 = tpu.vector_load %arg13[%get3A_1527, %get3A_1528] {strides = array<i32>} : memref<64x128xf32, #tpu.memory_space<vmem>>, vector<1x16xf32>,
      %get3A_1530 = vector.shape_cast %get3A_1529 : vector<1x16xf32> to vector<16xf32>
      %get3A_1531 = arith.index_cast %scan3A_1448 : i32 to index
      %get3A_1532 = arith.constant 112 : index
      %get3A_1533 = tpu.vector_load %arg14[%get3A_1531, %get3A_1532] {strides = array<i32>} : memref<64x128xf32, #tpu.memory_space<vmem>>, vector<1x16xf32>,
      %get3A_1534 = vector.shape_cast %get3A_1533 : vector<1x16xf32> to vector<16xf32>
      %mul3A_1535 = arith.mulf %get3A_1530, %get3A_1534 : vector<16xf32>
      %add3A_1536 = arith.addf %scan3A_1456, %mul3A_1535 : vector<16xf32>
      scf.yield %add3A_1466, %add3A_1476, %add3A_1486, %add3A_1496, %add3A_1506, %add3A_1516, %add3A_1526, %add3A_1536 : vector<16xf32>, vector<16xf32>, vector<16xf32>, vector<16xf32>, vector<16xf32>, vector<16xf32>, vector<16xf32>, vector<16xf32>
    }
    %scan3A_812 = arith.constant 64 : i32
    %add3A_813 = arith.addf %scan3A_811#0, %scan3A_811#1 : vector<16xf32>
    %add3A_814 = arith.addf %add3A_813, %scan3A_811#2 : vector<16xf32>
    %add3A_815 = arith.addf %add3A_814, %scan3A_811#3 : vector<16xf32>
    %add3A_816 = arith.addf %add3A_815, %scan3A_811#4 : vector<16xf32>
    %add3A_817 = arith.addf %add3A_816, %scan3A_811#5 : vector<16xf32>
    %add3A_818 = arith.addf %add3A_817, %scan3A_811#6 : vector<16xf32>
    %add3A_819 = arith.addf %add3A_818, %scan3A_811#7 : vector<16xf32>
    %swap3A_820 = arith.constant 0 : index
    %swap3A_821 = tpu.vector_load %arg19[%swap3A_820] {strides = array<i32>} : memref<16xf32, #tpu.memory_space<vmem>>, vector<16xf32>,
    %swap3A_822 = vector.shape_cast %swap3A_821 : vector<16xf32> to vector<16xf32>
    %swap3A_823 = vector.shape_cast %add3A_819 : vector<16xf32> to vector<16xf32>
    tpu.vector_store %arg19[%swap3A_820], %swap3A_823 {strides = array<i32>} : memref<16xf32, #tpu.memory_space<vmem>>, vector<16xf32>,
    "tpu.region"() ({
      %run_scoped3A = tpu.sem_alloc : memref<!tpu.dma_semaphore, #tpu.memory_space<semaphore_mem>>
      %dma_start3A_1448 = arith.constant 0 : i32
      %dma_start3A_1449 = tpu.memref_slice %arg7[%add3A, %dma_start3A_1448] : memref<32x16xf32, #tpu.memory_space<hbm>> -> memref<1x16xf32, #tpu.memory_space<hbm>>
      %dma_start3A_1450 = tpu.memref_squeeze %dma_start3A_1449 : memref<1x16xf32, #tpu.memory_space<hbm>> -> memref<16xf32, #tpu.memory_space<hbm>>
      %dma_start3A_1451 = arith.constant 0 : i32
      %dma_start3A_1452 = tpu.memref_slice %arg7[%add3A, %dma_start3A_1451] : memref<32x16xf32, #tpu.memory_space<hbm>> -> memref<1x16xf32, #tpu.memory_space<hbm>>
      %dma_start3A_1453 = tpu.memref_squeeze %dma_start3A_1452 : memref<1x16xf32, #tpu.memory_space<hbm>> -> memref<16xf32, #tpu.memory_space<hbm>>
      tpu.enqueue_dma source(%arg19 : memref<16xf32, #tpu.memory_space<vmem>>) target(%dma_start3A_1453 : memref<16xf32, #tpu.memory_space<hbm>>) target_semaphore(%run_scoped3A : memref<!tpu.dma_semaphore, #tpu.memory_space<semaphore_mem>>)
      %dma_wait3A_1454 = arith.constant 0 : i32
      %dma_wait3A_1455 = tpu.memref_slice %arg7[%add3A, %dma_wait3A_1454] : memref<32x16xf32, #tpu.memory_space<hbm>> -> memref<1x16xf32, #tpu.memory_space<hbm>>
      %dma_wait3A_1456 = tpu.memref_squeeze %dma_wait3A_1455 : memref<1x16xf32, #tpu.memory_space<hbm>> -> memref<16xf32, #tpu.memory_space<hbm>>
      %dma_wait3A_1457 = arith.constant 0 : i32
      %dma_wait3A_1458 = tpu.memref_slice %arg7[%add3A, %dma_wait3A_1457] : memref<32x16xf32, #tpu.memory_space<hbm>> -> memref<1x16xf32, #tpu.memory_space<hbm>>
      %dma_wait3A_1459 = tpu.memref_squeeze %dma_wait3A_1458 : memref<1x16xf32, #tpu.memory_space<hbm>> -> memref<16xf32, #tpu.memory_space<hbm>>
      tpu.wait_dma2 semaphore(%run_scoped3A : memref<!tpu.dma_semaphore, #tpu.memory_space<semaphore_mem>>) src(%arg19 : memref<16xf32, #tpu.memory_space<vmem>>) dst(%dma_wait3A_1459 : memref<16xf32, #tpu.memory_space<hbm>>)
      tpu.yield
    }) : () -> ()
    %dma_wait3A_824 = arith.constant 0 : i32
    %dma_wait3A_825 = arith.constant 0 : i32
    %dma_wait3A_826 = arith.constant 0 : i32
    %dma_wait3A_827 = tpu.memref_slice %arg17[%dma_wait3A_825, %dma_wait3A_826] : memref<4x128xf32, #tpu.memory_space<vmem>> -> memref<1x128xf32, #tpu.memory_space<vmem>>
    %dma_wait3A_828 = tpu.memref_squeeze %dma_wait3A_827 : memref<1x128xf32, #tpu.memory_space<vmem>> -> memref<128xf32, #tpu.memory_space<vmem>>
    %dma_wait3A_829 = arith.constant 0 : i32
    %dma_wait3A_830 = tpu.memref_slice %arg9[%dma_wait3A_824, %dma_wait3A_829] : memref<4x128xi32, #tpu.memory_space<vmem>> -> memref<1x128xi32, #tpu.memory_space<vmem>>
    %dma_wait3A_831 = tpu.memref_squeeze %dma_wait3A_830 : memref<1x128xi32, #tpu.memory_space<vmem>> -> memref<128xi32, #tpu.memory_space<vmem>>
    %dma_wait3A_832 = arith.constant 0 : i32
    %dma_wait3A_833 = tpu.memref_slice %arg6[%dma_wait3A_832] : memref<200100xf32, #tpu.memory_space<hbm>> -> memref<200100xf32, #tpu.memory_space<hbm>>
    tpu.wait_indirect_dma semaphore(%arg26 : memref<!tpu.dma_semaphore, #tpu.memory_space<semaphore_mem>>) src(%dma_wait3A_833 : memref<200100xf32, #tpu.memory_space<hbm>>) dst(%dma_wait3A_828 : memref<128xf32, #tpu.memory_space<vmem>>)
    %dma_wait3A_834 = arith.constant 1 : i32
    %dma_wait3A_835 = arith.constant 1 : i32
    %dma_wait3A_836 = arith.constant 0 : i32
    %dma_wait3A_837 = tpu.memref_slice %arg17[%dma_wait3A_835, %dma_wait3A_836] : memref<4x128xf32, #tpu.memory_space<vmem>> -> memref<1x128xf32, #tpu.memory_space<vmem>>
    %dma_wait3A_838 = tpu.memref_squeeze %dma_wait3A_837 : memref<1x128xf32, #tpu.memory_space<vmem>> -> memref<128xf32, #tpu.memory_space<vmem>>
    %dma_wait3A_839 = arith.constant 0 : i32
    %dma_wait3A_840 = tpu.memref_slice %arg9[%dma_wait3A_834, %dma_wait3A_839] : memref<4x128xi32, #tpu.memory_space<vmem>> -> memref<1x128xi32, #tpu.memory_space<vmem>>
    %dma_wait3A_841 = tpu.memref_squeeze %dma_wait3A_840 : memref<1x128xi32, #tpu.memory_space<vmem>> -> memref<128xi32, #tpu.memory_space<vmem>>
    %dma_wait3A_842 = arith.constant 0 : i32
    %dma_wait3A_843 = tpu.memref_slice %arg6[%dma_wait3A_842] : memref<200100xf32, #tpu.memory_space<hbm>> -> memref<200100xf32, #tpu.memory_space<hbm>>
    tpu.wait_indirect_dma semaphore(%arg26 : memref<!tpu.dma_semaphore, #tpu.memory_space<semaphore_mem>>) src(%dma_wait3A_843 : memref<200100xf32, #tpu.memory_space<hbm>>) dst(%dma_wait3A_838 : memref<128xf32, #tpu.memory_space<vmem>>)
    %dma_wait3A_844 = arith.constant 2 : i32
    %dma_wait3A_845 = arith.constant 2 : i32
    %dma_wait3A_846 = arith.constant 0 : i32
    %dma_wait3A_847 = tpu.memref_slice %arg17[%dma_wait3A_845, %dma_wait3A_846] : memref<4x128xf32, #tpu.memory_space<vmem>> -> memref<1x128xf32, #tpu.memory_space<vmem>>
    %dma_wait3A_848 = tpu.memref_squeeze %dma_wait3A_847 : memref<1x128xf32, #tpu.memory_space<vmem>> -> memref<128xf32, #tpu.memory_space<vmem>>
    %dma_wait3A_849 = arith.constant 0 : i32
    %dma_wait3A_850 = tpu.memref_slice %arg9[%dma_wait3A_844, %dma_wait3A_849] : memref<4x128xi32, #tpu.memory_space<vmem>> -> memref<1x128xi32, #tpu.memory_space<vmem>>
    %dma_wait3A_851 = tpu.memref_squeeze %dma_wait3A_850 : memref<1x128xi32, #tpu.memory_space<vmem>> -> memref<128xi32, #tpu.memory_space<vmem>>
    %dma_wait3A_852 = arith.constant 0 : i32
    %dma_wait3A_853 = tpu.memref_slice %arg6[%dma_wait3A_852] : memref<200100xf32, #tpu.memory_space<hbm>> -> memref<200100xf32, #tpu.memory_space<hbm>>
    tpu.wait_indirect_dma semaphore(%arg26 : memref<!tpu.dma_semaphore, #tpu.memory_space<semaphore_mem>>) src(%dma_wait3A_853 : memref<200100xf32, #tpu.memory_space<hbm>>) dst(%dma_wait3A_848 : memref<128xf32, #tpu.memory_space<vmem>>)
    %dma_wait3A_854 = arith.constant 3 : i32
    %dma_wait3A_855 = arith.constant 3 : i32
    %dma_wait3A_856 = arith.constant 0 : i32
    %dma_wait3A_857 = tpu.memref_slice %arg17[%dma_wait3A_855, %dma_wait3A_856] : memref<4x128xf32, #tpu.memory_space<vmem>> -> memref<1x128xf32, #tpu.memory_space<vmem>>
    %dma_wait3A_858 = tpu.memref_squeeze %dma_wait3A_857 : memref<1x128xf32, #tpu.memory_space<vmem>> -> memref<128xf32, #tpu.memory_space<vmem>>
    %dma_wait3A_859 = arith.constant 0 : i32
    %dma_wait3A_860 = tpu.memref_slice %arg9[%dma_wait3A_854, %dma_wait3A_859] : memref<4x128xi32, #tpu.memory_space<vmem>> -> memref<1x128xi32, #tpu.memory_space<vmem>>
    %dma_wait3A_861 = tpu.memref_squeeze %dma_wait3A_860 : memref<1x128xi32, #tpu.memory_space<vmem>> -> memref<128xi32, #tpu.memory_space<vmem>>
    %dma_wait3A_862 = arith.constant 0 : i32
    %dma_wait3A_863 = tpu.memref_slice %arg6[%dma_wait3A_862] : memref<200100xf32, #tpu.memory_space<hbm>> -> memref<200100xf32, #tpu.memory_space<hbm>>
    tpu.wait_indirect_dma semaphore(%arg26 : memref<!tpu.dma_semaphore, #tpu.memory_space<semaphore_mem>>) src(%dma_wait3A_863 : memref<200100xf32, #tpu.memory_space<hbm>>) dst(%dma_wait3A_858 : memref<128xf32, #tpu.memory_space<vmem>>)
    %dma_wait3A_864 = arith.constant 0 : i32
    %dma_wait3A_865 = arith.constant 0 : i32
    %dma_wait3A_866 = arith.constant 0 : i32
    %dma_wait3A_867 = tpu.memref_slice %arg18[%dma_wait3A_865, %dma_wait3A_866] : memref<4x128xf32, #tpu.memory_space<vmem>> -> memref<1x128xf32, #tpu.memory_space<vmem>>
    %dma_wait3A_868 = tpu.memref_squeeze %dma_wait3A_867 : memref<1x128xf32, #tpu.memory_space<vmem>> -> memref<128xf32, #tpu.memory_space<vmem>>
    %dma_wait3A_869 = arith.constant 0 : i32
    %dma_wait3A_870 = tpu.memref_slice %arg10[%dma_wait3A_864, %dma_wait3A_869] : memref<4x128xi32, #tpu.memory_space<vmem>> -> memref<1x128xi32, #tpu.memory_space<vmem>>
    %dma_wait3A_871 = tpu.memref_squeeze %dma_wait3A_870 : memref<1x128xi32, #tpu.memory_space<vmem>> -> memref<128xi32, #tpu.memory_space<vmem>>
    %dma_wait3A_872 = arith.constant 0 : i32
    %dma_wait3A_873 = tpu.memref_slice %arg6[%dma_wait3A_872] : memref<200100xf32, #tpu.memory_space<hbm>> -> memref<200100xf32, #tpu.memory_space<hbm>>
    tpu.wait_indirect_dma semaphore(%arg26 : memref<!tpu.dma_semaphore, #tpu.memory_space<semaphore_mem>>) src(%dma_wait3A_873 : memref<200100xf32, #tpu.memory_space<hbm>>) dst(%dma_wait3A_868 : memref<128xf32, #tpu.memory_space<vmem>>)
    %dma_wait3A_874 = arith.constant 1 : i32
    %dma_wait3A_875 = arith.constant 1 : i32
    %dma_wait3A_876 = arith.constant 0 : i32
    %dma_wait3A_877 = tpu.memref_slice %arg18[%dma_wait3A_875, %dma_wait3A_876] : memref<4x128xf32, #tpu.memory_space<vmem>> -> memref<1x128xf32, #tpu.memory_space<vmem>>
    %dma_wait3A_878 = tpu.memref_squeeze %dma_wait3A_877 : memref<1x128xf32, #tpu.memory_space<vmem>> -> memref<128xf32, #tpu.memory_space<vmem>>
    %dma_wait3A_879 = arith.constant 0 : i32
    %dma_wait3A_880 = tpu.memref_slice %arg10[%dma_wait3A_874, %dma_wait3A_879] : memref<4x128xi32, #tpu.memory_space<vmem>> -> memref<1x128xi32, #tpu.memory_space<vmem>>
    %dma_wait3A_881 = tpu.memref_squeeze %dma_wait3A_880 : memref<1x128xi32, #tpu.memory_space<vmem>> -> memref<128xi32, #tpu.memory_space<vmem>>
    %dma_wait3A_882 = arith.constant 0 : i32
    %dma_wait3A_883 = tpu.memref_slice %arg6[%dma_wait3A_882] : memref<200100xf32, #tpu.memory_space<hbm>> -> memref<200100xf32, #tpu.memory_space<hbm>>
    tpu.wait_indirect_dma semaphore(%arg26 : memref<!tpu.dma_semaphore, #tpu.memory_space<semaphore_mem>>) src(%dma_wait3A_883 : memref<200100xf32, #tpu.memory_space<hbm>>) dst(%dma_wait3A_878 : memref<128xf32, #tpu.memory_space<vmem>>)
    %dma_wait3A_884 = arith.constant 2 : i32
    %dma_wait3A_885 = arith.constant 2 : i32
    %dma_wait3A_886 = arith.constant 0 : i32
    %dma_wait3A_887 = tpu.memref_slice %arg18[%dma_wait3A_885, %dma_wait3A_886] : memref<4x128xf32, #tpu.memory_space<vmem>> -> memref<1x128xf32, #tpu.memory_space<vmem>>
    %dma_wait3A_888 = tpu.memref_squeeze %dma_wait3A_887 : memref<1x128xf32, #tpu.memory_space<vmem>> -> memref<128xf32, #tpu.memory_space<vmem>>
    %dma_wait3A_889 = arith.constant 0 : i32
    %dma_wait3A_890 = tpu.memref_slice %arg10[%dma_wait3A_884, %dma_wait3A_889] : memref<4x128xi32, #tpu.memory_space<vmem>> -> memref<1x128xi32, #tpu.memory_space<vmem>>
    %dma_wait3A_891 = tpu.memref_squeeze %dma_wait3A_890 : memref<1x128xi32, #tpu.memory_space<vmem>> -> memref<128xi32, #tpu.memory_space<vmem>>
    %dma_wait3A_892 = arith.constant 0 : i32
    %dma_wait3A_893 = tpu.memref_slice %arg6[%dma_wait3A_892] : memref<200100xf32, #tpu.memory_space<hbm>> -> memref<200100xf32, #tpu.memory_space<hbm>>
    tpu.wait_indirect_dma semaphore(%arg26 : memref<!tpu.dma_semaphore, #tpu.memory_space<semaphore_mem>>) src(%dma_wait3A_893 : memref<200100xf32, #tpu.memory_space<hbm>>) dst(%dma_wait3A_888 : memref<128xf32, #tpu.memory_space<vmem>>)
    %dma_wait3A_894 = arith.constant 3 : i32
    %dma_wait3A_895 = arith.constant 3 : i32
    %dma_wait3A_896 = arith.constant 0 : i32
    %dma_wait3A_897 = tpu.memref_slice %arg18[%dma_wait3A_895, %dma_wait3A_896] : memref<4x128xf32, #tpu.memory_space<vmem>> -> memref<1x128xf32, #tpu.memory_space<vmem>>
    %dma_wait3A_898 = tpu.memref_squeeze %dma_wait3A_897 : memref<1x128xf32, #tpu.memory_space<vmem>> -> memref<128xf32, #tpu.memory_space<vmem>>
    %dma_wait3A_899 = arith.constant 0 : i32
    %dma_wait3A_900 = tpu.memref_slice %arg10[%dma_wait3A_894, %dma_wait3A_899] : memref<4x128xi32, #tpu.memory_space<vmem>> -> memref<1x128xi32, #tpu.memory_space<vmem>>
    %dma_wait3A_901 = tpu.memref_squeeze %dma_wait3A_900 : memref<1x128xi32, #tpu.memory_space<vmem>> -> memref<128xi32, #tpu.memory_space<vmem>>
    %dma_wait3A_902 = arith.constant 0 : i32
    %dma_wait3A_903 = tpu.memref_slice %arg6[%dma_wait3A_902] : memref<200100xf32, #tpu.memory_space<hbm>> -> memref<200100xf32, #tpu.memory_space<hbm>>
    tpu.wait_indirect_dma semaphore(%arg26 : memref<!tpu.dma_semaphore, #tpu.memory_space<semaphore_mem>>) src(%dma_wait3A_903 : memref<200100xf32, #tpu.memory_space<hbm>>) dst(%dma_wait3A_898 : memref<128xf32, #tpu.memory_space<vmem>>)
    %get3A_904 = arith.constant 0 : i32
    %get3A_905 = arith.index_cast %get3A_904 : i32 to index
    %get3A_906 = arith.constant 0 : index
    %get3A_907 = tpu.vector_load %arg17[%get3A_905, %get3A_906] {strides = array<i32>} : memref<4x128xf32, #tpu.memory_space<vmem>>, vector<1x16xf32>,
    %get3A_908 = vector.shape_cast %get3A_907 : vector<1x16xf32> to vector<16xf32>
    %get3A_909 = arith.constant 0 : i32
    %get3A_910 = arith.index_cast %get3A_909 : i32 to index
    %get3A_911 = arith.constant 0 : index
    %get3A_912 = tpu.vector_load %arg18[%get3A_910, %get3A_911] {strides = array<i32>} : memref<4x128xf32, #tpu.memory_space<vmem>>, vector<1x16xf32>,
    %get3A_913 = vector.shape_cast %get3A_912 : vector<1x16xf32> to vector<16xf32>
    %add3A_914 = arith.addf %get3A_908, %get3A_913 : vector<16xf32>
    %swap3A_915 = arith.constant 0 : i32
    %swap3A_916 = arith.index_cast %swap3A_915 : i32 to index
    %swap3A_917 = arith.constant 0 : index
    %swap3A_918 = tpu.vector_load %arg17[%swap3A_916, %swap3A_917] {strides = array<i32>} : memref<4x128xf32, #tpu.memory_space<vmem>>, vector<1x16xf32>,
    %swap3A_919 = vector.shape_cast %swap3A_918 : vector<1x16xf32> to vector<16xf32>
    %swap3A_920 = vector.shape_cast %add3A_914 : vector<16xf32> to vector<1x16xf32>
    tpu.vector_store %arg17[%swap3A_916, %swap3A_917], %swap3A_920 {strides = array<i32>} : memref<4x128xf32, #tpu.memory_space<vmem>>, vector<1x16xf32>,
    %get3A_921 = arith.constant 0 : i32
    %get3A_922 = arith.index_cast %get3A_921 : i32 to index
    %get3A_923 = arith.constant 16 : index
    %get3A_924 = tpu.vector_load %arg17[%get3A_922, %get3A_923] {strides = array<i32>} : memref<4x128xf32, #tpu.memory_space<vmem>>, vector<1x16xf32>,
    %get3A_925 = vector.shape_cast %get3A_924 : vector<1x16xf32> to vector<16xf32>
    %get3A_926 = arith.constant 0 : i32
    %get3A_927 = arith.index_cast %get3A_926 : i32 to index
    %get3A_928 = arith.constant 16 : index
    %get3A_929 = tpu.vector_load %arg18[%get3A_927, %get3A_928] {strides = array<i32>} : memref<4x128xf32, #tpu.memory_space<vmem>>, vector<1x16xf32>,
    %get3A_930 = vector.shape_cast %get3A_929 : vector<1x16xf32> to vector<16xf32>
    %add3A_931 = arith.addf %get3A_925, %get3A_930 : vector<16xf32>
    %swap3A_932 = arith.constant 0 : i32
    %swap3A_933 = arith.index_cast %swap3A_932 : i32 to index
    %swap3A_934 = arith.constant 16 : index
    %swap3A_935 = tpu.vector_load %arg17[%swap3A_933, %swap3A_934] {strides = array<i32>} : memref<4x128xf32, #tpu.memory_space<vmem>>, vector<1x16xf32>,
    %swap3A_936 = vector.shape_cast %swap3A_935 : vector<1x16xf32> to vector<16xf32>
    %swap3A_937 = vector.shape_cast %add3A_931 : vector<16xf32> to vector<1x16xf32>
    tpu.vector_store %arg17[%swap3A_933, %swap3A_934], %swap3A_937 {strides = array<i32>} : memref<4x128xf32, #tpu.memory_space<vmem>>, vector<1x16xf32>,
    %get3A_938 = arith.constant 0 : i32
    %get3A_939 = arith.index_cast %get3A_938 : i32 to index
    %get3A_940 = arith.constant 32 : index
    %get3A_941 = tpu.vector_load %arg17[%get3A_939, %get3A_940] {strides = array<i32>} : memref<4x128xf32, #tpu.memory_space<vmem>>, vector<1x16xf32>,
    %get3A_942 = vector.shape_cast %get3A_941 : vector<1x16xf32> to vector<16xf32>
    %get3A_943 = arith.constant 0 : i32
    %get3A_944 = arith.index_cast %get3A_943 : i32 to index
    %get3A_945 = arith.constant 32 : index
    %get3A_946 = tpu.vector_load %arg18[%get3A_944, %get3A_945] {strides = array<i32>} : memref<4x128xf32, #tpu.memory_space<vmem>>, vector<1x16xf32>,
    %get3A_947 = vector.shape_cast %get3A_946 : vector<1x16xf32> to vector<16xf32>
    %add3A_948 = arith.addf %get3A_942, %get3A_947 : vector<16xf32>
    %swap3A_949 = arith.constant 0 : i32
    %swap3A_950 = arith.index_cast %swap3A_949 : i32 to index
    %swap3A_951 = arith.constant 32 : index
    %swap3A_952 = tpu.vector_load %arg17[%swap3A_950, %swap3A_951] {strides = array<i32>} : memref<4x128xf32, #tpu.memory_space<vmem>>, vector<1x16xf32>,
    %swap3A_953 = vector.shape_cast %swap3A_952 : vector<1x16xf32> to vector<16xf32>
    %swap3A_954 = vector.shape_cast %add3A_948 : vector<16xf32> to vector<1x16xf32>
    tpu.vector_store %arg17[%swap3A_950, %swap3A_951], %swap3A_954 {strides = array<i32>} : memref<4x128xf32, #tpu.memory_space<vmem>>, vector<1x16xf32>,
    %get3A_955 = arith.constant 0 : i32
    %get3A_956 = arith.index_cast %get3A_955 : i32 to index
    %get3A_957 = arith.constant 48 : index
    %get3A_958 = tpu.vector_load %arg17[%get3A_956, %get3A_957] {strides = array<i32>} : memref<4x128xf32, #tpu.memory_space<vmem>>, vector<1x16xf32>,
    %get3A_959 = vector.shape_cast %get3A_958 : vector<1x16xf32> to vector<16xf32>
    %get3A_960 = arith.constant 0 : i32
    %get3A_961 = arith.index_cast %get3A_960 : i32 to index
    %get3A_962 = arith.constant 48 : index
    %get3A_963 = tpu.vector_load %arg18[%get3A_961, %get3A_962] {strides = array<i32>} : memref<4x128xf32, #tpu.memory_space<vmem>>, vector<1x16xf32>,
    %get3A_964 = vector.shape_cast %get3A_963 : vector<1x16xf32> to vector<16xf32>
    %add3A_965 = arith.addf %get3A_959, %get3A_964 : vector<16xf32>
    %swap3A_966 = arith.constant 0 : i32
    %swap3A_967 = arith.index_cast %swap3A_966 : i32 to index
    %swap3A_968 = arith.constant 48 : index
    %swap3A_969 = tpu.vector_load %arg17[%swap3A_967, %swap3A_968] {strides = array<i32>} : memref<4x128xf32, #tpu.memory_space<vmem>>, vector<1x16xf32>,
    %swap3A_970 = vector.shape_cast %swap3A_969 : vector<1x16xf32> to vector<16xf32>
    %swap3A_971 = vector.shape_cast %add3A_965 : vector<16xf32> to vector<1x16xf32>
    tpu.vector_store %arg17[%swap3A_967, %swap3A_968], %swap3A_971 {strides = array<i32>} : memref<4x128xf32, #tpu.memory_space<vmem>>, vector<1x16xf32>,
    %get3A_972 = arith.constant 0 : i32
    %get3A_973 = arith.index_cast %get3A_972 : i32 to index
    %get3A_974 = arith.constant 64 : index
    %get3A_975 = tpu.vector_load %arg17[%get3A_973, %get3A_974] {strides = array<i32>} : memref<4x128xf32, #tpu.memory_space<vmem>>, vector<1x16xf32>,
    %get3A_976 = vector.shape_cast %get3A_975 : vector<1x16xf32> to vector<16xf32>
    %get3A_977 = arith.constant 0 : i32
    %get3A_978 = arith.index_cast %get3A_977 : i32 to index
    %get3A_979 = arith.constant 64 : index
    %get3A_980 = tpu.vector_load %arg18[%get3A_978, %get3A_979] {strides = array<i32>} : memref<4x128xf32, #tpu.memory_space<vmem>>, vector<1x16xf32>,
    %get3A_981 = vector.shape_cast %get3A_980 : vector<1x16xf32> to vector<16xf32>
    %add3A_982 = arith.addf %get3A_976, %get3A_981 : vector<16xf32>
    %swap3A_983 = arith.constant 0 : i32
    %swap3A_984 = arith.index_cast %swap3A_983 : i32 to index
    %swap3A_985 = arith.constant 64 : index
    %swap3A_986 = tpu.vector_load %arg17[%swap3A_984, %swap3A_985] {strides = array<i32>} : memref<4x128xf32, #tpu.memory_space<vmem>>, vector<1x16xf32>,
    %swap3A_987 = vector.shape_cast %swap3A_986 : vector<1x16xf32> to vector<16xf32>
    %swap3A_988 = vector.shape_cast %add3A_982 : vector<16xf32> to vector<1x16xf32>
    tpu.vector_store %arg17[%swap3A_984, %swap3A_985], %swap3A_988 {strides = array<i32>} : memref<4x128xf32, #tpu.memory_space<vmem>>, vector<1x16xf32>,
    %get3A_989 = arith.constant 0 : i32
    %get3A_990 = arith.index_cast %get3A_989 : i32 to index
    %get3A_991 = arith.constant 80 : index
    %get3A_992 = tpu.vector_load %arg17[%get3A_990, %get3A_991] {strides = array<i32>} : memref<4x128xf32, #tpu.memory_space<vmem>>, vector<1x16xf32>,
    %get3A_993 = vector.shape_cast %get3A_992 : vector<1x16xf32> to vector<16xf32>
    %get3A_994 = arith.constant 0 : i32
    %get3A_995 = arith.index_cast %get3A_994 : i32 to index
    %get3A_996 = arith.constant 80 : index
    %get3A_997 = tpu.vector_load %arg18[%get3A_995, %get3A_996] {strides = array<i32>} : memref<4x128xf32, #tpu.memory_space<vmem>>, vector<1x16xf32>,
    %get3A_998 = vector.shape_cast %get3A_997 : vector<1x16xf32> to vector<16xf32>
    %add3A_999 = arith.addf %get3A_993, %get3A_998 : vector<16xf32>
    %swap3A_1000 = arith.constant 0 : i32
    %swap3A_1001 = arith.index_cast %swap3A_1000 : i32 to index
    %swap3A_1002 = arith.constant 80 : index
    %swap3A_1003 = tpu.vector_load %arg17[%swap3A_1001, %swap3A_1002] {strides = array<i32>} : memref<4x128xf32, #tpu.memory_space<vmem>>, vector<1x16xf32>,
    %swap3A_1004 = vector.shape_cast %swap3A_1003 : vector<1x16xf32> to vector<16xf32>
    %swap3A_1005 = vector.shape_cast %add3A_999 : vector<16xf32> to vector<1x16xf32>
    tpu.vector_store %arg17[%swap3A_1001, %swap3A_1002], %swap3A_1005 {strides = array<i32>} : memref<4x128xf32, #tpu.memory_space<vmem>>, vector<1x16xf32>,
    %get3A_1006 = arith.constant 0 : i32
    %get3A_1007 = arith.index_cast %get3A_1006 : i32 to index
    %get3A_1008 = arith.constant 96 : index
    %get3A_1009 = tpu.vector_load %arg17[%get3A_1007, %get3A_1008] {strides = array<i32>} : memref<4x128xf32, #tpu.memory_space<vmem>>, vector<1x16xf32>,
    %get3A_1010 = vector.shape_cast %get3A_1009 : vector<1x16xf32> to vector<16xf32>
    %get3A_1011 = arith.constant 0 : i32
    %get3A_1012 = arith.index_cast %get3A_1011 : i32 to index
    %get3A_1013 = arith.constant 96 : index
    %get3A_1014 = tpu.vector_load %arg18[%get3A_1012, %get3A_1013] {strides = array<i32>} : memref<4x128xf32, #tpu.memory_space<vmem>>, vector<1x16xf32>,
    %get3A_1015 = vector.shape_cast %get3A_1014 : vector<1x16xf32> to vector<16xf32>
    %add3A_1016 = arith.addf %get3A_1010, %get3A_1015 : vector<16xf32>
    %swap3A_1017 = arith.constant 0 : i32
    %swap3A_1018 = arith.index_cast %swap3A_1017 : i32 to index
    %swap3A_1019 = arith.constant 96 : index
    %swap3A_1020 = tpu.vector_load %arg17[%swap3A_1018, %swap3A_1019] {strides = array<i32>} : memref<4x128xf32, #tpu.memory_space<vmem>>, vector<1x16xf32>,
    %swap3A_1021 = vector.shape_cast %swap3A_1020 : vector<1x16xf32> to vector<16xf32>
    %swap3A_1022 = vector.shape_cast %add3A_1016 : vector<16xf32> to vector<1x16xf32>
    tpu.vector_store %arg17[%swap3A_1018, %swap3A_1019], %swap3A_1022 {strides = array<i32>} : memref<4x128xf32, #tpu.memory_space<vmem>>, vector<1x16xf32>,
    %get3A_1023 = arith.constant 0 : i32
    %get3A_1024 = arith.index_cast %get3A_1023 : i32 to index
    %get3A_1025 = arith.constant 112 : index
    %get3A_1026 = tpu.vector_load %arg17[%get3A_1024, %get3A_1025] {strides = array<i32>} : memref<4x128xf32, #tpu.memory_space<vmem>>, vector<1x16xf32>,
    %get3A_1027 = vector.shape_cast %get3A_1026 : vector<1x16xf32> to vector<16xf32>
    %get3A_1028 = arith.constant 0 : i32
    %get3A_1029 = arith.index_cast %get3A_1028 : i32 to index
    %get3A_1030 = arith.constant 112 : index
    %get3A_1031 = tpu.vector_load %arg18[%get3A_1029, %get3A_1030] {strides = array<i32>} : memref<4x128xf32, #tpu.memory_space<vmem>>, vector<1x16xf32>,
    %get3A_1032 = vector.shape_cast %get3A_1031 : vector<1x16xf32> to vector<16xf32>
    %add3A_1033 = arith.addf %get3A_1027, %get3A_1032 : vector<16xf32>
    %swap3A_1034 = arith.constant 0 : i32
    %swap3A_1035 = arith.index_cast %swap3A_1034 : i32 to index
    %swap3A_1036 = arith.constant 112 : index
    %swap3A_1037 = tpu.vector_load %arg17[%swap3A_1035, %swap3A_1036] {strides = array<i32>} : memref<4x128xf32, #tpu.memory_space<vmem>>, vector<1x16xf32>,
    %swap3A_1038 = vector.shape_cast %swap3A_1037 : vector<1x16xf32> to vector<16xf32>
    %swap3A_1039 = vector.shape_cast %add3A_1033 : vector<16xf32> to vector<1x16xf32>
    tpu.vector_store %arg17[%swap3A_1035, %swap3A_1036], %swap3A_1039 {strides = array<i32>} : memref<4x128xf32, #tpu.memory_space<vmem>>, vector<1x16xf32>,
    %get3A_1040 = arith.constant 1 : i32
    %get3A_1041 = arith.index_cast %get3A_1040 : i32 to index
    %get3A_1042 = arith.constant 0 : index
    %get3A_1043 = tpu.vector_load %arg17[%get3A_1041, %get3A_1042] {strides = array<i32>} : memref<4x128xf32, #tpu.memory_space<vmem>>, vector<1x16xf32>,
    %get3A_1044 = vector.shape_cast %get3A_1043 : vector<1x16xf32> to vector<16xf32>
    %get3A_1045 = arith.constant 1 : i32
    %get3A_1046 = arith.index_cast %get3A_1045 : i32 to index
    %get3A_1047 = arith.constant 0 : index
    %get3A_1048 = tpu.vector_load %arg18[%get3A_1046, %get3A_1047] {strides = array<i32>} : memref<4x128xf32, #tpu.memory_space<vmem>>, vector<1x16xf32>,
    %get3A_1049 = vector.shape_cast %get3A_1048 : vector<1x16xf32> to vector<16xf32>
    %add3A_1050 = arith.addf %get3A_1044, %get3A_1049 : vector<16xf32>
    %swap3A_1051 = arith.constant 1 : i32
    %swap3A_1052 = arith.index_cast %swap3A_1051 : i32 to index
    %swap3A_1053 = arith.constant 0 : index
    %swap3A_1054 = tpu.vector_load %arg17[%swap3A_1052, %swap3A_1053] {strides = array<i32>} : memref<4x128xf32, #tpu.memory_space<vmem>>, vector<1x16xf32>,
    %swap3A_1055 = vector.shape_cast %swap3A_1054 : vector<1x16xf32> to vector<16xf32>
    %swap3A_1056 = vector.shape_cast %add3A_1050 : vector<16xf32> to vector<1x16xf32>
    tpu.vector_store %arg17[%swap3A_1052, %swap3A_1053], %swap3A_1056 {strides = array<i32>} : memref<4x128xf32, #tpu.memory_space<vmem>>, vector<1x16xf32>,
    %get3A_1057 = arith.constant 1 : i32
    %get3A_1058 = arith.index_cast %get3A_1057 : i32 to index
    %get3A_1059 = arith.constant 16 : index
    %get3A_1060 = tpu.vector_load %arg17[%get3A_1058, %get3A_1059] {strides = array<i32>} : memref<4x128xf32, #tpu.memory_space<vmem>>, vector<1x16xf32>,
    %get3A_1061 = vector.shape_cast %get3A_1060 : vector<1x16xf32> to vector<16xf32>
    %get3A_1062 = arith.constant 1 : i32
    %get3A_1063 = arith.index_cast %get3A_1062 : i32 to index
    %get3A_1064 = arith.constant 16 : index
    %get3A_1065 = tpu.vector_load %arg18[%get3A_1063, %get3A_1064] {strides = array<i32>} : memref<4x128xf32, #tpu.memory_space<vmem>>, vector<1x16xf32>,
    %get3A_1066 = vector.shape_cast %get3A_1065 : vector<1x16xf32> to vector<16xf32>
    %add3A_1067 = arith.addf %get3A_1061, %get3A_1066 : vector<16xf32>
    %swap3A_1068 = arith.constant 1 : i32
    %swap3A_1069 = arith.index_cast %swap3A_1068 : i32 to index
    %swap3A_1070 = arith.constant 16 : index
    %swap3A_1071 = tpu.vector_load %arg17[%swap3A_1069, %swap3A_1070] {strides = array<i32>} : memref<4x128xf32, #tpu.memory_space<vmem>>, vector<1x16xf32>,
    %swap3A_1072 = vector.shape_cast %swap3A_1071 : vector<1x16xf32> to vector<16xf32>
    %swap3A_1073 = vector.shape_cast %add3A_1067 : vector<16xf32> to vector<1x16xf32>
    tpu.vector_store %arg17[%swap3A_1069, %swap3A_1070], %swap3A_1073 {strides = array<i32>} : memref<4x128xf32, #tpu.memory_space<vmem>>, vector<1x16xf32>,
    %get3A_1074 = arith.constant 1 : i32
    %get3A_1075 = arith.index_cast %get3A_1074 : i32 to index
    %get3A_1076 = arith.constant 32 : index
    %get3A_1077 = tpu.vector_load %arg17[%get3A_1075, %get3A_1076] {strides = array<i32>} : memref<4x128xf32, #tpu.memory_space<vmem>>, vector<1x16xf32>,
    %get3A_1078 = vector.shape_cast %get3A_1077 : vector<1x16xf32> to vector<16xf32>
    %get3A_1079 = arith.constant 1 : i32
    %get3A_1080 = arith.index_cast %get3A_1079 : i32 to index
    %get3A_1081 = arith.constant 32 : index
    %get3A_1082 = tpu.vector_load %arg18[%get3A_1080, %get3A_1081] {strides = array<i32>} : memref<4x128xf32, #tpu.memory_space<vmem>>, vector<1x16xf32>,
    %get3A_1083 = vector.shape_cast %get3A_1082 : vector<1x16xf32> to vector<16xf32>
    %add3A_1084 = arith.addf %get3A_1078, %get3A_1083 : vector<16xf32>
    %swap3A_1085 = arith.constant 1 : i32
    %swap3A_1086 = arith.index_cast %swap3A_1085 : i32 to index
    %swap3A_1087 = arith.constant 32 : index
    %swap3A_1088 = tpu.vector_load %arg17[%swap3A_1086, %swap3A_1087] {strides = array<i32>} : memref<4x128xf32, #tpu.memory_space<vmem>>, vector<1x16xf32>,
    %swap3A_1089 = vector.shape_cast %swap3A_1088 : vector<1x16xf32> to vector<16xf32>
    %swap3A_1090 = vector.shape_cast %add3A_1084 : vector<16xf32> to vector<1x16xf32>
    tpu.vector_store %arg17[%swap3A_1086, %swap3A_1087], %swap3A_1090 {strides = array<i32>} : memref<4x128xf32, #tpu.memory_space<vmem>>, vector<1x16xf32>,
    %get3A_1091 = arith.constant 1 : i32
    %get3A_1092 = arith.index_cast %get3A_1091 : i32 to index
    %get3A_1093 = arith.constant 48 : index
    %get3A_1094 = tpu.vector_load %arg17[%get3A_1092, %get3A_1093] {strides = array<i32>} : memref<4x128xf32, #tpu.memory_space<vmem>>, vector<1x16xf32>,
    %get3A_1095 = vector.shape_cast %get3A_1094 : vector<1x16xf32> to vector<16xf32>
    %get3A_1096 = arith.constant 1 : i32
    %get3A_1097 = arith.index_cast %get3A_1096 : i32 to index
    %get3A_1098 = arith.constant 48 : index
    %get3A_1099 = tpu.vector_load %arg18[%get3A_1097, %get3A_1098] {strides = array<i32>} : memref<4x128xf32, #tpu.memory_space<vmem>>, vector<1x16xf32>,
    %get3A_1100 = vector.shape_cast %get3A_1099 : vector<1x16xf32> to vector<16xf32>
    %add3A_1101 = arith.addf %get3A_1095, %get3A_1100 : vector<16xf32>
    %swap3A_1102 = arith.constant 1 : i32
    %swap3A_1103 = arith.index_cast %swap3A_1102 : i32 to index
    %swap3A_1104 = arith.constant 48 : index
    %swap3A_1105 = tpu.vector_load %arg17[%swap3A_1103, %swap3A_1104] {strides = array<i32>} : memref<4x128xf32, #tpu.memory_space<vmem>>, vector<1x16xf32>,
    %swap3A_1106 = vector.shape_cast %swap3A_1105 : vector<1x16xf32> to vector<16xf32>
    %swap3A_1107 = vector.shape_cast %add3A_1101 : vector<16xf32> to vector<1x16xf32>
    tpu.vector_store %arg17[%swap3A_1103, %swap3A_1104], %swap3A_1107 {strides = array<i32>} : memref<4x128xf32, #tpu.memory_space<vmem>>, vector<1x16xf32>,
    %get3A_1108 = arith.constant 1 : i32
    %get3A_1109 = arith.index_cast %get3A_1108 : i32 to index
    %get3A_1110 = arith.constant 64 : index
    %get3A_1111 = tpu.vector_load %arg17[%get3A_1109, %get3A_1110] {strides = array<i32>} : memref<4x128xf32, #tpu.memory_space<vmem>>, vector<1x16xf32>,
    %get3A_1112 = vector.shape_cast %get3A_1111 : vector<1x16xf32> to vector<16xf32>
    %get3A_1113 = arith.constant 1 : i32
    %get3A_1114 = arith.index_cast %get3A_1113 : i32 to index
    %get3A_1115 = arith.constant 64 : index
    %get3A_1116 = tpu.vector_load %arg18[%get3A_1114, %get3A_1115] {strides = array<i32>} : memref<4x128xf32, #tpu.memory_space<vmem>>, vector<1x16xf32>,
    %get3A_1117 = vector.shape_cast %get3A_1116 : vector<1x16xf32> to vector<16xf32>
    %add3A_1118 = arith.addf %get3A_1112, %get3A_1117 : vector<16xf32>
    %swap3A_1119 = arith.constant 1 : i32
    %swap3A_1120 = arith.index_cast %swap3A_1119 : i32 to index
    %swap3A_1121 = arith.constant 64 : index
    %swap3A_1122 = tpu.vector_load %arg17[%swap3A_1120, %swap3A_1121] {strides = array<i32>} : memref<4x128xf32, #tpu.memory_space<vmem>>, vector<1x16xf32>,
    %swap3A_1123 = vector.shape_cast %swap3A_1122 : vector<1x16xf32> to vector<16xf32>
    %swap3A_1124 = vector.shape_cast %add3A_1118 : vector<16xf32> to vector<1x16xf32>
    tpu.vector_store %arg17[%swap3A_1120, %swap3A_1121], %swap3A_1124 {strides = array<i32>} : memref<4x128xf32, #tpu.memory_space<vmem>>, vector<1x16xf32>,
    %get3A_1125 = arith.constant 1 : i32
    %get3A_1126 = arith.index_cast %get3A_1125 : i32 to index
    %get3A_1127 = arith.constant 80 : index
    %get3A_1128 = tpu.vector_load %arg17[%get3A_1126, %get3A_1127] {strides = array<i32>} : memref<4x128xf32, #tpu.memory_space<vmem>>, vector<1x16xf32>,
    %get3A_1129 = vector.shape_cast %get3A_1128 : vector<1x16xf32> to vector<16xf32>
    %get3A_1130 = arith.constant 1 : i32
    %get3A_1131 = arith.index_cast %get3A_1130 : i32 to index
    %get3A_1132 = arith.constant 80 : index
    %get3A_1133 = tpu.vector_load %arg18[%get3A_1131, %get3A_1132] {strides = array<i32>} : memref<4x128xf32, #tpu.memory_space<vmem>>, vector<1x16xf32>,
    %get3A_1134 = vector.shape_cast %get3A_1133 : vector<1x16xf32> to vector<16xf32>
    %add3A_1135 = arith.addf %get3A_1129, %get3A_1134 : vector<16xf32>
    %swap3A_1136 = arith.constant 1 : i32
    %swap3A_1137 = arith.index_cast %swap3A_1136 : i32 to index
    %swap3A_1138 = arith.constant 80 : index
    %swap3A_1139 = tpu.vector_load %arg17[%swap3A_1137, %swap3A_1138] {strides = array<i32>} : memref<4x128xf32, #tpu.memory_space<vmem>>, vector<1x16xf32>,
    %swap3A_1140 = vector.shape_cast %swap3A_1139 : vector<1x16xf32> to vector<16xf32>
    %swap3A_1141 = vector.shape_cast %add3A_1135 : vector<16xf32> to vector<1x16xf32>
    tpu.vector_store %arg17[%swap3A_1137, %swap3A_1138], %swap3A_1141 {strides = array<i32>} : memref<4x128xf32, #tpu.memory_space<vmem>>, vector<1x16xf32>,
    %get3A_1142 = arith.constant 1 : i32
    %get3A_1143 = arith.index_cast %get3A_1142 : i32 to index
    %get3A_1144 = arith.constant 96 : index
    %get3A_1145 = tpu.vector_load %arg17[%get3A_1143, %get3A_1144] {strides = array<i32>} : memref<4x128xf32, #tpu.memory_space<vmem>>, vector<1x16xf32>,
    %get3A_1146 = vector.shape_cast %get3A_1145 : vector<1x16xf32> to vector<16xf32>
    %get3A_1147 = arith.constant 1 : i32
    %get3A_1148 = arith.index_cast %get3A_1147 : i32 to index
    %get3A_1149 = arith.constant 96 : index
    %get3A_1150 = tpu.vector_load %arg18[%get3A_1148, %get3A_1149] {strides = array<i32>} : memref<4x128xf32, #tpu.memory_space<vmem>>, vector<1x16xf32>,
    %get3A_1151 = vector.shape_cast %get3A_1150 : vector<1x16xf32> to vector<16xf32>
    %add3A_1152 = arith.addf %get3A_1146, %get3A_1151 : vector<16xf32>
    %swap3A_1153 = arith.constant 1 : i32
    %swap3A_1154 = arith.index_cast %swap3A_1153 : i32 to index
    %swap3A_1155 = arith.constant 96 : index
    %swap3A_1156 = tpu.vector_load %arg17[%swap3A_1154, %swap3A_1155] {strides = array<i32>} : memref<4x128xf32, #tpu.memory_space<vmem>>, vector<1x16xf32>,
    %swap3A_1157 = vector.shape_cast %swap3A_1156 : vector<1x16xf32> to vector<16xf32>
    %swap3A_1158 = vector.shape_cast %add3A_1152 : vector<16xf32> to vector<1x16xf32>
    tpu.vector_store %arg17[%swap3A_1154, %swap3A_1155], %swap3A_1158 {strides = array<i32>} : memref<4x128xf32, #tpu.memory_space<vmem>>, vector<1x16xf32>,
    %get3A_1159 = arith.constant 1 : i32
    %get3A_1160 = arith.index_cast %get3A_1159 : i32 to index
    %get3A_1161 = arith.constant 112 : index
    %get3A_1162 = tpu.vector_load %arg17[%get3A_1160, %get3A_1161] {strides = array<i32>} : memref<4x128xf32, #tpu.memory_space<vmem>>, vector<1x16xf32>,
    %get3A_1163 = vector.shape_cast %get3A_1162 : vector<1x16xf32> to vector<16xf32>
    %get3A_1164 = arith.constant 1 : i32
    %get3A_1165 = arith.index_cast %get3A_1164 : i32 to index
    %get3A_1166 = arith.constant 112 : index
    %get3A_1167 = tpu.vector_load %arg18[%get3A_1165, %get3A_1166] {strides = array<i32>} : memref<4x128xf32, #tpu.memory_space<vmem>>, vector<1x16xf32>,
    %get3A_1168 = vector.shape_cast %get3A_1167 : vector<1x16xf32> to vector<16xf32>
    %add3A_1169 = arith.addf %get3A_1163, %get3A_1168 : vector<16xf32>
    %swap3A_1170 = arith.constant 1 : i32
    %swap3A_1171 = arith.index_cast %swap3A_1170 : i32 to index
    %swap3A_1172 = arith.constant 112 : index
    %swap3A_1173 = tpu.vector_load %arg17[%swap3A_1171, %swap3A_1172] {strides = array<i32>} : memref<4x128xf32, #tpu.memory_space<vmem>>, vector<1x16xf32>,
    %swap3A_1174 = vector.shape_cast %swap3A_1173 : vector<1x16xf32> to vector<16xf32>
    %swap3A_1175 = vector.shape_cast %add3A_1169 : vector<16xf32> to vector<1x16xf32>
    tpu.vector_store %arg17[%swap3A_1171, %swap3A_1172], %swap3A_1175 {strides = array<i32>} : memref<4x128xf32, #tpu.memory_space<vmem>>, vector<1x16xf32>,
    %get3A_1176 = arith.constant 2 : i32
    %get3A_1177 = arith.index_cast %get3A_1176 : i32 to index
    %get3A_1178 = arith.constant 0 : index
    %get3A_1179 = tpu.vector_load %arg17[%get3A_1177, %get3A_1178] {strides = array<i32>} : memref<4x128xf32, #tpu.memory_space<vmem>>, vector<1x16xf32>,
    %get3A_1180 = vector.shape_cast %get3A_1179 : vector<1x16xf32> to vector<16xf32>
    %get3A_1181 = arith.constant 2 : i32
    %get3A_1182 = arith.index_cast %get3A_1181 : i32 to index
    %get3A_1183 = arith.constant 0 : index
    %get3A_1184 = tpu.vector_load %arg18[%get3A_1182, %get3A_1183] {strides = array<i32>} : memref<4x128xf32, #tpu.memory_space<vmem>>, vector<1x16xf32>,
    %get3A_1185 = vector.shape_cast %get3A_1184 : vector<1x16xf32> to vector<16xf32>
    %add3A_1186 = arith.addf %get3A_1180, %get3A_1185 : vector<16xf32>
    %swap3A_1187 = arith.constant 2 : i32
    %swap3A_1188 = arith.index_cast %swap3A_1187 : i32 to index
    %swap3A_1189 = arith.constant 0 : index
    %swap3A_1190 = tpu.vector_load %arg17[%swap3A_1188, %swap3A_1189] {strides = array<i32>} : memref<4x128xf32, #tpu.memory_space<vmem>>, vector<1x16xf32>,
    %swap3A_1191 = vector.shape_cast %swap3A_1190 : vector<1x16xf32> to vector<16xf32>
    %swap3A_1192 = vector.shape_cast %add3A_1186 : vector<16xf32> to vector<1x16xf32>
    tpu.vector_store %arg17[%swap3A_1188, %swap3A_1189], %swap3A_1192 {strides = array<i32>} : memref<4x128xf32, #tpu.memory_space<vmem>>, vector<1x16xf32>,
    %get3A_1193 = arith.constant 2 : i32
    %get3A_1194 = arith.index_cast %get3A_1193 : i32 to index
    %get3A_1195 = arith.constant 16 : index
    %get3A_1196 = tpu.vector_load %arg17[%get3A_1194, %get3A_1195] {strides = array<i32>} : memref<4x128xf32, #tpu.memory_space<vmem>>, vector<1x16xf32>,
    %get3A_1197 = vector.shape_cast %get3A_1196 : vector<1x16xf32> to vector<16xf32>
    %get3A_1198 = arith.constant 2 : i32
    %get3A_1199 = arith.index_cast %get3A_1198 : i32 to index
    %get3A_1200 = arith.constant 16 : index
    %get3A_1201 = tpu.vector_load %arg18[%get3A_1199, %get3A_1200] {strides = array<i32>} : memref<4x128xf32, #tpu.memory_space<vmem>>, vector<1x16xf32>,
    %get3A_1202 = vector.shape_cast %get3A_1201 : vector<1x16xf32> to vector<16xf32>
    %add3A_1203 = arith.addf %get3A_1197, %get3A_1202 : vector<16xf32>
    %swap3A_1204 = arith.constant 2 : i32
    %swap3A_1205 = arith.index_cast %swap3A_1204 : i32 to index
    %swap3A_1206 = arith.constant 16 : index
    %swap3A_1207 = tpu.vector_load %arg17[%swap3A_1205, %swap3A_1206] {strides = array<i32>} : memref<4x128xf32, #tpu.memory_space<vmem>>, vector<1x16xf32>,
    %swap3A_1208 = vector.shape_cast %swap3A_1207 : vector<1x16xf32> to vector<16xf32>
    %swap3A_1209 = vector.shape_cast %add3A_1203 : vector<16xf32> to vector<1x16xf32>
    tpu.vector_store %arg17[%swap3A_1205, %swap3A_1206], %swap3A_1209 {strides = array<i32>} : memref<4x128xf32, #tpu.memory_space<vmem>>, vector<1x16xf32>,
    %get3A_1210 = arith.constant 2 : i32
    %get3A_1211 = arith.index_cast %get3A_1210 : i32 to index
    %get3A_1212 = arith.constant 32 : index
    %get3A_1213 = tpu.vector_load %arg17[%get3A_1211, %get3A_1212] {strides = array<i32>} : memref<4x128xf32, #tpu.memory_space<vmem>>, vector<1x16xf32>,
    %get3A_1214 = vector.shape_cast %get3A_1213 : vector<1x16xf32> to vector<16xf32>
    %get3A_1215 = arith.constant 2 : i32
    %get3A_1216 = arith.index_cast %get3A_1215 : i32 to index
    %get3A_1217 = arith.constant 32 : index
    %get3A_1218 = tpu.vector_load %arg18[%get3A_1216, %get3A_1217] {strides = array<i32>} : memref<4x128xf32, #tpu.memory_space<vmem>>, vector<1x16xf32>,
    %get3A_1219 = vector.shape_cast %get3A_1218 : vector<1x16xf32> to vector<16xf32>
    %add3A_1220 = arith.addf %get3A_1214, %get3A_1219 : vector<16xf32>
    %swap3A_1221 = arith.constant 2 : i32
    %swap3A_1222 = arith.index_cast %swap3A_1221 : i32 to index
    %swap3A_1223 = arith.constant 32 : index
    %swap3A_1224 = tpu.vector_load %arg17[%swap3A_1222, %swap3A_1223] {strides = array<i32>} : memref<4x128xf32, #tpu.memory_space<vmem>>, vector<1x16xf32>,
    %swap3A_1225 = vector.shape_cast %swap3A_1224 : vector<1x16xf32> to vector<16xf32>
    %swap3A_1226 = vector.shape_cast %add3A_1220 : vector<16xf32> to vector<1x16xf32>
    tpu.vector_store %arg17[%swap3A_1222, %swap3A_1223], %swap3A_1226 {strides = array<i32>} : memref<4x128xf32, #tpu.memory_space<vmem>>, vector<1x16xf32>,
    %get3A_1227 = arith.constant 2 : i32
    %get3A_1228 = arith.index_cast %get3A_1227 : i32 to index
    %get3A_1229 = arith.constant 48 : index
    %get3A_1230 = tpu.vector_load %arg17[%get3A_1228, %get3A_1229] {strides = array<i32>} : memref<4x128xf32, #tpu.memory_space<vmem>>, vector<1x16xf32>,
    %get3A_1231 = vector.shape_cast %get3A_1230 : vector<1x16xf32> to vector<16xf32>
    %get3A_1232 = arith.constant 2 : i32
    %get3A_1233 = arith.index_cast %get3A_1232 : i32 to index
    %get3A_1234 = arith.constant 48 : index
    %get3A_1235 = tpu.vector_load %arg18[%get3A_1233, %get3A_1234] {strides = array<i32>} : memref<4x128xf32, #tpu.memory_space<vmem>>, vector<1x16xf32>,
    %get3A_1236 = vector.shape_cast %get3A_1235 : vector<1x16xf32> to vector<16xf32>
    %add3A_1237 = arith.addf %get3A_1231, %get3A_1236 : vector<16xf32>
    %swap3A_1238 = arith.constant 2 : i32
    %swap3A_1239 = arith.index_cast %swap3A_1238 : i32 to index
    %swap3A_1240 = arith.constant 48 : index
    %swap3A_1241 = tpu.vector_load %arg17[%swap3A_1239, %swap3A_1240] {strides = array<i32>} : memref<4x128xf32, #tpu.memory_space<vmem>>, vector<1x16xf32>,
    %swap3A_1242 = vector.shape_cast %swap3A_1241 : vector<1x16xf32> to vector<16xf32>
    %swap3A_1243 = vector.shape_cast %add3A_1237 : vector<16xf32> to vector<1x16xf32>
    tpu.vector_store %arg17[%swap3A_1239, %swap3A_1240], %swap3A_1243 {strides = array<i32>} : memref<4x128xf32, #tpu.memory_space<vmem>>, vector<1x16xf32>,
    %get3A_1244 = arith.constant 2 : i32
    %get3A_1245 = arith.index_cast %get3A_1244 : i32 to index
    %get3A_1246 = arith.constant 64 : index
    %get3A_1247 = tpu.vector_load %arg17[%get3A_1245, %get3A_1246] {strides = array<i32>} : memref<4x128xf32, #tpu.memory_space<vmem>>, vector<1x16xf32>,
    %get3A_1248 = vector.shape_cast %get3A_1247 : vector<1x16xf32> to vector<16xf32>
    %get3A_1249 = arith.constant 2 : i32
    %get3A_1250 = arith.index_cast %get3A_1249 : i32 to index
    %get3A_1251 = arith.constant 64 : index
    %get3A_1252 = tpu.vector_load %arg18[%get3A_1250, %get3A_1251] {strides = array<i32>} : memref<4x128xf32, #tpu.memory_space<vmem>>, vector<1x16xf32>,
    %get3A_1253 = vector.shape_cast %get3A_1252 : vector<1x16xf32> to vector<16xf32>
    %add3A_1254 = arith.addf %get3A_1248, %get3A_1253 : vector<16xf32>
    %swap3A_1255 = arith.constant 2 : i32
    %swap3A_1256 = arith.index_cast %swap3A_1255 : i32 to index
    %swap3A_1257 = arith.constant 64 : index
    %swap3A_1258 = tpu.vector_load %arg17[%swap3A_1256, %swap3A_1257] {strides = array<i32>} : memref<4x128xf32, #tpu.memory_space<vmem>>, vector<1x16xf32>,
    %swap3A_1259 = vector.shape_cast %swap3A_1258 : vector<1x16xf32> to vector<16xf32>
    %swap3A_1260 = vector.shape_cast %add3A_1254 : vector<16xf32> to vector<1x16xf32>
    tpu.vector_store %arg17[%swap3A_1256, %swap3A_1257], %swap3A_1260 {strides = array<i32>} : memref<4x128xf32, #tpu.memory_space<vmem>>, vector<1x16xf32>,
    %get3A_1261 = arith.constant 2 : i32
    %get3A_1262 = arith.index_cast %get3A_1261 : i32 to index
    %get3A_1263 = arith.constant 80 : index
    %get3A_1264 = tpu.vector_load %arg17[%get3A_1262, %get3A_1263] {strides = array<i32>} : memref<4x128xf32, #tpu.memory_space<vmem>>, vector<1x16xf32>,
    %get3A_1265 = vector.shape_cast %get3A_1264 : vector<1x16xf32> to vector<16xf32>
    %get3A_1266 = arith.constant 2 : i32
    %get3A_1267 = arith.index_cast %get3A_1266 : i32 to index
    %get3A_1268 = arith.constant 80 : index
    %get3A_1269 = tpu.vector_load %arg18[%get3A_1267, %get3A_1268] {strides = array<i32>} : memref<4x128xf32, #tpu.memory_space<vmem>>, vector<1x16xf32>,
    %get3A_1270 = vector.shape_cast %get3A_1269 : vector<1x16xf32> to vector<16xf32>
    %add3A_1271 = arith.addf %get3A_1265, %get3A_1270 : vector<16xf32>
    %swap3A_1272 = arith.constant 2 : i32
    %swap3A_1273 = arith.index_cast %swap3A_1272 : i32 to index
    %swap3A_1274 = arith.constant 80 : index
    %swap3A_1275 = tpu.vector_load %arg17[%swap3A_1273, %swap3A_1274] {strides = array<i32>} : memref<4x128xf32, #tpu.memory_space<vmem>>, vector<1x16xf32>,
    %swap3A_1276 = vector.shape_cast %swap3A_1275 : vector<1x16xf32> to vector<16xf32>
    %swap3A_1277 = vector.shape_cast %add3A_1271 : vector<16xf32> to vector<1x16xf32>
    tpu.vector_store %arg17[%swap3A_1273, %swap3A_1274], %swap3A_1277 {strides = array<i32>} : memref<4x128xf32, #tpu.memory_space<vmem>>, vector<1x16xf32>,
    %get3A_1278 = arith.constant 2 : i32
    %get3A_1279 = arith.index_cast %get3A_1278 : i32 to index
    %get3A_1280 = arith.constant 96 : index
    %get3A_1281 = tpu.vector_load %arg17[%get3A_1279, %get3A_1280] {strides = array<i32>} : memref<4x128xf32, #tpu.memory_space<vmem>>, vector<1x16xf32>,
    %get3A_1282 = vector.shape_cast %get3A_1281 : vector<1x16xf32> to vector<16xf32>
    %get3A_1283 = arith.constant 2 : i32
    %get3A_1284 = arith.index_cast %get3A_1283 : i32 to index
    %get3A_1285 = arith.constant 96 : index
    %get3A_1286 = tpu.vector_load %arg18[%get3A_1284, %get3A_1285] {strides = array<i32>} : memref<4x128xf32, #tpu.memory_space<vmem>>, vector<1x16xf32>,
    %get3A_1287 = vector.shape_cast %get3A_1286 : vector<1x16xf32> to vector<16xf32>
    %add3A_1288 = arith.addf %get3A_1282, %get3A_1287 : vector<16xf32>
    %swap3A_1289 = arith.constant 2 : i32
    %swap3A_1290 = arith.index_cast %swap3A_1289 : i32 to index
    %swap3A_1291 = arith.constant 96 : index
    %swap3A_1292 = tpu.vector_load %arg17[%swap3A_1290, %swap3A_1291] {strides = array<i32>} : memref<4x128xf32, #tpu.memory_space<vmem>>, vector<1x16xf32>,
    %swap3A_1293 = vector.shape_cast %swap3A_1292 : vector<1x16xf32> to vector<16xf32>
    %swap3A_1294 = vector.shape_cast %add3A_1288 : vector<16xf32> to vector<1x16xf32>
    tpu.vector_store %arg17[%swap3A_1290, %swap3A_1291], %swap3A_1294 {strides = array<i32>} : memref<4x128xf32, #tpu.memory_space<vmem>>, vector<1x16xf32>,
    %get3A_1295 = arith.constant 2 : i32
    %get3A_1296 = arith.index_cast %get3A_1295 : i32 to index
    %get3A_1297 = arith.constant 112 : index
    %get3A_1298 = tpu.vector_load %arg17[%get3A_1296, %get3A_1297] {strides = array<i32>} : memref<4x128xf32, #tpu.memory_space<vmem>>, vector<1x16xf32>,
    %get3A_1299 = vector.shape_cast %get3A_1298 : vector<1x16xf32> to vector<16xf32>
    %get3A_1300 = arith.constant 2 : i32
    %get3A_1301 = arith.index_cast %get3A_1300 : i32 to index
    %get3A_1302 = arith.constant 112 : index
    %get3A_1303 = tpu.vector_load %arg18[%get3A_1301, %get3A_1302] {strides = array<i32>} : memref<4x128xf32, #tpu.memory_space<vmem>>, vector<1x16xf32>,
    %get3A_1304 = vector.shape_cast %get3A_1303 : vector<1x16xf32> to vector<16xf32>
    %add3A_1305 = arith.addf %get3A_1299, %get3A_1304 : vector<16xf32>
    %swap3A_1306 = arith.constant 2 : i32
    %swap3A_1307 = arith.index_cast %swap3A_1306 : i32 to index
    %swap3A_1308 = arith.constant 112 : index
    %swap3A_1309 = tpu.vector_load %arg17[%swap3A_1307, %swap3A_1308] {strides = array<i32>} : memref<4x128xf32, #tpu.memory_space<vmem>>, vector<1x16xf32>,
    %swap3A_1310 = vector.shape_cast %swap3A_1309 : vector<1x16xf32> to vector<16xf32>
    %swap3A_1311 = vector.shape_cast %add3A_1305 : vector<16xf32> to vector<1x16xf32>
    tpu.vector_store %arg17[%swap3A_1307, %swap3A_1308], %swap3A_1311 {strides = array<i32>} : memref<4x128xf32, #tpu.memory_space<vmem>>, vector<1x16xf32>,
    %get3A_1312 = arith.constant 3 : i32
    %get3A_1313 = arith.index_cast %get3A_1312 : i32 to index
    %get3A_1314 = arith.constant 0 : index
    %get3A_1315 = tpu.vector_load %arg17[%get3A_1313, %get3A_1314] {strides = array<i32>} : memref<4x128xf32, #tpu.memory_space<vmem>>, vector<1x16xf32>,
    %get3A_1316 = vector.shape_cast %get3A_1315 : vector<1x16xf32> to vector<16xf32>
    %get3A_1317 = arith.constant 3 : i32
    %get3A_1318 = arith.index_cast %get3A_1317 : i32 to index
    %get3A_1319 = arith.constant 0 : index
    %get3A_1320 = tpu.vector_load %arg18[%get3A_1318, %get3A_1319] {strides = array<i32>} : memref<4x128xf32, #tpu.memory_space<vmem>>, vector<1x16xf32>,
    %get3A_1321 = vector.shape_cast %get3A_1320 : vector<1x16xf32> to vector<16xf32>
    %add3A_1322 = arith.addf %get3A_1316, %get3A_1321 : vector<16xf32>
    %swap3A_1323 = arith.constant 3 : i32
    %swap3A_1324 = arith.index_cast %swap3A_1323 : i32 to index
    %swap3A_1325 = arith.constant 0 : index
    %swap3A_1326 = tpu.vector_load %arg17[%swap3A_1324, %swap3A_1325] {strides = array<i32>} : memref<4x128xf32, #tpu.memory_space<vmem>>, vector<1x16xf32>,
    %swap3A_1327 = vector.shape_cast %swap3A_1326 : vector<1x16xf32> to vector<16xf32>
    %swap3A_1328 = vector.shape_cast %add3A_1322 : vector<16xf32> to vector<1x16xf32>
    tpu.vector_store %arg17[%swap3A_1324, %swap3A_1325], %swap3A_1328 {strides = array<i32>} : memref<4x128xf32, #tpu.memory_space<vmem>>, vector<1x16xf32>,
    %get3A_1329 = arith.constant 3 : i32
    %get3A_1330 = arith.index_cast %get3A_1329 : i32 to index
    %get3A_1331 = arith.constant 16 : index
    %get3A_1332 = tpu.vector_load %arg17[%get3A_1330, %get3A_1331] {strides = array<i32>} : memref<4x128xf32, #tpu.memory_space<vmem>>, vector<1x16xf32>,
    %get3A_1333 = vector.shape_cast %get3A_1332 : vector<1x16xf32> to vector<16xf32>
    %get3A_1334 = arith.constant 3 : i32
    %get3A_1335 = arith.index_cast %get3A_1334 : i32 to index
    %get3A_1336 = arith.constant 16 : index
    %get3A_1337 = tpu.vector_load %arg18[%get3A_1335, %get3A_1336] {strides = array<i32>} : memref<4x128xf32, #tpu.memory_space<vmem>>, vector<1x16xf32>,
    %get3A_1338 = vector.shape_cast %get3A_1337 : vector<1x16xf32> to vector<16xf32>
    %add3A_1339 = arith.addf %get3A_1333, %get3A_1338 : vector<16xf32>
    %swap3A_1340 = arith.constant 3 : i32
    %swap3A_1341 = arith.index_cast %swap3A_1340 : i32 to index
    %swap3A_1342 = arith.constant 16 : index
    %swap3A_1343 = tpu.vector_load %arg17[%swap3A_1341, %swap3A_1342] {strides = array<i32>} : memref<4x128xf32, #tpu.memory_space<vmem>>, vector<1x16xf32>,
    %swap3A_1344 = vector.shape_cast %swap3A_1343 : vector<1x16xf32> to vector<16xf32>
    %swap3A_1345 = vector.shape_cast %add3A_1339 : vector<16xf32> to vector<1x16xf32>
    tpu.vector_store %arg17[%swap3A_1341, %swap3A_1342], %swap3A_1345 {strides = array<i32>} : memref<4x128xf32, #tpu.memory_space<vmem>>, vector<1x16xf32>,
    %get3A_1346 = arith.constant 3 : i32
    %get3A_1347 = arith.index_cast %get3A_1346 : i32 to index
    %get3A_1348 = arith.constant 32 : index
    %get3A_1349 = tpu.vector_load %arg17[%get3A_1347, %get3A_1348] {strides = array<i32>} : memref<4x128xf32, #tpu.memory_space<vmem>>, vector<1x16xf32>,
    %get3A_1350 = vector.shape_cast %get3A_1349 : vector<1x16xf32> to vector<16xf32>
    %get3A_1351 = arith.constant 3 : i32
    %get3A_1352 = arith.index_cast %get3A_1351 : i32 to index
    %get3A_1353 = arith.constant 32 : index
    %get3A_1354 = tpu.vector_load %arg18[%get3A_1352, %get3A_1353] {strides = array<i32>} : memref<4x128xf32, #tpu.memory_space<vmem>>, vector<1x16xf32>,
    %get3A_1355 = vector.shape_cast %get3A_1354 : vector<1x16xf32> to vector<16xf32>
    %add3A_1356 = arith.addf %get3A_1350, %get3A_1355 : vector<16xf32>
    %swap3A_1357 = arith.constant 3 : i32
    %swap3A_1358 = arith.index_cast %swap3A_1357 : i32 to index
    %swap3A_1359 = arith.constant 32 : index
    %swap3A_1360 = tpu.vector_load %arg17[%swap3A_1358, %swap3A_1359] {strides = array<i32>} : memref<4x128xf32, #tpu.memory_space<vmem>>, vector<1x16xf32>,
    %swap3A_1361 = vector.shape_cast %swap3A_1360 : vector<1x16xf32> to vector<16xf32>
    %swap3A_1362 = vector.shape_cast %add3A_1356 : vector<16xf32> to vector<1x16xf32>
    tpu.vector_store %arg17[%swap3A_1358, %swap3A_1359], %swap3A_1362 {strides = array<i32>} : memref<4x128xf32, #tpu.memory_space<vmem>>, vector<1x16xf32>,
    %get3A_1363 = arith.constant 3 : i32
    %get3A_1364 = arith.index_cast %get3A_1363 : i32 to index
    %get3A_1365 = arith.constant 48 : index
    %get3A_1366 = tpu.vector_load %arg17[%get3A_1364, %get3A_1365] {strides = array<i32>} : memref<4x128xf32, #tpu.memory_space<vmem>>, vector<1x16xf32>,
    %get3A_1367 = vector.shape_cast %get3A_1366 : vector<1x16xf32> to vector<16xf32>
    %get3A_1368 = arith.constant 3 : i32
    %get3A_1369 = arith.index_cast %get3A_1368 : i32 to index
    %get3A_1370 = arith.constant 48 : index
    %get3A_1371 = tpu.vector_load %arg18[%get3A_1369, %get3A_1370] {strides = array<i32>} : memref<4x128xf32, #tpu.memory_space<vmem>>, vector<1x16xf32>,
    %get3A_1372 = vector.shape_cast %get3A_1371 : vector<1x16xf32> to vector<16xf32>
    %add3A_1373 = arith.addf %get3A_1367, %get3A_1372 : vector<16xf32>
    %swap3A_1374 = arith.constant 3 : i32
    %swap3A_1375 = arith.index_cast %swap3A_1374 : i32 to index
    %swap3A_1376 = arith.constant 48 : index
    %swap3A_1377 = tpu.vector_load %arg17[%swap3A_1375, %swap3A_1376] {strides = array<i32>} : memref<4x128xf32, #tpu.memory_space<vmem>>, vector<1x16xf32>,
    %swap3A_1378 = vector.shape_cast %swap3A_1377 : vector<1x16xf32> to vector<16xf32>
    %swap3A_1379 = vector.shape_cast %add3A_1373 : vector<16xf32> to vector<1x16xf32>
    tpu.vector_store %arg17[%swap3A_1375, %swap3A_1376], %swap3A_1379 {strides = array<i32>} : memref<4x128xf32, #tpu.memory_space<vmem>>, vector<1x16xf32>,
    %get3A_1380 = arith.constant 3 : i32
    %get3A_1381 = arith.index_cast %get3A_1380 : i32 to index
    %get3A_1382 = arith.constant 64 : index
    %get3A_1383 = tpu.vector_load %arg17[%get3A_1381, %get3A_1382] {strides = array<i32>} : memref<4x128xf32, #tpu.memory_space<vmem>>, vector<1x16xf32>,
    %get3A_1384 = vector.shape_cast %get3A_1383 : vector<1x16xf32> to vector<16xf32>
    %get3A_1385 = arith.constant 3 : i32
    %get3A_1386 = arith.index_cast %get3A_1385 : i32 to index
    %get3A_1387 = arith.constant 64 : index
    %get3A_1388 = tpu.vector_load %arg18[%get3A_1386, %get3A_1387] {strides = array<i32>} : memref<4x128xf32, #tpu.memory_space<vmem>>, vector<1x16xf32>,
    %get3A_1389 = vector.shape_cast %get3A_1388 : vector<1x16xf32> to vector<16xf32>
    %add3A_1390 = arith.addf %get3A_1384, %get3A_1389 : vector<16xf32>
    %swap3A_1391 = arith.constant 3 : i32
    %swap3A_1392 = arith.index_cast %swap3A_1391 : i32 to index
    %swap3A_1393 = arith.constant 64 : index
    %swap3A_1394 = tpu.vector_load %arg17[%swap3A_1392, %swap3A_1393] {strides = array<i32>} : memref<4x128xf32, #tpu.memory_space<vmem>>, vector<1x16xf32>,
    %swap3A_1395 = vector.shape_cast %swap3A_1394 : vector<1x16xf32> to vector<16xf32>
    %swap3A_1396 = vector.shape_cast %add3A_1390 : vector<16xf32> to vector<1x16xf32>
    tpu.vector_store %arg17[%swap3A_1392, %swap3A_1393], %swap3A_1396 {strides = array<i32>} : memref<4x128xf32, #tpu.memory_space<vmem>>, vector<1x16xf32>,
    %get3A_1397 = arith.constant 3 : i32
    %get3A_1398 = arith.index_cast %get3A_1397 : i32 to index
    %get3A_1399 = arith.constant 80 : index
    %get3A_1400 = tpu.vector_load %arg17[%get3A_1398, %get3A_1399] {strides = array<i32>} : memref<4x128xf32, #tpu.memory_space<vmem>>, vector<1x16xf32>,
    %get3A_1401 = vector.shape_cast %get3A_1400 : vector<1x16xf32> to vector<16xf32>
    %get3A_1402 = arith.constant 3 : i32
    %get3A_1403 = arith.index_cast %get3A_1402 : i32 to index
    %get3A_1404 = arith.constant 80 : index
    %get3A_1405 = tpu.vector_load %arg18[%get3A_1403, %get3A_1404] {strides = array<i32>} : memref<4x128xf32, #tpu.memory_space<vmem>>, vector<1x16xf32>,
    %get3A_1406 = vector.shape_cast %get3A_1405 : vector<1x16xf32> to vector<16xf32>
    %add3A_1407 = arith.addf %get3A_1401, %get3A_1406 : vector<16xf32>
    %swap3A_1408 = arith.constant 3 : i32
    %swap3A_1409 = arith.index_cast %swap3A_1408 : i32 to index
    %swap3A_1410 = arith.constant 80 : index
    %swap3A_1411 = tpu.vector_load %arg17[%swap3A_1409, %swap3A_1410] {strides = array<i32>} : memref<4x128xf32, #tpu.memory_space<vmem>>, vector<1x16xf32>,
    %swap3A_1412 = vector.shape_cast %swap3A_1411 : vector<1x16xf32> to vector<16xf32>
    %swap3A_1413 = vector.shape_cast %add3A_1407 : vector<16xf32> to vector<1x16xf32>
    tpu.vector_store %arg17[%swap3A_1409, %swap3A_1410], %swap3A_1413 {strides = array<i32>} : memref<4x128xf32, #tpu.memory_space<vmem>>, vector<1x16xf32>,
    %get3A_1414 = arith.constant 3 : i32
    %get3A_1415 = arith.index_cast %get3A_1414 : i32 to index
    %get3A_1416 = arith.constant 96 : index
    %get3A_1417 = tpu.vector_load %arg17[%get3A_1415, %get3A_1416] {strides = array<i32>} : memref<4x128xf32, #tpu.memory_space<vmem>>, vector<1x16xf32>,
    %get3A_1418 = vector.shape_cast %get3A_1417 : vector<1x16xf32> to vector<16xf32>
    %get3A_1419 = arith.constant 3 : i32
    %get3A_1420 = arith.index_cast %get3A_1419 : i32 to index
    %get3A_1421 = arith.constant 96 : index
    %get3A_1422 = tpu.vector_load %arg18[%get3A_1420, %get3A_1421] {strides = array<i32>} : memref<4x128xf32, #tpu.memory_space<vmem>>, vector<1x16xf32>,
    %get3A_1423 = vector.shape_cast %get3A_1422 : vector<1x16xf32> to vector<16xf32>
    %add3A_1424 = arith.addf %get3A_1418, %get3A_1423 : vector<16xf32>
    %swap3A_1425 = arith.constant 3 : i32
    %swap3A_1426 = arith.index_cast %swap3A_1425 : i32 to index
    %swap3A_1427 = arith.constant 96 : index
    %swap3A_1428 = tpu.vector_load %arg17[%swap3A_1426, %swap3A_1427] {strides = array<i32>} : memref<4x128xf32, #tpu.memory_space<vmem>>, vector<1x16xf32>,
    %swap3A_1429 = vector.shape_cast %swap3A_1428 : vector<1x16xf32> to vector<16xf32>
    %swap3A_1430 = vector.shape_cast %add3A_1424 : vector<16xf32> to vector<1x16xf32>
    tpu.vector_store %arg17[%swap3A_1426, %swap3A_1427], %swap3A_1430 {strides = array<i32>} : memref<4x128xf32, #tpu.memory_space<vmem>>, vector<1x16xf32>,
    %get3A_1431 = arith.constant 3 : i32
    %get3A_1432 = arith.index_cast %get3A_1431 : i32 to index
    %get3A_1433 = arith.constant 112 : index
    %get3A_1434 = tpu.vector_load %arg17[%get3A_1432, %get3A_1433] {strides = array<i32>} : memref<4x128xf32, #tpu.memory_space<vmem>>, vector<1x16xf32>,
    %get3A_1435 = vector.shape_cast %get3A_1434 : vector<1x16xf32> to vector<16xf32>
    %get3A_1436 = arith.constant 3 : i32
    %get3A_1437 = arith.index_cast %get3A_1436 : i32 to index
    %get3A_1438 = arith.constant 112 : index
    %get3A_1439 = tpu.vector_load %arg18[%get3A_1437, %get3A_1438] {strides = array<i32>} : memref<4x128xf32, #tpu.memory_space<vmem>>, vector<1x16xf32>,
    %get3A_1440 = vector.shape_cast %get3A_1439 : vector<1x16xf32> to vector<16xf32>
    %add3A_1441 = arith.addf %get3A_1435, %get3A_1440 : vector<16xf32>
    %swap3A_1442 = arith.constant 3 : i32
    %swap3A_1443 = arith.index_cast %swap3A_1442 : i32 to index
    %swap3A_1444 = arith.constant 112 : index
    %swap3A_1445 = tpu.vector_load %arg17[%swap3A_1443, %swap3A_1444] {strides = array<i32>} : memref<4x128xf32, #tpu.memory_space<vmem>>, vector<1x16xf32>,
    %swap3A_1446 = vector.shape_cast %swap3A_1445 : vector<1x16xf32> to vector<16xf32>
    %swap3A_1447 = vector.shape_cast %add3A_1441 : vector<16xf32> to vector<1x16xf32>
    tpu.vector_store %arg17[%swap3A_1443, %swap3A_1444], %swap3A_1447 {strides = array<i32>} : memref<4x128xf32, #tpu.memory_space<vmem>>, vector<1x16xf32>,
    "tpu.region"() ({
      %run_scoped3A = tpu.sem_alloc : memref<!tpu.dma_semaphore, #tpu.memory_space<semaphore_mem>>
      %dma_start3A_1448 = arith.constant 0 : i32
      %dma_start3A_1449 = tpu.memref_slice %arg8[%mul3A_2, %dma_start3A_1448] : memref<128x128xf32, #tpu.memory_space<hbm>> -> memref<4x128xf32, #tpu.memory_space<hbm>>
      %dma_start3A_1450 = arith.constant 0 : i32
      %dma_start3A_1451 = tpu.memref_slice %arg8[%mul3A_2, %dma_start3A_1450] : memref<128x128xf32, #tpu.memory_space<hbm>> -> memref<4x128xf32, #tpu.memory_space<hbm>>
      tpu.enqueue_dma source(%arg17 : memref<4x128xf32, #tpu.memory_space<vmem>>) target(%dma_start3A_1451 : memref<4x128xf32, #tpu.memory_space<hbm>>) target_semaphore(%run_scoped3A : memref<!tpu.dma_semaphore, #tpu.memory_space<semaphore_mem>>)
      %dma_wait3A_1452 = arith.constant 0 : i32
      %dma_wait3A_1453 = tpu.memref_slice %arg8[%mul3A_2, %dma_wait3A_1452] : memref<128x128xf32, #tpu.memory_space<hbm>> -> memref<4x128xf32, #tpu.memory_space<hbm>>
      %dma_wait3A_1454 = arith.constant 0 : i32
      %dma_wait3A_1455 = tpu.memref_slice %arg8[%mul3A_2, %dma_wait3A_1454] : memref<128x128xf32, #tpu.memory_space<hbm>> -> memref<4x128xf32, #tpu.memory_space<hbm>>
      tpu.wait_dma2 semaphore(%run_scoped3A : memref<!tpu.dma_semaphore, #tpu.memory_space<semaphore_mem>>) src(%arg17 : memref<4x128xf32, #tpu.memory_space<vmem>>) dst(%dma_wait3A_1455 : memref<4x128xf32, #tpu.memory_space<hbm>>)
      tpu.yield
    }) : () -> ()
    return
  }
}

module attributes {stable_mosaic.version = 14 : i64} {
  func.func @_combine_body(%arg0: memref<32x16xf32, #tpu.memory_space<vmem>>, %arg1: memref<128x128xf32, #tpu.memory_space<vmem>>, %arg2: memref<128x128xf32, #tpu.memory_space<vmem>>) attributes {dimension_semantics = [], scalar_prefetch = 0 : i64, scratch_operands = 0 : i64, tpu.core_type = #tpu.core_type<tc>} {
    %get3A = arith.constant 0 : index
    %get3A_0 = arith.constant 0 : index
    %get3A_1 = vector.load %arg0[%get3A, %get3A_0] : memref<32x16xf32, #tpu.memory_space<vmem>>, vector<32x16xf32>
    %reduce_sum3A = vector.shape_cast %get3A_1 : vector<32x16xf32> to vector<1x32x16xf32>
    %reduce_sum3A_2 = arith.constant dense<0.000000e+00> : vector<1xf32>
    %reduce_sum3A_3 = vector.multi_reduction <add>, %reduce_sum3A, %reduce_sum3A_2 [1, 2] : vector<1x32x16xf32> to vector<1xf32>
    %reduce_sum3A_4 = vector.shape_cast %reduce_sum3A_3 : vector<1xf32> to vector<1x1x1xf32>
    %reduce_sum3A_5 = vector.extract %reduce_sum3A_4[0, 0, 0] : f32 from vector<1x1x1xf32>
    %get3A_6 = arith.constant 0 : index
    %get3A_7 = arith.constant 0 : index
    %get3A_8 = vector.load %arg1[%get3A_6, %get3A_7] : memref<128x128xf32, #tpu.memory_space<vmem>>, vector<128x128xf32>
    %add3A = vector.broadcast %reduce_sum3A_5 : f32 to vector<128x128xf32>
    %add3A_9 = arith.addf %get3A_8, %add3A : vector<128x128xf32>
    %logistic3A = arith.negf %add3A_9 : vector<128x128xf32>
    %logistic3A_10 = math.exp %logistic3A : vector<128x128xf32>
    %logistic3A_11 = arith.constant 1.000000e+00 : f32
    %logistic3A_12 = vector.broadcast %logistic3A_11 : f32 to vector<128x128xf32>
    %logistic3A_13 = arith.addf %logistic3A_12, %logistic3A_10 : vector<128x128xf32>
    %logistic3A_14 = arith.divf %logistic3A_12, %logistic3A_13 : vector<128x128xf32>
    %swap3A = arith.constant 0 : index
    %swap3A_15 = arith.constant 0 : index
    %swap3A_16 = vector.load %arg2[%swap3A, %swap3A_15] : memref<128x128xf32, #tpu.memory_space<vmem>>, vector<128x128xf32>
    tpu.vector_store %arg2[%swap3A, %swap3A_15], %logistic3A_14 {strides = array<i32>} : memref<128x128xf32, #tpu.memory_space<vmem>>, vector<128x128xf32>,
    return
  }
}

</mosaic_0001>

<sc_bundles>
// kernel: kernel.4.cloned.1.call-start
scs
__scs_entry_jumppad:
0x0: {  	(pc) =	sbr.rel $0x88, $3  }
0x1: {  	(tag) =	ssettag $0x0;
	lr =	simm.s32 $0x1  }
0x2: {  	[smem:$0x3F9C] =	sst lr;
	_ =	strace $0xD0000000  }
0x3: {  	_ = 	snop  }
0x4: {  	_ = 	snop  }
0x5: {  	_ = 	snop  }
0x6: {  	_ = 	snop  }
0x7: {  	_ = 	snop  }
__scs_overlays_trampoline_lowered:
0x8: {  	[smem:$0x3FAB] =	sst s0  }
0x9: {  	[smem:$0x3FAC] =	sst s1  }
0xa: {  	[smem:$0x3FAD] =	sst s2  }
0xb: {  	[smem:$0x3FAE] =	sst s3  }
0xc: {  	[smem:$0x3FAF] =	sst s4  }
0xd: {  	[smem:$0x3FB0] =	sst s5  }
0xe: {  	[smem:$0x3FB1] =	sst s6  }
0xf: {  	[smem:$0x3FB2] =	sst s7  }
0x10: {  	[smem:$0x3FB3] =	sst s8  }
0x11: {  	[smem:$0x3FB4] =	sst s9;
	s0 =	simm.s32 @!p0 $0x0  }
0x12: {  	s1 =	sld [smem:$0x3F9A];
	s0 =	simm.s32 @p0 $0x1  }
0x13: {  	[smem:$0x3FB5] =	sst s0;
	s0 =	simm.s32 @!p1 $0x0  }
0x14: {  	s2 =	sld [smem:$0x3F99];
	s0 =	simm.s32 @p1 $0x1  }
0x15: {  	[smem:$0x3FB6] =	sst s0;
	s0 =	simm.s32 @!p2 $0x0  }
0x16: {  	s3 =	sld [smem:$0x3FDB];
	s0 =	simm.s32 @p2 $0x1  }
0x17: {  	s4 =	simm.s32 $0x1BF5;
	[smem:$0x3FB8] =	sst s0  }
0x18: {  	s0 =	sld [smem:$0x3F9B];
	_ =	swait.ge [sflag:s4], $0x0  }
0x19: {  	s7 =	sld [smem:$0x3F9C]  }
0x1a: {  	s8 =	sadd.s32 $0xFFFFE003, lr  }
0x1b: {  	s9 =	sadd.s32 $0xFFFFFEF7, lr;
	s5 =	simm.s32 $0xFFFFFFFF;
	p2 =	slt.u32 s8, $0xFFFFF086  }
0x1c: {  	p1 =	slt.u32 s9, $0xF7A;
	s5 =	simm.s32 @!p2 $0x0  }
0x1d: {  	s5 =	simm.s32 @p1 $0x1;
	p0 =	seq.s32 s7, s2  }
0x1e: {  	s7 =	smul.u32 @!p0 $0xF7A, s2;
	p2 =	seq.s32 @!p0 s5, $0x0  }
0x1f: {  	s9 =	smul.u32 $0xF7A, s1;
	s8 =	simm.s32 @!p0 $0x1BF5;
	p2 =	por !p2, p0  }
0x20: {  	[sflag:s8] =	ssyncset.s32 @!p0 $0xFFFFF086;
	s6 =	sadd.s32 @!p0 s3, s7;
	s7 =	simm.s32 @!p0 $0x108  }
0x21: {  	s3 =	sadd.s32 s3, s9;
	s6 =	sadd.s32 @!p0 $0x88, s6;
	s7 =	simm.s32 @p2 $0x1082  }
0x22: {  	[simem:s7], [sflag:s8] =	dma.local @!p0 [hbm:s6], $0xF7A  }
0x23: {  	s9 =	sor.u32 $0xD0000000, s2;
	s6 =	simm.s32 $0x108;
	_ =	swait.ge @!p0 [sflag:s8], $0x0  }
0x24: {  	s3 =	sadd.s32 $0x88, s3;
	s6 =	simm.s32 @!p1 $0x1082;
	[sflag:s4] =	ssyncset.s32 $0xFFFFF086  }
0x25: {  	[simem:s6], [sflag:s4] =	dma.local [hbm:s3], $0xF7A  }
0x26: {  	[smem:$0x3F9C] =	sst s1;
	(tag) =	ssettag s2;
	_ =	strace s9  }
0x27: {  	s1 =	sld [smem:$0x3FAC]  }
0x28: {  	s2 =	sld [smem:$0x3FAD]  }
0x29: {  	s4 =	sld [smem:$0x3FAF]  }
0x2a: {  	p0 =	seq.s32 s5, $0x0;
	s5 =	sld [smem:$0x3FB0]  }
0x2b: {  	s6 =	sld [smem:$0x3FB1]  }
0x2c: {  	s7 =	sld [smem:$0x3FB2]  }
0x2d: {  	s3 =	simm.s32 $0x108;
	s8 =	sld [smem:$0x3FB3]  }
0x2e: {  	s3 =	simm.s32 @!p0 $0x1082;
	s9 =	sld [smem:$0x3FB4]  }
0x2f: {  	lr =	sadd.s32 s0, s3;
	s0 =	sld [smem:$0x3FAB]  }
0x30: {  	s3 =	sld [smem:$0x3FAE]  }
0x31: {  	[smem:$0x3FB7] =	sst s10  }
0x32: {  	s10 =	sld [smem:$0x3FB5];
	_ =	sdelay $0x3  }
0x33: {  	p0 =	seq.s32 s10, $0x1;
	s10 =	sld [smem:$0x3FB7];
	_ =	sdelay $0x3  }
0x34: {  	[smem:$0x3FB7] =	sst s10  }
0x35: {  	s10 =	sld [smem:$0x3FB6];
	_ =	sdelay $0x3  }
0x36: {  	p1 =	seq.s32 s10, $0x1;
	s10 =	sld [smem:$0x3FB7];
	_ =	sdelay $0x3  }
0x37: {  	[smem:$0x3FB7] =	sst s10  }
0x38: {  	s10 =	sld [smem:$0x3FB8]  }
0x39: {  	_ = 	snop;
	(pc) =	sbr.ind lr, $3  }
0x3a: {  	_ = 	snop  }
0x3b: {  	_ = 	snop  }
0x3c: {  	p2 =	seq.s32 s10, $0x1;
	s10 =	sld [smem:$0x3FB7]  }
0x3d: {  	_ =	shalt  }
0x3e: {  	_ =	shalt  }
0x3f: {  	_ =	shalt  }
0x40: {  	_ =	shalt  }
0x41: {  	_ =	shalt  }
0x42: {  	_ =	shalt  }
0x43: {  	_ =	shalt  }
0x44: {  	_ =	shalt  }
0x45: {  	_ =	shalt  }
0x46: {  	_ =	shalt  }
0x47: {  	_ =	shalt  }
0x48: {  	_ =	shalt  }
0x49: {  	_ =	shalt  }
0x4a: {  	_ =	shalt  }
0x4b: {  	_ =	shalt  }
0x4c: {  	_ =	shalt  }
0x4d: {  	_ =	shalt  }
0x4e: {  	_ =	shalt  }
0x4f: {  	_ =	shalt  }
0x50: {  	_ =	shalt  }
0x51: {  	_ =	shalt  }
0x52: {  	_ =	shalt  }
0x53: {  	_ =	shalt  }
0x54: {  	_ =	shalt  }
0x55: {  	_ =	shalt  }
0x56: {  	_ =	shalt  }
0x57: {  	_ =	shalt  }
0x58: {  	_ =	shalt  }
0x59: {  	_ =	shalt  }
0x5a: {  	_ =	shalt  }
0x5b: {  	_ =	shalt  }
0x5c: {  	_ =	shalt  }
0x5d: {  	_ =	shalt  }
0x5e: {  	_ =	shalt  }
0x5f: {  	_ =	shalt  }
0x60: {  	_ =	shalt  }
0x61: {  	_ =	shalt  }
0x62: {  	_ =	shalt  }
0x63: {  	_ =	shalt  }
0x64: {  	_ =	shalt  }
0x65: {  	_ =	shalt  }
0x66: {  	_ =	shalt  }
0x67: {  	_ =	shalt  }
0x68: {  	_ =	shalt  }
0x69: {  	_ =	shalt  }
0x6a: {  	_ =	shalt  }
0x6b: {  	_ =	shalt  }
0x6c: {  	_ =	shalt  }
0x6d: {  	_ =	shalt  }
0x6e: {  	_ =	shalt  }
0x6f: {  	_ =	shalt  }
0x70: {  	_ =	shalt  }
0x71: {  	_ =	shalt  }
0x72: {  	_ =	shalt  }
0x73: {  	_ =	shalt  }
0x74: {  	_ =	shalt  }
0x75: {  	_ =	shalt  }
0x76: {  	_ =	shalt  }
0x77: {  	_ =	shalt  }
0x78: {  	_ =	shalt  }
0x79: {  	_ =	shalt  }
0x7a: {  	_ =	shalt  }
0x7b: {  	_ =	shalt  }
0x7c: {  	_ =	shalt  }
0x7d: {  	_ =	shalt  }
0x7e: {  	_ =	shalt  }
0x7f: {  	_ =	shalt  }
0x80: {  	_ =	shalt  }
0x81: {  	_ =	shalt  }
0x82: {  	_ =	shalt  }
0x83: {  	_ =	shalt  }
0x84: {  	_ =	shalt  }
0x85: {  	_ =	shalt  }
0x86: {  	_ =	shalt  }
0x87: {  	_ =	shalt  }
.Lfunc_end0:
.L_simem_size_0:
called_computation_lowered:
.L_overlay_start_0:
0x88: {  	s2 =	sld [smem:$0x3FD9]  }
0x89: {  	s3 =	sld [smem:$0x3FFE];
	_ =	sdelay $0x1  }
0x8a: {  	s1 =	srdreg.scid  }
0x8b: {  	s0 =	sand.u32 $0x1, s1  }
0x8c: {  	s17 =	sshll.u32 s0, $0xA;
	s2 =	sadd.s32 s3, s2  }
0x8d: {  	s2 =	sadd.s32 s2, s17  }
0x8e: {  	[smem:$0x3FC3] =	sst s2  }
0x8f: {  	_ = 	snop  }
0x90: {  	s2 =	sld [smem:$0x3FC8]  }
0x91: {  	s18 =	sld [smem:$0x3FC6]  }
0x92: {  	s4 =	sld [smem:$0x3FD0];
	(tm) =	ssettm $0x1  }
0x93: {  	s5 =	sld [smem:$0x3FFB];
	_ =	sdelay $0x3  }
0x94: {  	_ =	strace s5  }
0x95: {  	s5 =	sld [smem:$0x3FFC];
	_ =	sdelay $0x3  }
0x96: {  	_ =	strace s5  }
0x97: {  	s5 =	sld [smem:$0x3FFD];
	_ =	sdelay $0x3  }
0x98: {  	_ =	strace s5  }
0x99: {  	_ =	strace $0x8FFFFFFF  }
0x9a: {  	s19 =	sld [smem:$0x3FDB];
	_ =	sdelay $0x1  }
0x9b: {  	s6 =	simm.s32 $_scs_section_size  }
0x9c: {  	s7 =	simm.s32 $_size__tile_overlayer_lowered;
	s8 =	simm.s32 $_tile_overlayer_lowered  }
0x9d: {  	s22 =	simm.s32 $0x1BFF;
	s21 =	sshll.u32 s8, $0x1;
	s5 =	sadd.s32 s6, s19  }
0x9e: {  	s9 =	simm.s32 $0x0;
	s20 =	sshll.u32 s7, $0x1;
	s7 =	sadd.s32 s21, s5  }
0x9f: {  	[timem:s9], [sflag:s22] =	dma.local [hbm:s7], s20  }
0xa0: {  	_ =	swait.ge [sflag:s22], s20  }
0xa1: {  	s6 =	ssub.s32 $0x0, s20;
	[sflag:s22] =	ssyncset.done $0x0  }
0xa2: {  	[sflag:s22] =	ssyncadd.s32 s6;
	_ =	sdelay $0x1  }
0xa3: {  	s23 =	simm.s32 $0x1B8B  }
0xa4: {  	_ =	swait.ge [sflag:s23], $0x1  }
0xa5: {  	[sflag:s23] =	ssyncset.done $0x0  }
0xa6: {  	s25 =	simm.s32 $0x1B8E;
	s24 =	sld [smem:$0x3FFE];
	[sflag:s23] =	ssyncadd.s32 $0xFFFFFFFF  }
0xa7: {  	s26 =	simm.s32 $execute0_lowered;
	[smem:$0x3FD2] =	sst s25  }
0xa8: {  	s7 =	sshll.u32 s26, $0x1;
	_ =	strace $0x80000046;
	[dreg:$0x1] =	wrdreg $0xFFFFFFFF  }
0xa9: {  	s28 =	simm.s32 $_size_execute0_lowered;
	s5 =	sadd.s32 s5, s7;
	[dreg:$0x0] =	wrdreg $0x0  }
0xaa: {  	s7 =	sshll.u32 s28, $0x1;
	[dreg:$0x2] =	wrdreg s5  }
0xab: {  	[dreg:$0x3] =	wrdreg s7  }
0xac: {  	[dreg:$0x4] =	wrdreg $0xC0  }
0xad: {  	_ =	task [dreg:s9], $0x5FFFF  }
0xae: {  	[dreg:$0x1] =	wrdreg $0xFFFFFFFF  }
0xaf: {  	[dreg:$0x0] =	wrdreg $0x60  }
0xb0: {  	[dreg:$0x2] =	wrdreg s24  }
0xb1: {  	[dreg:$0x3] =	wrdreg s4  }
0xb2: {  	[dreg:$0x4] =	wrdreg s2  }
0xb3: {  	[dreg:$0x5] =	wrdreg s18  }
0xb4: {  	[dreg:$0x6] =	wrdreg $0x9  }
0xb5: {  	_ =	task.clear_ibuf [dreg:s9], $0x7FFFF;
	_ =	strace $0x90000046  }
0xb6: {  	s29 =	simm.s32 $0x9;
	_ =	strace $0x80000048  }
0xb7: {  	_ =	swait.ge [sflag:s29], $0x1  }
0xb8: {  	[sflag:s29] =	ssyncadd.s32 $0xFFFFFFFF  }
0xb9: {  	_ =	strace $0x90000048  }
0xba: {  	_ =	sfence  }
0xbb: {  	s30 =	sld [smem:$0x0];
	_ =	sdelay $0x2  }
0xbc: {  	s31 =	sshll.u32 s1, $0xD;
	s1 =	sshrl.u32 s1, $0x2  }
0xbd: {  	s3 =	sand.u32 $0x4000, s31;
	s1 =	sadd.s32 s1, s30  }
0xbe: {  	s0 =	sor.u32 s3, s0;
	s1 =	sshll.u32 s1, $0x11  }
0xbf: {  	s0 =	sor.u32 s1, s0  }
0xc0: {  	s0 =	sadd.s32 $0x8F2B, s0  }
0xc1: {  	[sflag:s0] =	ssyncadd.remote.s32 $0x1  }
0xc2: {  	_ =	sfence.sel $0xFFFF  }
0xc3: {  	[dreg:$0x0] =	wrdreg $0xFFFFFFFF;
	(pc) =	sbr.abs _section_cstart, $3  }
0xc4: {  	[dreg:$0x1] =	wrdreg $0xFFFFFFFF  }
0xc5: {  	_ =	task.clear_ibuf [dreg:s9], $0x2FFFF;
	_ =	strace $0x9FFFFFFF  }
0xc6: {  	(tm) =	ssettm $0x7FFFFFFF  }
0xc7: {  	_ =	shalt  }
tec
execute0_lowered:
.L_overlay_start_1:
0x0: {  	(tag) =	ssettag $0x1  }
0x1: {  	s0 =	rddreg [dreg:$0x0]  }
0x2: {  	s4 =	rddreg [dreg:$0x1]  }
0x3: {  	s1 =	rddreg [dreg:$0x2]  }
0x4: {  	s2 =	rddreg [dreg:$0x3]  }
0x5: {  	s3 =	simm.s32 $0x0;
	s5 =	srdreg.scid;
	s11 =	stileid.u32  }
0x6: {  	s12 =	simm.s32 $0x200;
	s13 =	simm.s32 $0x40;
	s14 =	simm.s32 $0x400  }
0x7: {  	s15 =	simm.s32 $0x2400;
	s16 =	simm.s32 $0x4400;
	s18 =	simm.s32 $0x6400  }
0x8: {  	s19 =	simm.s32 $0x80;
	s28 =	simm.s32 $0x3;
	s29 =	simm.s32 $0x4  }
0x9: {  	s30 =	simm.s32 $0x100;
	s31 =	simm.s32 $0x300;
	s17 =	simm.s32 $0x380  }
0xa: {  	s20 =	simm.s32 $0x7;
	s21 =	simm.s32 $0x0;
	[smem:$0x7FF] =	sst s3  }
0xb: {  	s6 =	sand.u32 $0x1, s5;
	s5 =	sadd.s32 $0xC00, s0;
	s8 =	sshll.u32 s11, $0x7  }
0xc: {  	s24 =	sshll.u32 s11, $0x5;
	s11 =	simm.s32 $0x8;
	_ =	strace $0x80000047  }
0xd: {  	s7 =	sshll.u32 s6, $0x4;
	s9 =	sshll.u32 s6, $0x6;
	s6 =	ssub.s32 $0x2, s6  }
0xe: {  	s10 =	sadd.s32 s7, s0;
	s22 =	sor.u32 s9, s8;
	s23 =	sshrl.u32 s6, $0x1  }
0xf: {  	s0 =	sadd.s32 s22, s0;
	s6 =	ssub.s32 s6, s23;
	s7 =	sadd.s32 s4, s22  }
0x10: {  	s26 =	sadd.s32 s24, s10;
	s23 =	simm.s32 $0x1;
	s24 =	simm.s32 $0x2  }
0x11: {  	s4 =	simm.s32 $0x6;
	s25 =	sadd.s32 $0x400, s0;
	s8 =	sadd.s32 $0x7600, s26  }
0x12: {  	s9 =	sadd.s32 $0x6E00, s0;
	s10 =	smax.u32 s6, $0x1;
	s0 =	simm.s32 $0x5  }
0x13: {  	s26 =	simm.s32 $0x180;
	[dreg:$0x5] =	wrdreg s25;
	s25 =	simm.s32 $0xC400  }
.LBB2_1:
0x14: {  	s6 =	rddreg [dreg:$0x5]  }
0x15: {  	[tilespmem:s3], [sflag:$0x8] =	stream.linear.gather [hbm4b:s6+s3], $0x200, $0x38;
	[tilespmem:$0xC880] =	vst v63  }
0x16: {  	_ =	swait.ge [sflag:s11], $0x200  }
0x17: {  	[sflag:s11] =	ssyncset.done $0x0  }
0x18: {  	[sflag:s11] =	ssyncadd.s32 $0xFFFFFE00  }
0x19: {  	[tilespmem:s12], [sflag:$0x8] =	stream.linear.gather [hbm4b:s7+s3], $0x200, $0x38;
	[tilespmem:$0xC880] =	vst v63  }
0x1a: {  	_ =	swait.ge [sflag:s11], $0x200  }
0x1b: {  	[sflag:s11] =	ssyncset.done $0x0  }
0x1c: {  	[sflag:s11] =	ssyncadd.s32 $0xFFFFFE00  }
0x1d: {  	[tilespmem:s14], [sflag:$0x1] =	stream.indirect.gather [hbm4b:s1+s13], $0x80, s3, s13, $0xb8;
	[tilespmem:$0xC880] =	vst v63  }
0x1e: {  	_ = 	snop  }
0x1f: {  	[tilespmem:s15], [sflag:$0x2] =	stream.indirect.gather [hbm4b:s2+s13], $0x80, s12, s13, $0xb8;
	[tilespmem:$0xC880] =	vst v63  }
0x20: {  	_ = 	snop  }
0x21: {  	[tilespmem:s16], [sflag:$0x3] =	stream.indirect.gather [hbm4b:s1+s13], $0x80, s13, s13, $0xb8;
	[tilespmem:$0xC880] =	vst v63  }
0x22: {  	s22 =	simm.s32 $0x240  }
0x23: {  	[tilespmem:s18], [sflag:$0x4] =	stream.indirect.gather [hbm4b:s2+s13], $0x80, s22, s13, $0xb8;
	[tilespmem:$0xC880] =	vst v63  }
0x24: {  	s22 =	simm.s32 $0x8400  }
0x25: {  	[tilespmem:s22], [sflag:$0x5] =	stream.indirect.gather [hbm4b:s1+s13], $0x80, s19, s13, $0xb8;
	[tilespmem:$0xC880] =	vst v63  }
0x26: {  	s6 =	simm.s32 $0x280;
	s22 =	simm.s32 $0xA400  }
0x27: {  	[tilespmem:s22], [sflag:$0x6] =	stream.indirect.gather [hbm4b:s2+s13], $0x80, s6, s13, $0xb8;
	[tilespmem:$0xC880] =	vst v63  }
0x28: {  	_ =	swait.ge [sflag:s23], $0x2000  }
0x29: {  	[sflag:s23] =	ssyncset.done $0x0  }
0x2a: {  	[sflag:s23] =	ssyncadd.s32 $0xFFFFE000  }
0x2b: {  	_ =	swait.ge [sflag:s24], $0x2000  }
0x2c: {  	[sflag:s24] =	ssyncset.done $0x0  }
0x2d: {  	s6 =	simm.s32 $0x0;
	[sflag:s24] =	ssyncadd.s32 $0xFFFFE000  }
0x2e: {  	v0 =	vld [tilespmem:s6+$0x470]  }
0x2f: {  	v1 =	vld [tilespmem:s6+$0x2470]  }
0x30: {  	v2 =	vld [tilespmem:s6+$0x400]  }
0x31: {  	v3 =	vld [tilespmem:s6+$0x2400]  }
0x32: {  	v5 =	vld [tilespmem:s6+$0x410]  }
0x33: {  	v6 =	vld [tilespmem:s6+$0x2410]  }
0x34: {  	v7 =	vld [tilespmem:s6+$0x420]  }
0x35: {  	v9 =	vld [tilespmem:s6+$0x2420]  }
0x36: {  	v10 =	vld [tilespmem:s6+$0x430]  }
0x37: {  	v11 =	vld [tilespmem:s6+$0x2430]  }
0x38: {  	v13 =	vld [tilespmem:s6+$0x440]  }
0x39: {  	v14 =	vld [tilespmem:s6+$0x2440]  }
0x3a: {  	v0 =	vmul.f32 v1, v0  }
0x3b: {  	v4 =	vimm.f32 $0.0e+00;
	v8 =	vld [tilespmem:s6+$0x450];
	v1 =	vmul.f32 v3, v2;
	v2 =	vmul.f32 v6, v5  }
0x3c: {  	v6 =	vmul.f32 v11, v10;
	v3 =	vadd.f32 v0, v4;
	v0 =	vmul.f32 v9, v7;
	v9 =	vld [tilespmem:s6+$0x2450]  }
0x3d: {  	v12 =	vld [tilespmem:s6+$0x2460];
	v5 =	vadd.f32 v1, v4  }
0x3e: {  	s22 =	simm.s32 $0x80;
	v10 =	vld [tilespmem:s6+$0x460];
	v13 =	vmul.f32 v14, v13;
	v1 =	vadd.f32 v2, v4;
	v2 =	vadd.f32 v6, v4  }
0x3f: {  	v11 =	vld [tilespmem:s22+$0x470];
	s6 =	simm.s32 $0x400;
	v7 =	vimm.f32 $0.0e+00;
	v6 =	vimm.f32 $0.0e+00;
	v0 =	vadd.f32 v0, v4  }
.LBB2_2:
0x40: {  	p0 =	sne.s32 s6, $0x7E00;
	v14 =	vld [tilespmem:s22+$0x2470]  }
0x41: {  	v15 =	vld [tilespmem:s22+$0x400];
	v4 =	vadd.f32 v13, v4;
	v8 =	vmul.f32 v9, v8  }
0x42: {  	v9 =	vld [tilespmem:s22+$0x2400]  }
0x43: {  	v13 =	vld [tilespmem:s22+$0x410];
	v7 =	vadd.f32 v8, v7;
	v8 =	vmul.f32 v12, v10  }
0x44: {  	v10 =	vld [tilespmem:s22+$0x2410]  }
0x45: {  	v12 =	vld [tilespmem:s22+$0x420];
	v11 =	vmul.f32 v14, v11;
	v6 =	vadd.f32 v8, v6  }
0x46: {  	v8 =	vld [tilespmem:s22+$0x2420]  }
0x47: {  	v9 =	vmul.f32 v9, v15;
	v14 =	vld [tilespmem:s22+$0x430];
	v3 =	vadd.f32 v11, v3  }
0x48: {  	v11 =	vld [tilespmem:s22+$0x2430]  }
0x49: {  	v5 =	vadd.f32 v9, v5;
	v9 =	vmul.f32 v10, v13;
	v13 =	vld [tilespmem:s22+$0x440]  }
0x4a: {  	v15 =	vld [tilespmem:s22+$0x2440]  }
.Ltmp0:
0x4b: {  	v1 =	vadd.f32 v9, v1;
	v10 =	vmul.f32 v8, v12;
	v8 =	vld [tilespmem:s22+$0x450];
	(pc) =	sbr.rel @p0 .LBB2_2-.Ltmp0, $4  }
0x4c: {  	v9 =	vld [tilespmem:s22+$0x2450]  }
0x4d: {  	v0 =	vadd.f32 v10, v0;
	v14 =	vmul.f32 v11, v14;
	v10 =	vld [tilespmem:s22+$0x460]  }
0x4e: {  	v12 =	vld [tilespmem:s22+$0x2460];
	s22 =	sshra.s32 s6, $0x2  }
0x4f: {  	s6 =	sadd.s32 $0x200, s6;
	v11 =	vld [tilespmem:s22+$0x470];
	v2 =	vadd.f32 v14, v2;
	v13 =	vmul.f32 v15, v13  }
0x50: {  	v14 =	vld [tilespmem:s22+$0x2470]  }
0x51: {  	v15 =	vld [tilespmem:s22+$0x400]  }
0x52: {  	v16 =	vld [tilespmem:s22+$0x2400]  }
0x53: {  	v17 =	vld [tilespmem:s22+$0x410]  }
0x54: {  	v18 =	vld [tilespmem:s22+$0x2410]  }
0x55: {  	v19 =	vld [tilespmem:s22+$0x420]  }
0x56: {  	v20 =	vld [tilespmem:s22+$0x2420]  }
0x57: {  	v21 =	vld [tilespmem:s22+$0x430]  }
0x58: {  	v22 =	vld [tilespmem:s22+$0x2430]  }
0x59: {  	v23 =	vld [tilespmem:s22+$0x440]  }
0x5a: {  	v24 =	vld [tilespmem:s22+$0x2440]  }
0x5b: {  	v25 =	vld [tilespmem:s22+$0x450]  }
0x5c: {  	v26 =	vld [tilespmem:s22+$0x2450]  }
0x5d: {  	v27 =	vld [tilespmem:s22+$0x460];
	s6 =	simm.s32 $0xC0  }
0x5e: {  	v28 =	vld [tilespmem:s22+$0x2460];
	[tilespmem:s14], [sflag:$0x1] =	stream.indirect.gather [hbm4b:s1+s13], $0x80, s6, s13, $0xb8  }
0x5f: {  	s22 =	simm.s32 $0x2C0  }
0x60: {  	[tilespmem:s15], [sflag:$0x2] =	stream.indirect.gather [hbm4b:s2+s13], $0x80, s22, s13, $0xb8;
	[tilespmem:$0xC880] =	vst v63  }
0x61: {  	_ =	swait.ge [sflag:s28], $0x2000  }
0x62: {  	[sflag:s28] =	ssyncset.done $0x0  }
0x63: {  	[sflag:s28] =	ssyncadd.s32 $0xFFFFE000  }
0x64: {  	_ =	swait.ge [sflag:s29], $0x2000  }
0x65: {  	[sflag:s29] =	ssyncset.done $0x0  }
0x66: {  	s6 =	simm.s32 $0x0;
	[sflag:s29] =	ssyncadd.s32 $0xFFFFE000  }
0x67: {  	v29 =	vld [tilespmem:s6+$0x4470]  }
0x68: {  	v30 =	vld [tilespmem:s6+$0x6470]  }
0x69: {  	v31 =	vld [tilespmem:s6+$0x4400]  }
0x6a: {  	v32 =	vld [tilespmem:s6+$0x6400]  }
0x6b: {  	v33 =	vld [tilespmem:s6+$0x4410]  }
0x6c: {  	v8 =	vmul.f32 v9, v8;
	v9 =	vld [tilespmem:s6+$0x6410]  }
0x6d: {  	v10 =	vmul.f32 v12, v10;
	v11 =	vmul.f32 v14, v11;
	v12 =	vld [tilespmem:s6+$0x4420]  }
0x6e: {  	v4 =	vadd.f32 v13, v4;
	v7 =	vadd.f32 v8, v7;
	v8 =	vmul.f32 v16, v15;
	v13 =	vld [tilespmem:s6+$0x6420]  }
0x6f: {  	v6 =	vadd.f32 v10, v6;
	v10 =	vmul.f32 v18, v17;
	v3 =	vadd.f32 v11, v3;
	v11 =	vld [tilespmem:s6+$0x4430]  }
0x70: {  	v14 =	vmul.f32 v22, v21;
	v5 =	vadd.f32 v8, v5;
	v8 =	vmul.f32 v20, v19;
	v15 =	vld [tilespmem:s6+$0x6430]  }
0x71: {  	v59 =	vadd.f32 v10, v1;
	v1 =	vmul.f32 v24, v23;
	v10 =	vmul.f32 v26, v25;
	v60 =	vld [tilespmem:s6+$0x4440]  }
0x72: {  	v14 =	vadd.f32 v14, v2;
	v2 =	vmul.f32 v28, v27;
	v61 =	vadd.f32 v8, v0;
	v62 =	vld [tilespmem:s6+$0x6440]  }
0x73: {  	v0 =	vadd.f32 v1, v4;
	v1 =	vadd.f32 v10, v7;
	v8 =	vld [tilespmem:s6+$0x4450];
	v4 =	vmul.f32 v30, v29  }
0x74: {  	v2 =	vadd.f32 v2, v6;
	v7 =	vmul.f32 v32, v31;
	v63 =	vmul.f32 v9, v33;
	v9 =	vld [tilespmem:s6+$0x6450]  }
0x75: {  	v10 =	vld [tilespmem:s6+$0x4460];
	v6 =	vadd.f32 v4, v3;
	v3 =	vmul.f32 v13, v12;
	v13 =	vmul.f32 v15, v11  }
0x76: {  	s22 =	simm.s32 $0x80;
	v7 =	vadd.f32 v7, v5;
	v4 =	vadd.f32 v63, v59;
	v12 =	vld [tilespmem:s6+$0x6460]  }
0x77: {  	v11 =	vld [tilespmem:s22+$0x4470];
	s6 =	simm.s32 $0x400;
	v3 =	vadd.f32 v3, v61;
	v5 =	vadd.f32 v13, v14;
	v13 =	vmul.f32 v62, v60  }
.LBB2_4:
0x78: {  	p0 =	sne.s32 s6, $0x7E00;
	v14 =	vld [tilespmem:s22+$0x6470]  }
0x79: {  	v15 =	vld [tilespmem:s22+$0x4400];
	v0 =	vadd.f32 v13, v0;
	v8 =	vmul.f32 v9, v8  }
0x7a: {  	v9 =	vld [tilespmem:s22+$0x6400]  }
0x7b: {  	v13 =	vld [tilespmem:s22+$0x4410];
	v1 =	vadd.f32 v8, v1;
	v8 =	vmul.f32 v12, v10  }
0x7c: {  	v10 =	vld [tilespmem:s22+$0x6410]  }
0x7d: {  	v12 =	vld [tilespmem:s22+$0x4420];
	v11 =	vmul.f32 v14, v11;
	v2 =	vadd.f32 v8, v2  }
0x7e: {  	v8 =	vld [tilespmem:s22+$0x6420]  }
0x7f: {  	v9 =	vmul.f32 v9, v15;
	v14 =	vld [tilespmem:s22+$0x4430];
	v6 =	vadd.f32 v11, v6  }
0x80: {  	v11 =	vld [tilespmem:s22+$0x6430]  }
0x81: {  	v7 =	vadd.f32 v9, v7;
	v9 =	vmul.f32 v10, v13;
	v13 =	vld [tilespmem:s22+$0x4440]  }
0x82: {  	v15 =	vld [tilespmem:s22+$0x6440]  }
.Ltmp1:
0x83: {  	v4 =	vadd.f32 v9, v4;
	v10 =	vmul.f32 v8, v12;
	v8 =	vld [tilespmem:s22+$0x4450];
	(pc) =	sbr.rel @p0 .LBB2_4-.Ltmp1, $4  }
0x84: {  	v9 =	vld [tilespmem:s22+$0x6450]  }
0x85: {  	v3 =	vadd.f32 v10, v3;
	v14 =	vmul.f32 v11, v14;
	v10 =	vld [tilespmem:s22+$0x4460]  }
0x86: {  	v12 =	vld [tilespmem:s22+$0x6460];
	s22 =	sshra.s32 s6, $0x2  }
0x87: {  	s6 =	sadd.s32 $0x200, s6;
	v11 =	vld [tilespmem:s22+$0x4470];
	v5 =	vadd.f32 v14, v5;
	v13 =	vmul.f32 v15, v13  }
0x88: {  	v14 =	vld [tilespmem:s22+$0x6470]  }
0x89: {  	v15 =	vld [tilespmem:s22+$0x4400]  }
0x8a: {  	v16 =	vld [tilespmem:s22+$0x6400]  }
0x8b: {  	v17 =	vld [tilespmem:s22+$0x4410]  }
0x8c: {  	v18 =	vld [tilespmem:s22+$0x6410]  }
0x8d: {  	v19 =	vld [tilespmem:s22+$0x4420]  }
0x8e: {  	v20 =	vld [tilespmem:s22+$0x6420]  }
0x8f: {  	v21 =	vld [tilespmem:s22+$0x4430]  }
0x90: {  	v22 =	vld [tilespmem:s22+$0x6430]  }
0x91: {  	v23 =	vld [tilespmem:s22+$0x4440]  }
0x92: {  	v24 =	vld [tilespmem:s22+$0x6440]  }
0x93: {  	v25 =	vld [tilespmem:s22+$0x4450]  }
0x94: {  	v26 =	vld [tilespmem:s22+$0x6450]  }
0x95: {  	v27 =	vld [tilespmem:s22+$0x4460]  }
0x96: {  	v28 =	vld [tilespmem:s22+$0x6460];
	[tilespmem:s16], [sflag:$0x3] =	stream.indirect.gather [hbm4b:s1+s13], $0x80, s30, s13, $0xb8  }
0x97: {  	_ = 	snop  }
0x98: {  	[tilespmem:s18], [sflag:$0x4] =	stream.indirect.gather [hbm4b:s2+s13], $0x80, s31, s13, $0xb8;
	[tilespmem:$0xC880] =	vst v63  }
0x99: {  	_ =	swait.ge [sflag:s0], $0x2000  }
0x9a: {  	[sflag:s0] =	ssyncset.done $0x0  }
0x9b: {  	[sflag:s0] =	ssyncadd.s32 $0xFFFFE000  }
0x9c: {  	_ =	swait.ge [sflag:s4], $0x2000  }
0x9d: {  	[sflag:s4] =	ssyncset.done $0x0  }
0x9e: {  	s6 =	simm.s32 $0x0;
	[sflag:s4] =	ssyncadd.s32 $0xFFFFE000  }
0x9f: {  	v29 =	vld [tilespmem:s6+$0x8470]  }
0xa0: {  	v30 =	vld [tilespmem:s6+$0xA470]  }
0xa1: {  	v31 =	vld [tilespmem:s6+$0x8400]  }
0xa2: {  	v32 =	vld [tilespmem:s6+$0xA400]  }
0xa3: {  	v33 =	vld [tilespmem:s6+$0x8410]  }
0xa4: {  	v8 =	vmul.f32 v9, v8;
	v9 =	vld [tilespmem:s6+$0xA410]  }
0xa5: {  	v10 =	vmul.f32 v12, v10;
	v11 =	vmul.f32 v14, v11;
	v12 =	vld [tilespmem:s6+$0x8420]  }
0xa6: {  	v0 =	vadd.f32 v13, v0;
	v1 =	vadd.f32 v8, v1;
	v8 =	vmul.f32 v16, v15;
	v13 =	vld [tilespmem:s6+$0xA420]  }
0xa7: {  	v2 =	vadd.f32 v10, v2;
	v10 =	vmul.f32 v18, v17;
	v6 =	vadd.f32 v11, v6;
	v11 =	vld [tilespmem:s6+$0x8430]  }
0xa8: {  	v14 =	vmul.f32 v22, v21;
	v60 =	vmul.f32 v26, v25;
	v7 =	vadd.f32 v8, v7;
	v15 =	vld [tilespmem:s6+$0xA430]  }
0xa9: {  	v8 =	vmul.f32 v20, v19;
	v4 =	vadd.f32 v10, v4;
	v10 =	vmul.f32 v24, v23;
	v61 =	vld [tilespmem:s6+$0x8440]  }
0xaa: {  	v5 =	vadd.f32 v14, v5;
	v14 =	vmul.f32 v28, v27;
	v1 =	vadd.f32 v60, v1;
	v62 =	vld [tilespmem:s6+$0xA440]  }
0xab: {  	v3 =	vadd.f32 v8, v3;
	v0 =	vadd.f32 v10, v0;
	v8 =	vld [tilespmem:s6+$0x8450];
	v10 =	vmul.f32 v30, v29  }
0xac: {  	v2 =	vadd.f32 v14, v2;
	v14 =	vmul.f32 v32, v31;
	v63 =	vmul.f32 v9, v33;
	v9 =	vld [tilespmem:s6+$0xA450]  }
0xad: {  	v13 =	vmul.f32 v13, v12;
	v15 =	vmul.f32 v15, v11;
	v12 =	vld [tilespmem:s6+$0xA460];
	v6 =	vadd.f32 v10, v6  }
0xae: {  	s22 =	simm.s32 $0x80;
	v10 =	vld [tilespmem:s6+$0x8460];
	v7 =	vadd.f32 v14, v7;
	v4 =	vadd.f32 v63, v4  }
0xaf: {  	v11 =	vld [tilespmem:s22+$0x8470];
	v3 =	vadd.f32 v13, v3;
	s6 =	simm.s32 $0x400;
	v5 =	vadd.f32 v15, v5;
	v13 =	vmul.f32 v62, v61  }
.LBB2_6:
0xb0: {  	p0 =	sne.s32 s6, $0x7E00;
	v14 =	vld [tilespmem:s22+$0xA470]  }
0xb1: {  	v15 =	vld [tilespmem:s22+$0x8400];
	v0 =	vadd.f32 v13, v0;
	v8 =	vmul.f32 v9, v8  }
0xb2: {  	v9 =	vld [tilespmem:s22+$0xA400]  }
0xb3: {  	v13 =	vld [tilespmem:s22+$0x8410];
	v1 =	vadd.f32 v8, v1;
	v8 =	vmul.f32 v12, v10  }
0xb4: {  	v10 =	vld [tilespmem:s22+$0xA410]  }
0xb5: {  	v12 =	vld [tilespmem:s22+$0x8420];
	v11 =	vmul.f32 v14, v11;
	v2 =	vadd.f32 v8, v2  }
0xb6: {  	v8 =	vld [tilespmem:s22+$0xA420]  }
0xb7: {  	v9 =	vmul.f32 v9, v15;
	v14 =	vld [tilespmem:s22+$0x8430];
	v6 =	vadd.f32 v11, v6  }
0xb8: {  	v11 =	vld [tilespmem:s22+$0xA430]  }
0xb9: {  	v7 =	vadd.f32 v9, v7;
	v9 =	vmul.f32 v10, v13;
	v13 =	vld [tilespmem:s22+$0x8440]  }
0xba: {  	v15 =	vld [tilespmem:s22+$0xA440]  }
.Ltmp2:
0xbb: {  	v4 =	vadd.f32 v9, v4;
	v10 =	vmul.f32 v8, v12;
	v8 =	vld [tilespmem:s22+$0x8450];
	(pc) =	sbr.rel @p0 .LBB2_6-.Ltmp2, $4  }
0xbc: {  	v9 =	vld [tilespmem:s22+$0xA450]  }
0xbd: {  	v3 =	vadd.f32 v10, v3;
	v14 =	vmul.f32 v11, v14;
	v10 =	vld [tilespmem:s22+$0x8460]  }
0xbe: {  	v12 =	vld [tilespmem:s22+$0xA460];
	s22 =	sshra.s32 s6, $0x2  }
0xbf: {  	s6 =	sadd.s32 $0x200, s6;
	v11 =	vld [tilespmem:s22+$0x8470];
	v5 =	vadd.f32 v14, v5;
	v13 =	vmul.f32 v15, v13  }
0xc0: {  	v14 =	vld [tilespmem:s22+$0xA470]  }
0xc1: {  	v15 =	vld [tilespmem:s22+$0x8400]  }
0xc2: {  	v16 =	vld [tilespmem:s22+$0xA400]  }
0xc3: {  	v17 =	vld [tilespmem:s22+$0x8410]  }
0xc4: {  	v18 =	vld [tilespmem:s22+$0xA410]  }
0xc5: {  	v19 =	vld [tilespmem:s22+$0x8420]  }
0xc6: {  	v20 =	vld [tilespmem:s22+$0xA420]  }
0xc7: {  	v21 =	vld [tilespmem:s22+$0x8430]  }
0xc8: {  	v22 =	vld [tilespmem:s22+$0xA430]  }
0xc9: {  	v23 =	vld [tilespmem:s22+$0x8440]  }
0xca: {  	v24 =	vld [tilespmem:s22+$0xA440]  }
0xcb: {  	v25 =	vld [tilespmem:s22+$0x8450]  }
0xcc: {  	v26 =	vld [tilespmem:s22+$0xA450]  }
0xcd: {  	v27 =	vld [tilespmem:s22+$0x8460]  }
0xce: {  	v28 =	vld [tilespmem:s22+$0xA460];
	s6 =	simm.s32 $0x8400;
	s22 =	simm.s32 $0x140  }
0xcf: {  	[tilespmem:s6], [sflag:$0x5] =	stream.indirect.gather [hbm4b:s1+s13], $0x80, s22, s13, $0xb8;
	[tilespmem:$0xC880] =	vst v63  }
0xd0: {  	s6 =	simm.s32 $0xA400;
	s22 =	simm.s32 $0x340  }
0xd1: {  	[tilespmem:s6], [sflag:$0x6] =	stream.indirect.gather [hbm4b:s2+s13], $0x80, s22, s13, $0xb8;
	[tilespmem:$0xC880] =	vst v63  }
0xd2: {  	_ =	swait.ge [sflag:s23], $0x2000  }
0xd3: {  	[sflag:s23] =	ssyncset.done $0x0  }
0xd4: {  	[sflag:s23] =	ssyncadd.s32 $0xFFFFE000  }
0xd5: {  	_ =	swait.ge [sflag:s24], $0x2000  }
0xd6: {  	[sflag:s24] =	ssyncset.done $0x0  }
0xd7: {  	s6 =	simm.s32 $0x0;
	[sflag:s24] =	ssyncadd.s32 $0xFFFFE000  }
0xd8: {  	v29 =	vld [tilespmem:s6+$0x470]  }
0xd9: {  	v30 =	vld [tilespmem:s6+$0x2470]  }
0xda: {  	v31 =	vld [tilespmem:s6+$0x400]  }
0xdb: {  	v32 =	vld [tilespmem:s6+$0x2400]  }
0xdc: {  	v33 =	vld [tilespmem:s6+$0x410]  }
0xdd: {  	v8 =	vmul.f32 v9, v8;
	v9 =	vld [tilespmem:s6+$0x2410]  }
0xde: {  	v10 =	vmul.f32 v12, v10;
	v11 =	vmul.f32 v14, v11;
	v12 =	vld [tilespmem:s6+$0x420]  }
0xdf: {  	v0 =	vadd.f32 v13, v0;
	v1 =	vadd.f32 v8, v1;
	v8 =	vmul.f32 v16, v15;
	v13 =	vld [tilespmem:s6+$0x2420]  }
0xe0: {  	v2 =	vadd.f32 v10, v2;
	v10 =	vmul.f32 v18, v17;
	v6 =	vadd.f32 v11, v6;
	v11 =	vld [tilespmem:s6+$0x430]  }
0xe1: {  	v14 =	vmul.f32 v22, v21;
	v60 =	vmul.f32 v26, v25;
	v7 =	vadd.f32 v8, v7;
	v15 =	vld [tilespmem:s6+$0x2430]  }
0xe2: {  	v8 =	vmul.f32 v20, v19;
	v4 =	vadd.f32 v10, v4;
	v10 =	vmul.f32 v24, v23;
	v61 =	vld [tilespmem:s6+$0x440]  }
0xe3: {  	v5 =	vadd.f32 v14, v5;
	v14 =	vmul.f32 v28, v27;
	v1 =	vadd.f32 v60, v1;
	v62 =	vld [tilespmem:s6+$0x2440]  }
0xe4: {  	v3 =	vadd.f32 v8, v3;
	v0 =	vadd.f32 v10, v0;
	v8 =	vld [tilespmem:s6+$0x450];
	v10 =	vmul.f32 v30, v29  }
0xe5: {  	v2 =	vadd.f32 v14, v2;
	v14 =	vmul.f32 v32, v31;
	v63 =	vmul.f32 v9, v33;
	v9 =	vld [tilespmem:s6+$0x2450]  }
0xe6: {  	v13 =	vmul.f32 v13, v12;
	v15 =	vmul.f32 v15, v11;
	v12 =	vld [tilespmem:s6+$0x2460];
	v6 =	vadd.f32 v10, v6  }
0xe7: {  	s22 =	simm.s32 $0x80;
	v10 =	vld [tilespmem:s6+$0x460];
	v7 =	vadd.f32 v14, v7;
	v4 =	vadd.f32 v63, v4  }
0xe8: {  	v11 =	vld [tilespmem:s22+$0x470];
	v3 =	vadd.f32 v13, v3;
	s6 =	simm.s32 $0x400;
	v5 =	vadd.f32 v15, v5;
	v13 =	vmul.f32 v62, v61  }
.LBB2_8:
0xe9: {  	p0 =	sne.s32 s6, $0x7E00;
	v14 =	vld [tilespmem:s22+$0x2470]  }
0xea: {  	v15 =	vld [tilespmem:s22+$0x400];
	v0 =	vadd.f32 v13, v0;
	v8 =	vmul.f32 v9, v8  }
0xeb: {  	v9 =	vld [tilespmem:s22+$0x2400]  }
0xec: {  	v13 =	vld [tilespmem:s22+$0x410];
	v1 =	vadd.f32 v8, v1;
	v8 =	vmul.f32 v12, v10  }
0xed: {  	v10 =	vld [tilespmem:s22+$0x2410]  }
0xee: {  	v12 =	vld [tilespmem:s22+$0x420];
	v11 =	vmul.f32 v14, v11;
	v2 =	vadd.f32 v8, v2  }
0xef: {  	v8 =	vld [tilespmem:s22+$0x2420]  }
0xf0: {  	v9 =	vmul.f32 v9, v15;
	v14 =	vld [tilespmem:s22+$0x430];
	v6 =	vadd.f32 v11, v6  }
0xf1: {  	v11 =	vld [tilespmem:s22+$0x2430]  }
0xf2: {  	v7 =	vadd.f32 v9, v7;
	v9 =	vmul.f32 v10, v13;
	v13 =	vld [tilespmem:s22+$0x440]  }
0xf3: {  	v15 =	vld [tilespmem:s22+$0x2440]  }
.Ltmp3:
0xf4: {  	v4 =	vadd.f32 v9, v4;
	v10 =	vmul.f32 v8, v12;
	v8 =	vld [tilespmem:s22+$0x450];
	(pc) =	sbr.rel @p0 .LBB2_8-.Ltmp3, $4  }
0xf5: {  	v9 =	vld [tilespmem:s22+$0x2450]  }
0xf6: {  	v3 =	vadd.f32 v10, v3;
	v14 =	vmul.f32 v11, v14;
	v10 =	vld [tilespmem:s22+$0x460]  }
0xf7: {  	v12 =	vld [tilespmem:s22+$0x2460];
	s22 =	sshra.s32 s6, $0x2  }
0xf8: {  	s6 =	sadd.s32 $0x200, s6;
	v11 =	vld [tilespmem:s22+$0x470];
	v5 =	vadd.f32 v14, v5;
	v13 =	vmul.f32 v15, v13  }
0xf9: {  	v14 =	vld [tilespmem:s22+$0x2470]  }
0xfa: {  	v15 =	vld [tilespmem:s22+$0x400]  }
0xfb: {  	v16 =	vld [tilespmem:s22+$0x2400]  }
0xfc: {  	v17 =	vld [tilespmem:s22+$0x410]  }
0xfd: {  	v18 =	vld [tilespmem:s22+$0x2410]  }
0xfe: {  	v19 =	vld [tilespmem:s22+$0x420]  }
0xff: {  	v20 =	vld [tilespmem:s22+$0x2420]  }
0x100: {  	v21 =	vld [tilespmem:s22+$0x430]  }
0x101: {  	v22 =	vld [tilespmem:s22+$0x2430]  }
0x102: {  	v23 =	vld [tilespmem:s22+$0x440]  }
0x103: {  	v24 =	vld [tilespmem:s22+$0x2440]  }
0x104: {  	v25 =	vld [tilespmem:s22+$0x450]  }
0x105: {  	v26 =	vld [tilespmem:s22+$0x2450]  }
0x106: {  	v27 =	vld [tilespmem:s22+$0x460]  }
0x107: {  	v28 =	vld [tilespmem:s22+$0x2460];
	[tilespmem:s14], [sflag:$0x1] =	stream.indirect.gather [hbm4b:s1+s13], $0x80, s26, s13, $0xb8  }
0x108: {  	_ = 	snop  }
0x109: {  	[tilespmem:s15], [sflag:$0x2] =	stream.indirect.gather [hbm4b:s2+s13], $0x80, s17, s13, $0xb8;
	[tilespmem:$0xC880] =	vst v63  }
0x10a: {  	_ =	swait.ge [sflag:s28], $0x2000  }
0x10b: {  	[sflag:s28] =	ssyncset.done $0x0  }
0x10c: {  	[sflag:s28] =	ssyncadd.s32 $0xFFFFE000  }
0x10d: {  	_ =	swait.ge [sflag:s29], $0x2000  }
0x10e: {  	[sflag:s29] =	ssyncset.done $0x0  }
0x10f: {  	s6 =	simm.s32 $0x0;
	[sflag:s29] =	ssyncadd.s32 $0xFFFFE000  }
0x110: {  	v29 =	vld [tilespmem:s6+$0x4470]  }
0x111: {  	v30 =	vld [tilespmem:s6+$0x6470]  }
0x112: {  	v31 =	vld [tilespmem:s6+$0x4400]  }
0x113: {  	v32 =	vld [tilespmem:s6+$0x6400]  }
0x114: {  	v33 =	vld [tilespmem:s6+$0x4410]  }
0x115: {  	v8 =	vmul.f32 v9, v8;
	v9 =	vld [tilespmem:s6+$0x6410]  }
0x116: {  	v10 =	vmul.f32 v12, v10;
	v11 =	vmul.f32 v14, v11;
	v12 =	vld [tilespmem:s6+$0x4420]  }
0x117: {  	v0 =	vadd.f32 v13, v0;
	v1 =	vadd.f32 v8, v1;
	v8 =	vmul.f32 v16, v15;
	v13 =	vld [tilespmem:s6+$0x6420]  }
0x118: {  	v2 =	vadd.f32 v10, v2;
	v10 =	vmul.f32 v18, v17;
	v6 =	vadd.f32 v11, v6;
	v11 =	vld [tilespmem:s6+$0x4430]  }
0x119: {  	v14 =	vmul.f32 v22, v21;
	v60 =	vmul.f32 v26, v25;
	v7 =	vadd.f32 v8, v7;
	v15 =	vld [tilespmem:s6+$0x6430]  }
0x11a: {  	v8 =	vmul.f32 v20, v19;
	v4 =	vadd.f32 v10, v4;
	v10 =	vmul.f32 v24, v23;
	v61 =	vld [tilespmem:s6+$0x4440]  }
0x11b: {  	v5 =	vadd.f32 v14, v5;
	v14 =	vmul.f32 v28, v27;
	v1 =	vadd.f32 v60, v1;
	v62 =	vld [tilespmem:s6+$0x6440]  }
0x11c: {  	v3 =	vadd.f32 v8, v3;
	v0 =	vadd.f32 v10, v0;
	v8 =	vld [tilespmem:s6+$0x4450];
	v10 =	vmul.f32 v30, v29  }
0x11d: {  	v2 =	vadd.f32 v14, v2;
	v14 =	vmul.f32 v32, v31;
	v63 =	vmul.f32 v9, v33;
	v9 =	vld [tilespmem:s6+$0x6450]  }
0x11e: {  	v13 =	vmul.f32 v13, v12;
	v15 =	vmul.f32 v15, v11;
	v12 =	vld [tilespmem:s6+$0x6460];
	v6 =	vadd.f32 v10, v6  }
0x11f: {  	s22 =	simm.s32 $0x80;
	v10 =	vld [tilespmem:s6+$0x4460];
	v7 =	vadd.f32 v14, v7;
	v4 =	vadd.f32 v63, v4  }
0x120: {  	v11 =	vld [tilespmem:s22+$0x4470];
	v3 =	vadd.f32 v13, v3;
	s6 =	simm.s32 $0x400;
	v5 =	vadd.f32 v15, v5;
	v13 =	vmul.f32 v62, v61  }
.LBB2_10:
0x121: {  	p0 =	sne.s32 s6, $0x7E00;
	v14 =	vld [tilespmem:s22+$0x6470]  }
0x122: {  	v15 =	vld [tilespmem:s22+$0x4400];
	v0 =	vadd.f32 v13, v0;
	v8 =	vmul.f32 v9, v8  }
0x123: {  	v9 =	vld [tilespmem:s22+$0x6400]  }
0x124: {  	v13 =	vld [tilespmem:s22+$0x4410];
	v1 =	vadd.f32 v8, v1;
	v8 =	vmul.f32 v12, v10  }
0x125: {  	v10 =	vld [tilespmem:s22+$0x6410]  }
0x126: {  	v12 =	vld [tilespmem:s22+$0x4420];
	v11 =	vmul.f32 v14, v11;
	v2 =	vadd.f32 v8, v2  }
0x127: {  	v8 =	vld [tilespmem:s22+$0x6420]  }
0x128: {  	v9 =	vmul.f32 v9, v15;
	v14 =	vld [tilespmem:s22+$0x4430];
	v6 =	vadd.f32 v11, v6  }
0x129: {  	v11 =	vld [tilespmem:s22+$0x6430]  }
0x12a: {  	v7 =	vadd.f32 v9, v7;
	v9 =	vmul.f32 v10, v13;
	v13 =	vld [tilespmem:s22+$0x4440]  }
0x12b: {  	v15 =	vld [tilespmem:s22+$0x6440]  }
.Ltmp4:
0x12c: {  	v4 =	vadd.f32 v9, v4;
	v10 =	vmul.f32 v8, v12;
	v8 =	vld [tilespmem:s22+$0x4450];
	(pc) =	sbr.rel @p0 .LBB2_10-.Ltmp4, $4  }
0x12d: {  	v9 =	vld [tilespmem:s22+$0x6450]  }
0x12e: {  	v3 =	vadd.f32 v10, v3;
	v14 =	vmul.f32 v11, v14;
	v10 =	vld [tilespmem:s22+$0x4460]  }
0x12f: {  	v12 =	vld [tilespmem:s22+$0x6460];
	s22 =	sshra.s32 s6, $0x2  }
0x130: {  	s6 =	sadd.s32 $0x200, s6;
	v11 =	vld [tilespmem:s22+$0x4470];
	v5 =	vadd.f32 v14, v5;
	v13 =	vmul.f32 v15, v13  }
0x131: {  	v14 =	vld [tilespmem:s22+$0x6470]  }
0x132: {  	v15 =	vld [tilespmem:s22+$0x4400]  }
0x133: {  	v16 =	vld [tilespmem:s22+$0x6400]  }
0x134: {  	v17 =	vld [tilespmem:s22+$0x4410]  }
0x135: {  	v18 =	vld [tilespmem:s22+$0x6410]  }
0x136: {  	v19 =	vld [tilespmem:s22+$0x4420]  }
0x137: {  	v20 =	vld [tilespmem:s22+$0x6420]  }
0x138: {  	v21 =	vld [tilespmem:s22+$0x4430]  }
0x139: {  	v22 =	vld [tilespmem:s22+$0x6430]  }
0x13a: {  	v23 =	vld [tilespmem:s22+$0x4440]  }
0x13b: {  	v24 =	vld [tilespmem:s22+$0x6440]  }
0x13c: {  	v25 =	vld [tilespmem:s22+$0x4450]  }
0x13d: {  	v26 =	vld [tilespmem:s22+$0x6450]  }
0x13e: {  	v27 =	vld [tilespmem:s22+$0x4460];
	s6 =	simm.s32 $0x1C0  }
0x13f: {  	v28 =	vld [tilespmem:s22+$0x6460];
	[tilespmem:s16], [sflag:$0x3] =	stream.indirect.gather [hbm4b:s1+s13], $0x80, s6, s13, $0xb8  }
0x140: {  	s22 =	simm.s32 $0x3C0  }
0x141: {  	[tilespmem:s18], [sflag:$0x4] =	stream.indirect.gather [hbm4b:s2+s13], $0x80, s22, s13, $0xb8;
	[tilespmem:$0xC880] =	vst v63  }
0x142: {  	_ =	swait.ge [sflag:s0], $0x2000  }
0x143: {  	[sflag:s0] =	ssyncset.done $0x0  }
0x144: {  	[sflag:s0] =	ssyncadd.s32 $0xFFFFE000  }
0x145: {  	_ =	swait.ge [sflag:s4], $0x2000  }
0x146: {  	[sflag:s4] =	ssyncset.done $0x0  }
0x147: {  	s6 =	simm.s32 $0x0;
	[sflag:s4] =	ssyncadd.s32 $0xFFFFE000  }
0x148: {  	v29 =	vld [tilespmem:s6+$0x8470]  }
0x149: {  	v30 =	vld [tilespmem:s6+$0xA470]  }
0x14a: {  	v31 =	vld [tilespmem:s6+$0x8400]  }
0x14b: {  	v32 =	vld [tilespmem:s6+$0xA400]  }
0x14c: {  	v33 =	vld [tilespmem:s6+$0x8410]  }
0x14d: {  	v8 =	vmul.f32 v9, v8;
	v9 =	vld [tilespmem:s6+$0xA410]  }
0x14e: {  	v10 =	vmul.f32 v12, v10;
	v11 =	vmul.f32 v14, v11;
	v12 =	vld [tilespmem:s6+$0x8420]  }
0x14f: {  	v0 =	vadd.f32 v13, v0;
	v1 =	vadd.f32 v8, v1;
	v8 =	vmul.f32 v16, v15;
	v13 =	vld [tilespmem:s6+$0xA420]  }
0x150: {  	v2 =	vadd.f32 v10, v2;
	v10 =	vmul.f32 v18, v17;
	v6 =	vadd.f32 v11, v6;
	v11 =	vld [tilespmem:s6+$0x8430]  }
0x151: {  	v14 =	vmul.f32 v22, v21;
	v60 =	vmul.f32 v26, v25;
	v7 =	vadd.f32 v8, v7;
	v15 =	vld [tilespmem:s6+$0xA430]  }
0x152: {  	v8 =	vmul.f32 v20, v19;
	v4 =	vadd.f32 v10, v4;
	v10 =	vmul.f32 v24, v23;
	v61 =	vld [tilespmem:s6+$0x8440]  }
0x153: {  	v5 =	vadd.f32 v14, v5;
	v14 =	vmul.f32 v28, v27;
	v1 =	vadd.f32 v60, v1;
	v62 =	vld [tilespmem:s6+$0xA440]  }
0x154: {  	v3 =	vadd.f32 v8, v3;
	v0 =	vadd.f32 v10, v0;
	v8 =	vld [tilespmem:s6+$0x8450];
	v10 =	vmul.f32 v30, v29  }
0x155: {  	v2 =	vadd.f32 v14, v2;
	v14 =	vmul.f32 v32, v31;
	v63 =	vmul.f32 v9, v33;
	v9 =	vld [tilespmem:s6+$0xA450]  }
0x156: {  	v13 =	vmul.f32 v13, v12;
	v15 =	vmul.f32 v15, v11;
	v12 =	vld [tilespmem:s6+$0xA460];
	v6 =	vadd.f32 v10, v6  }
0x157: {  	s22 =	simm.s32 $0x80;
	v10 =	vld [tilespmem:s6+$0x8460];
	v7 =	vadd.f32 v14, v7;
	v4 =	vadd.f32 v63, v4  }
0x158: {  	v11 =	vld [tilespmem:s22+$0x8470];
	v3 =	vadd.f32 v13, v3;
	s6 =	simm.s32 $0x400;
	v5 =	vadd.f32 v15, v5;
	v13 =	vmul.f32 v62, v61  }
.LBB2_12:
0x159: {  	p0 =	sne.s32 s6, $0x7E00;
	v14 =	vld [tilespmem:s22+$0xA470]  }
0x15a: {  	v15 =	vld [tilespmem:s22+$0x8400];
	v0 =	vadd.f32 v13, v0;
	v8 =	vmul.f32 v9, v8  }
0x15b: {  	v9 =	vld [tilespmem:s22+$0xA400]  }
0x15c: {  	v13 =	vld [tilespmem:s22+$0x8410];
	v1 =	vadd.f32 v8, v1;
	v8 =	vmul.f32 v12, v10  }
0x15d: {  	v10 =	vld [tilespmem:s22+$0xA410]  }
0x15e: {  	v12 =	vld [tilespmem:s22+$0x8420];
	v11 =	vmul.f32 v14, v11;
	v2 =	vadd.f32 v8, v2  }
0x15f: {  	v8 =	vld [tilespmem:s22+$0xA420]  }
0x160: {  	v9 =	vmul.f32 v9, v15;
	v14 =	vld [tilespmem:s22+$0x8430];
	v6 =	vadd.f32 v11, v6  }
0x161: {  	v11 =	vld [tilespmem:s22+$0xA430]  }
0x162: {  	v7 =	vadd.f32 v9, v7;
	v9 =	vmul.f32 v10, v13;
	v13 =	vld [tilespmem:s22+$0x8440]  }
0x163: {  	v15 =	vld [tilespmem:s22+$0xA440]  }
.Ltmp5:
0x164: {  	v4 =	vadd.f32 v9, v4;
	v10 =	vmul.f32 v8, v12;
	v8 =	vld [tilespmem:s22+$0x8450];
	(pc) =	sbr.rel @p0 .LBB2_12-.Ltmp5, $4  }
0x165: {  	v9 =	vld [tilespmem:s22+$0xA450]  }
0x166: {  	v3 =	vadd.f32 v10, v3;
	v14 =	vmul.f32 v11, v14;
	v10 =	vld [tilespmem:s22+$0x8460]  }
0x167: {  	v12 =	vld [tilespmem:s22+$0xA460];
	s22 =	sshra.s32 s6, $0x2  }
0x168: {  	s6 =	sadd.s32 $0x200, s6;
	v11 =	vld [tilespmem:s22+$0x8470];
	v5 =	vadd.f32 v14, v5;
	v13 =	vmul.f32 v15, v13  }
0x169: {  	v14 =	vld [tilespmem:s22+$0xA470]  }
0x16a: {  	v15 =	vld [tilespmem:s22+$0x8400]  }
0x16b: {  	v16 =	vld [tilespmem:s22+$0xA400]  }
0x16c: {  	v17 =	vld [tilespmem:s22+$0x8410]  }
0x16d: {  	v18 =	vld [tilespmem:s22+$0xA410]  }
0x16e: {  	v19 =	vld [tilespmem:s22+$0x8420]  }
0x16f: {  	v20 =	vld [tilespmem:s22+$0xA420]  }
0x170: {  	v21 =	vld [tilespmem:s22+$0x8430]  }
0x171: {  	v22 =	vld [tilespmem:s22+$0xA430]  }
0x172: {  	v23 =	vld [tilespmem:s22+$0x8440]  }
0x173: {  	v24 =	vld [tilespmem:s22+$0xA440]  }
0x174: {  	v25 =	vld [tilespmem:s22+$0x8450]  }
0x175: {  	v26 =	vld [tilespmem:s22+$0xA450]  }
0x176: {  	v27 =	vld [tilespmem:s22+$0x8460]  }
0x177: {  	v28 =	vld [tilespmem:s22+$0xA460];
	_ =	swait.ge [sflag:s23], $0x2000  }
0x178: {  	[sflag:s23] =	ssyncset.done $0x0  }
0x179: {  	[sflag:s23] =	ssyncadd.s32 $0xFFFFE000  }
0x17a: {  	_ =	swait.ge [sflag:s24], $0x2000  }
0x17b: {  	[sflag:s24] =	ssyncset.done $0x0  }
0x17c: {  	s6 =	simm.s32 $0x0;
	[sflag:s24] =	ssyncadd.s32 $0xFFFFE000  }
0x17d: {  	[tilespmem:s25], [sflag:$0x7] =	stream.indirect.gather [hbm4b:s5+s19], $0x1, s6, s19, $0xb8;
	[tilespmem:$0xC880] =	vst v63  }
0x17e: {  	s22 =	simm.s32 $0xC480  }
0x17f: {  	[tilespmem:s22], [sflag:$0x7] =	stream.indirect.gather [hbm4b:s5+s19], $0x1, s19, s19, $0xb8;
	[tilespmem:$0xC880] =	vst v63  }
0x180: {  	s22 =	simm.s32 $0xC500  }
0x181: {  	[tilespmem:s22], [sflag:$0x7] =	stream.indirect.gather [hbm4b:s5+s19], $0x1, s30, s19, $0xb8;
	[tilespmem:$0xC880] =	vst v63  }
0x182: {  	s6 =	simm.s32 $0x0;
	s22 =	simm.s32 $0xC580  }
0x183: {  	[tilespmem:s22], [sflag:$0x7] =	stream.indirect.gather [hbm4b:s5+s19], $0x1, s26, s19, $0xb8;
	[tilespmem:$0xC880] =	vst v63  }
0x184: {  	v29 =	vld [tilespmem:s6+$0x470]  }
0x185: {  	v30 =	vld [tilespmem:s6+$0x2470]  }
0x186: {  	v31 =	vld [tilespmem:s6+$0x400]  }
0x187: {  	v32 =	vld [tilespmem:s6+$0x2400]  }
0x188: {  	v33 =	vld [tilespmem:s6+$0x410]  }
0x189: {  	v8 =	vmul.f32 v9, v8;
	v9 =	vld [tilespmem:s6+$0x2410]  }
0x18a: {  	v10 =	vmul.f32 v12, v10;
	v11 =	vmul.f32 v14, v11;
	v12 =	vld [tilespmem:s6+$0x420]  }
0x18b: {  	v0 =	vadd.f32 v13, v0;
	v1 =	vadd.f32 v8, v1;
	v8 =	vmul.f32 v16, v15;
	v13 =	vld [tilespmem:s6+$0x2420]  }
0x18c: {  	v2 =	vadd.f32 v10, v2;
	v10 =	vmul.f32 v18, v17;
	v6 =	vadd.f32 v11, v6;
	v11 =	vld [tilespmem:s6+$0x430]  }
0x18d: {  	v14 =	vmul.f32 v22, v21;
	v60 =	vmul.f32 v26, v25;
	v7 =	vadd.f32 v8, v7;
	v15 =	vld [tilespmem:s6+$0x2430]  }
0x18e: {  	v8 =	vmul.f32 v20, v19;
	v4 =	vadd.f32 v10, v4;
	v10 =	vmul.f32 v24, v23;
	v61 =	vld [tilespmem:s6+$0x440]  }
0x18f: {  	v5 =	vadd.f32 v14, v5;
	v14 =	vmul.f32 v28, v27;
	v1 =	vadd.f32 v60, v1;
	v62 =	vld [tilespmem:s6+$0x2440]  }
0x190: {  	v3 =	vadd.f32 v8, v3;
	v0 =	vadd.f32 v10, v0;
	v8 =	vld [tilespmem:s6+$0x450];
	v10 =	vmul.f32 v30, v29  }
0x191: {  	v2 =	vadd.f32 v14, v2;
	v14 =	vmul.f32 v32, v31;
	v63 =	vmul.f32 v9, v33;
	v9 =	vld [tilespmem:s6+$0x2450]  }
0x192: {  	v13 =	vmul.f32 v13, v12;
	v15 =	vmul.f32 v15, v11;
	v12 =	vld [tilespmem:s6+$0x2460];
	v6 =	vadd.f32 v10, v6  }
0x193: {  	s22 =	simm.s32 $0x80;
	v10 =	vld [tilespmem:s6+$0x460];
	v7 =	vadd.f32 v14, v7;
	v4 =	vadd.f32 v63, v4  }
0x194: {  	v11 =	vld [tilespmem:s22+$0x470];
	v3 =	vadd.f32 v13, v3;
	s6 =	simm.s32 $0x400;
	v5 =	vadd.f32 v15, v5;
	v13 =	vmul.f32 v62, v61  }
.LBB2_14:
0x195: {  	p0 =	sne.s32 s6, $0x7E00;
	v14 =	vld [tilespmem:s22+$0x2470]  }
0x196: {  	v15 =	vld [tilespmem:s22+$0x400];
	v0 =	vadd.f32 v13, v0;
	v8 =	vmul.f32 v9, v8  }
0x197: {  	v9 =	vld [tilespmem:s22+$0x2400]  }
0x198: {  	v13 =	vld [tilespmem:s22+$0x410];
	v1 =	vadd.f32 v8, v1;
	v8 =	vmul.f32 v12, v10  }
0x199: {  	v10 =	vld [tilespmem:s22+$0x2410]  }
0x19a: {  	v12 =	vld [tilespmem:s22+$0x420];
	v11 =	vmul.f32 v14, v11;
	v2 =	vadd.f32 v8, v2  }
0x19b: {  	v8 =	vld [tilespmem:s22+$0x2420]  }
0x19c: {  	v9 =	vmul.f32 v9, v15;
	v14 =	vld [tilespmem:s22+$0x430];
	v6 =	vadd.f32 v11, v6  }
0x19d: {  	v11 =	vld [tilespmem:s22+$0x2430]  }
0x19e: {  	v7 =	vadd.f32 v9, v7;
	v9 =	vmul.f32 v10, v13;
	v13 =	vld [tilespmem:s22+$0x440]  }
0x19f: {  	v15 =	vld [tilespmem:s22+$0x2440]  }
.Ltmp6:
0x1a0: {  	v4 =	vadd.f32 v9, v4;
	v10 =	vmul.f32 v8, v12;
	v8 =	vld [tilespmem:s22+$0x450];
	(pc) =	sbr.rel @p0 .LBB2_14-.Ltmp6, $4  }
0x1a1: {  	v9 =	vld [tilespmem:s22+$0x2450]  }
0x1a2: {  	v3 =	vadd.f32 v10, v3;
	v14 =	vmul.f32 v11, v14;
	v10 =	vld [tilespmem:s22+$0x460]  }
0x1a3: {  	v12 =	vld [tilespmem:s22+$0x2460];
	s22 =	sshra.s32 s6, $0x2  }
0x1a4: {  	s6 =	sadd.s32 $0x200, s6;
	v11 =	vld [tilespmem:s22+$0x470];
	v5 =	vadd.f32 v14, v5;
	v13 =	vmul.f32 v15, v13  }
0x1a5: {  	v28 =	vld [tilespmem:s22+$0x2470]  }
0x1a6: {  	v26 =	vld [tilespmem:s22+$0x400]  }
0x1a7: {  	v27 =	vld [tilespmem:s22+$0x2400]  }
0x1a8: {  	v18 =	vld [tilespmem:s22+$0x410]  }
0x1a9: {  	v23 =	vld [tilespmem:s22+$0x2410]  }
0x1aa: {  	v15 =	vld [tilespmem:s22+$0x420]  }
0x1ab: {  	v19 =	vld [tilespmem:s22+$0x2420]  }
0x1ac: {  	v20 =	vld [tilespmem:s22+$0x430]  }
0x1ad: {  	v24 =	vld [tilespmem:s22+$0x2430]  }
0x1ae: {  	v16 =	vld [tilespmem:s22+$0x440]  }
0x1af: {  	v21 =	vld [tilespmem:s22+$0x2440]  }
0x1b0: {  	v22 =	vld [tilespmem:s22+$0x450]  }
0x1b1: {  	v25 =	vld [tilespmem:s22+$0x2450]  }
0x1b2: {  	v14 =	vld [tilespmem:s22+$0x460]  }
0x1b3: {  	v17 =	vld [tilespmem:s22+$0x2460];
	_ =	swait.ge [sflag:s28], $0x2000  }
0x1b4: {  	[sflag:s28] =	ssyncset.done $0x0  }
0x1b5: {  	[sflag:s28] =	ssyncadd.s32 $0xFFFFE000  }
0x1b6: {  	_ =	swait.ge [sflag:s29], $0x2000  }
0x1b7: {  	[sflag:s29] =	ssyncset.done $0x0  }
0x1b8: {  	[sflag:s29] =	ssyncadd.s32 $0xFFFFE000  }
0x1b9: {  	v29 =	vld [tilespmem:$0x200]  }
0x1ba: {  	v30 =	vld [tilespmem:$0x210]  }
0x1bb: {  	v31 =	vld [tilespmem:$0x220]  }
0x1bc: {  	v32 =	vld [tilespmem:$0x230]  }
0x1bd: {  	v33 =	vld [tilespmem:$0x240]  }
0x1be: {  	v34 =	vld [tilespmem:$0x250];
	v29 =	vadd.s32 $0x18704, v29  }
0x1bf: {  	v55 =	vld [tilespmem:$0x260];
	v54 =	vadd.s32 $0x18704, v30;
	[tilespmem:$0x200] =	vst v29  }
0x1c0: {  	v57 =	vld [tilespmem:$0x270];
	v56 =	vadd.s32 $0x18704, v31;
	[tilespmem:$0x210] =	vst v54  }
0x1c1: {  	v59 =	vld [tilespmem:$0x280];
	v58 =	vadd.s32 $0x18704, v32;
	[tilespmem:$0x220] =	vst v56  }
0x1c2: {  	v61 =	vld [tilespmem:$0x290];
	v60 =	vadd.s32 $0x18704, v33;
	[tilespmem:$0x230] =	vst v58  }
0x1c3: {  	v63 =	vld [tilespmem:$0x2A0];
	v62 =	vadd.s32 $0x18704, v34;
	[tilespmem:$0x240] =	vst v60  }
0x1c4: {  	v37 =	vld [tilespmem:$0x2B0];
	v36 =	vadd.s32 $0x18704, v55;
	[tilespmem:$0x250] =	vst v62  }
0x1c5: {  	v39 =	vld [tilespmem:$0x2C0];
	v38 =	vadd.s32 $0x18704, v57;
	[tilespmem:$0x260] =	vst v36  }
0x1c6: {  	v41 =	vld [tilespmem:$0x2D0];
	v40 =	vadd.s32 $0x18704, v59;
	[tilespmem:$0x270] =	vst v38  }
0x1c7: {  	v43 =	vld [tilespmem:$0x2E0];
	v42 =	vadd.s32 $0x18704, v61;
	[tilespmem:$0x280] =	vst v40  }
0x1c8: {  	v45 =	vld [tilespmem:$0x2F0];
	v44 =	vadd.s32 $0x18704, v63;
	[tilespmem:$0x290] =	vst v42  }
0x1c9: {  	v47 =	vld [tilespmem:$0x300];
	v46 =	vadd.s32 $0x18704, v37;
	[tilespmem:$0x2A0] =	vst v44  }
0x1ca: {  	v49 =	vld [tilespmem:$0x310];
	v48 =	vadd.s32 $0x18704, v39;
	[tilespmem:$0x2B0] =	vst v46  }
0x1cb: {  	v51 =	vld [tilespmem:$0x320];
	v50 =	vadd.s32 $0x18704, v41;
	[tilespmem:$0x2C0] =	vst v48  }
0x1cc: {  	v53 =	vld [tilespmem:$0x330];
	v52 =	vadd.s32 $0x18704, v43;
	[tilespmem:$0x2D0] =	vst v50  }
0x1cd: {  	v55 =	vld [tilespmem:$0x340];
	[tilespmem:$0x2E0] =	vst v52;
	v54 =	vadd.s32 $0x18704, v45  }
0x1ce: {  	v57 =	vld [tilespmem:$0x350];
	v56 =	vadd.s32 $0x18704, v47;
	[tilespmem:$0x2F0] =	vst v54  }
0x1cf: {  	v59 =	vld [tilespmem:$0x360];
	v58 =	vadd.s32 $0x18704, v49;
	[tilespmem:$0x300] =	vst v56  }
0x1d0: {  	v61 =	vld [tilespmem:$0x370];
	v60 =	vadd.s32 $0x18704, v51;
	[tilespmem:$0x310] =	vst v58  }
0x1d1: {  	v63 =	vld [tilespmem:$0x380];
	v62 =	vadd.s32 $0x18704, v53;
	[tilespmem:$0x320] =	vst v60  }
0x1d2: {  	v37 =	vld [tilespmem:$0x390];
	[tilespmem:$0x330] =	vst v62;
	v36 =	vadd.s32 $0x18704, v55  }
0x1d3: {  	v39 =	vld [tilespmem:$0x3A0];
	v38 =	vadd.s32 $0x18704, v57;
	[tilespmem:$0x340] =	vst v36  }
0x1d4: {  	v41 =	vld [tilespmem:$0x3B0];
	v40 =	vadd.s32 $0x18704, v59;
	[tilespmem:$0x350] =	vst v38  }
0x1d5: {  	v43 =	vld [tilespmem:$0x3C0];
	v42 =	vadd.s32 $0x18704, v61;
	[tilespmem:$0x360] =	vst v40  }
0x1d6: {  	v45 =	vld [tilespmem:$0x3D0];
	v44 =	vadd.s32 $0x18704, v63;
	[tilespmem:$0x370] =	vst v42  }
0x1d7: {  	v47 =	vld [tilespmem:$0x3E0];
	v46 =	vadd.s32 $0x18704, v37;
	[tilespmem:$0x380] =	vst v44  }
0x1d8: {  	v49 =	vld [tilespmem:$0x3F0];
	v48 =	vadd.s32 $0x18704, v39;
	[tilespmem:$0x390] =	vst v46  }
0x1d9: {  	v50 =	vadd.s32 $0x18704, v41;
	[tilespmem:$0x3A0] =	vst v48  }
0x1da: {  	v51 =	vadd.s32 $0x18704, v43;
	[tilespmem:$0x3B0] =	vst v50  }
0x1db: {  	[tilespmem:$0x3C0] =	vst v51;
	v52 =	vadd.s32 $0x18704, v45  }
0x1dc: {  	v53 =	vadd.s32 $0x18704, v47;
	[tilespmem:$0x3D0] =	vst v52  }
0x1dd: {  	v54 =	vadd.s32 $0x18704, v49;
	[tilespmem:$0x3E0] =	vst v53  }
0x1de: {  	s6 =	simm.s32 $0xC600;
	[tilespmem:$0x3F0] =	vst v54  }
0x1df: {  	[tilespmem:s6], [sflag:$0x7] =	stream.indirect.gather [hbm4b:s5+s19], $0x1, s12, s19, $0xb8;
	[tilespmem:$0xC880] =	vst v63  }
0x1e0: {  	s22 =	simm.s32 $0xC680;
	s6 =	simm.s32 $0x280  }
0x1e1: {  	[tilespmem:s22], [sflag:$0x7] =	stream.indirect.gather [hbm4b:s5+s19], $0x1, s6, s19, $0xb8;
	[tilespmem:$0xC880] =	vst v63  }
0x1e2: {  	s22 =	simm.s32 $0xC700  }
0x1e3: {  	[tilespmem:s22], [sflag:$0x7] =	stream.indirect.gather [hbm4b:s5+s19], $0x1, s31, s19, $0xb8;
	[tilespmem:$0xC880] =	vst v63  }
0x1e4: {  	s6 =	simm.s32 $0x0;
	s22 =	simm.s32 $0xC780  }
0x1e5: {  	[tilespmem:s22], [sflag:$0x7] =	stream.indirect.gather [hbm4b:s5+s19], $0x1, s17, s19, $0xb8;
	[tilespmem:$0xC880] =	vst v63  }
0x1e6: {  	v29 =	vld [tilespmem:s6+$0x4470]  }
0x1e7: {  	v55 =	vld [tilespmem:s6+$0x6470]  }
0x1e8: {  	v56 =	vld [tilespmem:s6+$0x4400]  }
0x1e9: {  	v57 =	vld [tilespmem:s6+$0x6400]  }
0x1ea: {  	v58 =	vld [tilespmem:s6+$0x4410]  }
0x1eb: {  	v8 =	vmul.f32 v9, v8;
	v59 =	vld [tilespmem:s6+$0x6410]  }
0x1ec: {  	v9 =	vmul.f32 v12, v10;
	v10 =	vmul.f32 v28, v11;
	v12 =	vld [tilespmem:s6+$0x4420]  }
0x1ed: {  	v0 =	vadd.f32 v13, v0;
	v1 =	vadd.f32 v8, v1;
	v8 =	vmul.f32 v27, v26;
	v13 =	vld [tilespmem:s6+$0x6420]  }
0x1ee: {  	v11 =	vadd.f32 v9, v2;
	v2 =	vmul.f32 v23, v18;
	v6 =	vadd.f32 v10, v6;
	v10 =	vld [tilespmem:s6+$0x4430]  }
0x1ef: {  	v9 =	vmul.f32 v24, v20;
	v7 =	vadd.f32 v8, v7;
	v8 =	vmul.f32 v19, v15;
	v15 =	vld [tilespmem:s6+$0x6430]  }
0x1f0: {  	v4 =	vadd.f32 v2, v4;
	v2 =	vmul.f32 v21, v16;
	v60 =	vmul.f32 v25, v22;
	v61 =	vld [tilespmem:s6+$0x4440]  }
0x1f1: {  	v8 =	vadd.f32 v8, v3;
	v62 =	vadd.f32 v9, v5;
	v5 =	vmul.f32 v17, v14;
	v14 =	vld [tilespmem:s6+$0x6440]  }
0x1f2: {  	v3 =	vadd.f32 v2, v0;
	v2 =	vadd.f32 v60, v1;
	v9 =	vld [tilespmem:s6+$0x4450];
	v0 =	vmul.f32 v55, v29  }
0x1f3: {  	v1 =	vadd.f32 v5, v11;
	v11 =	vld [tilespmem:s6+$0x6450];
	v5 =	vmul.f32 v57, v56;
	v63 =	vmul.f32 v59, v58  }
0x1f4: {  	v13 =	vmul.f32 v13, v12;
	v15 =	vmul.f32 v15, v10;
	v10 =	vld [tilespmem:s6+$0x4460];
	v0 =	vadd.f32 v0, v6  }
0x1f5: {  	s22 =	simm.s32 $0x80;
	v12 =	vld [tilespmem:s6+$0x6460];
	v6 =	vadd.f32 v5, v7;
	v7 =	vadd.f32 v63, v4  }
0x1f6: {  	s6 =	simm.s32 $0x400;
	v5 =	vadd.f32 v13, v8;
	v8 =	vld [tilespmem:s22+$0x4470];
	v4 =	vadd.f32 v15, v62;
	v13 =	vmul.f32 v14, v61  }
.LBB2_16:
0x1f7: {  	p0 =	sne.s32 s6, $0x7E00;
	v14 =	vld [tilespmem:s22+$0x6470]  }
0x1f8: {  	v15 =	vld [tilespmem:s22+$0x4400];
	v3 =	vadd.f32 v13, v3;
	v9 =	vmul.f32 v11, v9  }
0x1f9: {  	v11 =	vld [tilespmem:s22+$0x6400]  }
0x1fa: {  	v13 =	vld [tilespmem:s22+$0x4410];
	v2 =	vadd.f32 v9, v2;
	v9 =	vmul.f32 v12, v10  }
0x1fb: {  	v10 =	vld [tilespmem:s22+$0x6410]  }
0x1fc: {  	v12 =	vld [tilespmem:s22+$0x4420];
	v8 =	vmul.f32 v14, v8;
	v1 =	vadd.f32 v9, v1  }
0x1fd: {  	v9 =	vld [tilespmem:s22+$0x6420]  }
0x1fe: {  	v11 =	vmul.f32 v11, v15;
	v14 =	vld [tilespmem:s22+$0x4430];
	v0 =	vadd.f32 v8, v0  }
0x1ff: {  	v8 =	vld [tilespmem:s22+$0x6430]  }
0x200: {  	v6 =	vadd.f32 v11, v6;
	v10 =	vmul.f32 v10, v13;
	v13 =	vld [tilespmem:s22+$0x4440]  }
0x201: {  	v15 =	vld [tilespmem:s22+$0x6440]  }
.Ltmp7:
0x202: {  	v7 =	vadd.f32 v10, v7;
	v10 =	vmul.f32 v9, v12;
	v9 =	vld [tilespmem:s22+$0x4450];
	(pc) =	sbr.rel @p0 .LBB2_16-.Ltmp7, $4  }
0x203: {  	v11 =	vld [tilespmem:s22+$0x6450]  }
0x204: {  	v5 =	vadd.f32 v10, v5;
	v14 =	vmul.f32 v8, v14;
	v10 =	vld [tilespmem:s22+$0x4460]  }
0x205: {  	v12 =	vld [tilespmem:s22+$0x6460];
	s22 =	sshra.s32 s6, $0x2  }
0x206: {  	s6 =	sadd.s32 $0x200, s6;
	v8 =	vld [tilespmem:s22+$0x4470];
	v4 =	vadd.f32 v14, v4;
	v13 =	vmul.f32 v15, v13  }
0x207: {  	v14 =	vld [tilespmem:s22+$0x4400]  }
0x208: {  	v15 =	vld [tilespmem:s22+$0x6400]  }
0x209: {  	v16 =	vld [tilespmem:s22+$0x4410]  }
0x20a: {  	v17 =	vld [tilespmem:s22+$0x6410]  }
0x20b: {  	v18 =	vld [tilespmem:s22+$0x4420]  }
0x20c: {  	v19 =	vld [tilespmem:s22+$0x6420]  }
0x20d: {  	v20 =	vld [tilespmem:s22+$0x4430]  }
0x20e: {  	v21 =	vld [tilespmem:s22+$0x6430]  }
0x20f: {  	v33 =	vld [tilespmem:s22+$0x4440];
	v14 =	vmul.f32 v15, v14;
	v32 =	vmul.f32 v17, v16  }
0x210: {  	v34 =	vld [tilespmem:s22+$0x6440]  }
0x211: {  	v36 =	vld [tilespmem:s22+$0x4450];
	v35 =	vmul.f32 v19, v18;
	v6 =	vadd.f32 v14, v6;
	v7 =	vadd.f32 v32, v7  }
0x212: {  	v37 =	vld [tilespmem:s22+$0x6450]  }
0x213: {  	v39 =	vld [tilespmem:s22+$0x4460];
	v38 =	vmul.f32 v21, v20;
	v5 =	vadd.f32 v35, v5;
	v6 =	vadd.f32 v7, v6  }
0x214: {  	v41 =	vld [tilespmem:s22+$0x6460];
	v3 =	vadd.f32 v13, v3;
	v40 =	vmul.f32 v11, v9  }
0x215: {  	v42 =	vmul.f32 v34, v33;
	v4 =	vadd.f32 v38, v4;
	v5 =	vadd.f32 v5, v6  }
0x216: {  	v43 =	vld [tilespmem:s22+$0x6470];
	v2 =	vadd.f32 v40, v2;
	v44 =	vmul.f32 v12, v10  }
0x217: {  	v45 =	vmul.f32 v37, v36;
	v3 =	vadd.f32 v42, v3;
	v4 =	vadd.f32 v4, v5  }
0x218: {  	v1 =	vadd.f32 v44, v1  }
0x219: {  	v46 =	vmul.f32 v41, v39;
	v2 =	vadd.f32 v45, v2;
	v3 =	vadd.f32 v3, v4;
	_ =	sdelay $0x1  }
0x21a: {  	v47 =	vmul.f32 v43, v8;
	v1 =	vadd.f32 v46, v1;
	v2 =	vadd.f32 v2, v3;
	_ =	sdelay $0x1  }
0x21b: {  	v0 =	vadd.f32 v47, v0;
	v1 =	vadd.f32 v1, v2;
	_ =	sdelay $0x1  }
0x21c: {  	v0 =	vadd.f32 v0, v1;
	_ =	sdelay $0x1  }
0x21d: {  	s6 =	simm.s32 $0xC800;
	[tilespmem:$0xC800] =	vst v0  }
0x21e: {  	[hbm4b:s8+s3] =	stream.linear.scatter [tilespmem:s6], [sflag:$0x8], $0x80, $0x38;
	[tilespmem:$0xC880] =	vst v63  }
0x21f: {  	_ =	swait.ge [sflag:s11], $0x80  }
0x220: {  	[sflag:s11] =	ssyncset.done $0x0  }
0x221: {  	[sflag:s11] =	ssyncadd.s32 $0xFFFFFF80  }
0x222: {  	_ =	swait.ge [sflag:s20], $0x80  }
0x223: {  	[sflag:s20] =	ssyncset.done $0x0  }
0x224: {  	[sflag:s20] =	ssyncadd.s32 $0xFFFFFF80  }
0x225: {  	_ =	swait.ge [sflag:s20], $0x80  }
0x226: {  	[sflag:s20] =	ssyncset.done $0x0  }
0x227: {  	[sflag:s20] =	ssyncadd.s32 $0xFFFFFF80  }
0x228: {  	_ =	swait.ge [sflag:s20], $0x80  }
0x229: {  	[sflag:s20] =	ssyncset.done $0x0  }
0x22a: {  	[sflag:s20] =	ssyncadd.s32 $0xFFFFFF80  }
0x22b: {  	_ =	swait.ge [sflag:s20], $0x80  }
0x22c: {  	[sflag:s20] =	ssyncset.done $0x0  }
0x22d: {  	[sflag:s20] =	ssyncadd.s32 $0xFFFFFF80  }
0x22e: {  	_ =	swait.ge [sflag:s20], $0x80  }
0x22f: {  	[sflag:s20] =	ssyncset.done $0x0  }
0x230: {  	[sflag:s20] =	ssyncadd.s32 $0xFFFFFF80  }
0x231: {  	_ =	swait.ge [sflag:s20], $0x80  }
0x232: {  	[sflag:s20] =	ssyncset.done $0x0  }
0x233: {  	[sflag:s20] =	ssyncadd.s32 $0xFFFFFF80  }
0x234: {  	_ =	swait.ge [sflag:s20], $0x80  }
0x235: {  	[sflag:s20] =	ssyncset.done $0x0  }
0x236: {  	[sflag:s20] =	ssyncadd.s32 $0xFFFFFF80  }
0x237: {  	_ =	swait.ge [sflag:s20], $0x80  }
0x238: {  	[sflag:s20] =	ssyncset.done $0x0  }
0x239: {  	[sflag:s20] =	ssyncadd.s32 $0xFFFFFF80  }
0x23a: {  	v48 =	vld [tilespmem:$0xC400]  }
0x23b: {  	v49 =	vld [tilespmem:$0xC600]  }
0x23c: {  	v50 =	vld [tilespmem:$0xC410]  }
0x23d: {  	v51 =	vld [tilespmem:$0xC610]  }
0x23e: {  	v52 =	vld [tilespmem:$0xC420]  }
0x23f: {  	v53 =	vld [tilespmem:$0xC620]  }
0x240: {  	v54 =	vld [tilespmem:$0xC430]  }
0x241: {  	v55 =	vld [tilespmem:$0xC630]  }
0x242: {  	v56 =	vld [tilespmem:$0xC440]  }
0x243: {  	v57 =	vld [tilespmem:$0xC640]  }
0x244: {  	v58 =	vld [tilespmem:$0xC450]  }
0x245: {  	v59 =	vld [tilespmem:$0xC650]  }
0x246: {  	v60 =	vld [tilespmem:$0xC460]  }
0x247: {  	v61 =	vld [tilespmem:$0xC660]  }
0x248: {  	v62 =	vld [tilespmem:$0xC470]  }
0x249: {  	v63 =	vld [tilespmem:$0xC670]  }
0x24a: {  	v40 =	vld [tilespmem:$0xC480]  }
0x24b: {  	v41 =	vld [tilespmem:$0xC680]  }
0x24c: {  	v42 =	vld [tilespmem:$0xC490]  }
0x24d: {  	v43 =	vld [tilespmem:$0xC690]  }
0x24e: {  	v44 =	vld [tilespmem:$0xC4A0]  }
0x24f: {  	v45 =	vld [tilespmem:$0xC6A0]  }
0x250: {  	v22 =	vld [tilespmem:$0xC4B0]  }
0x251: {  	v23 =	vld [tilespmem:$0xC6B0]  }
0x252: {  	v24 =	vld [tilespmem:$0xC4C0]  }
0x253: {  	v25 =	vld [tilespmem:$0xC6C0]  }
0x254: {  	v26 =	vld [tilespmem:$0xC4D0]  }
0x255: {  	v27 =	vld [tilespmem:$0xC6D0]  }
0x256: {  	v28 =	vld [tilespmem:$0xC4E0]  }
0x257: {  	v29 =	vld [tilespmem:$0xC6E0]  }
0x258: {  	v30 =	vld [tilespmem:$0xC4F0]  }
0x259: {  	v31 =	vld [tilespmem:$0xC6F0]  }
0x25a: {  	v32 =	vld [tilespmem:$0xC500]  }
0x25b: {  	v33 =	vld [tilespmem:$0xC700]  }
0x25c: {  	v34 =	vld [tilespmem:$0xC510]  }
0x25d: {  	v35 =	vld [tilespmem:$0xC710]  }
0x25e: {  	v36 =	vld [tilespmem:$0xC520]  }
0x25f: {  	v46 =	vld [tilespmem:$0xC720];
	v0 =	vadd.f32 v49, v48  }
0x260: {  	v47 =	vld [tilespmem:$0xC530];
	v2 =	vadd.f32 v51, v50  }
0x261: {  	v21 =	vld [tilespmem:$0xC770];
	v48 =	vadd.f32 v53, v52;
	[tilespmem:$0xC400] =	vst v0  }
0x262: {  	v37 =	vld [tilespmem:$0xC5A0];
	v50 =	vadd.f32 v55, v54;
	[tilespmem:$0xC410] =	vst v2  }
0x263: {  	v39 =	vld [tilespmem:$0xC7A0];
	v52 =	vadd.f32 v57, v56;
	[tilespmem:$0xC420] =	vst v48  }
0x264: {  	v49 =	vld [tilespmem:$0xC730];
	v54 =	vadd.f32 v59, v58;
	[tilespmem:$0xC430] =	vst v50  }
0x265: {  	v51 =	vld [tilespmem:$0xC540];
	v56 =	vadd.f32 v61, v60;
	[tilespmem:$0xC440] =	vst v52  }
0x266: {  	v53 =	vld [tilespmem:$0xC740];
	v58 =	vadd.f32 v63, v62;
	[tilespmem:$0xC450] =	vst v54  }
0x267: {  	v55 =	vld [tilespmem:$0xC550];
	v60 =	vadd.f32 v41, v40;
	[tilespmem:$0xC460] =	vst v56  }
0x268: {  	v57 =	vld [tilespmem:$0xC750];
	v62 =	vadd.f32 v43, v42;
	[tilespmem:$0xC470] =	vst v58  }
0x269: {  	v59 =	vld [tilespmem:$0xC560];
	v20 =	vadd.f32 v45, v44;
	[tilespmem:$0xC480] =	vst v60  }
0x26a: {  	v61 =	vld [tilespmem:$0xC760];
	v22 =	vadd.f32 v23, v22;
	[tilespmem:$0xC490] =	vst v62  }
0x26b: {  	v63 =	vld [tilespmem:$0xC570];
	v24 =	vadd.f32 v25, v24;
	[tilespmem:$0xC4A0] =	vst v20  }
0x26c: {  	v23 =	vld [tilespmem:$0xC580];
	v26 =	vadd.f32 v27, v26;
	[tilespmem:$0xC4B0] =	vst v22  }
0x26d: {  	v25 =	vld [tilespmem:$0xC780];
	v28 =	vadd.f32 v29, v28;
	[tilespmem:$0xC4C0] =	vst v24  }
0x26e: {  	v27 =	vld [tilespmem:$0xC590];
	v31 =	vadd.f32 v31, v30;
	[tilespmem:$0xC4D0] =	vst v26  }
0x26f: {  	v29 =	vld [tilespmem:$0xC790];
	v38 =	vadd.f32 v33, v32;
	[tilespmem:$0xC4E0] =	vst v28  }
0x270: {  	v40 =	vadd.f32 v35, v34;
	v41 =	vld [tilespmem:$0xC5B0];
	[tilespmem:$0xC4F0] =	vst v31  }
0x271: {  	v42 =	vadd.f32 v46, v36;
	v43 =	vld [tilespmem:$0xC7B0];
	[tilespmem:$0xC500] =	vst v38  }
0x272: {  	v45 =	vld [tilespmem:$0xC5C0];
	[tilespmem:$0xC510] =	vst v40;
	v58 =	vadd.f32 v39, v37  }
0x273: {  	[tilespmem:$0xC520] =	vst v42;
	v44 =	vadd.f32 v49, v47;
	v47 =	vld [tilespmem:$0xC7C0]  }
0x274: {  	[tilespmem:$0xC5A0] =	vst v58;
	v46 =	vadd.f32 v53, v51;
	v49 =	vld [tilespmem:$0xC5D0]  }
0x275: {  	v48 =	vadd.f32 v57, v55;
	v51 =	vld [tilespmem:$0xC7D0];
	[tilespmem:$0xC530] =	vst v44  }
0x276: {  	v50 =	vadd.f32 v61, v59;
	v53 =	vld [tilespmem:$0xC5E0];
	[tilespmem:$0xC540] =	vst v46  }
0x277: {  	v52 =	vadd.f32 v21, v63;
	v55 =	vld [tilespmem:$0xC7E0];
	[tilespmem:$0xC550] =	vst v48  }
0x278: {  	v54 =	vadd.f32 v25, v23;
	v57 =	vld [tilespmem:$0xC5F0];
	[tilespmem:$0xC560] =	vst v50  }
0x279: {  	v56 =	vadd.f32 v29, v27;
	v59 =	vld [tilespmem:$0xC7F0];
	[tilespmem:$0xC570] =	vst v52  }
0x27a: {  	v1 =	vadd.f32 v43, v41;
	[tilespmem:$0xC580] =	vst v54  }
0x27b: {  	[tilespmem:$0xC590] =	vst v56;
	v60 =	vadd.f32 v47, v45  }
0x27c: {  	[tilespmem:$0xC5B0] =	vst v1;
	v61 =	vadd.f32 v51, v49  }
0x27d: {  	v62 =	vadd.f32 v55, v53;
	[tilespmem:$0xC5C0] =	vst v60  }
0x27e: {  	s21 =	sadd.s32 $0x1, s21;
	v63 =	vadd.f32 v59, v57;
	[tilespmem:$0xC5D0] =	vst v61  }
0x27f: {  	p0 =	sne.s32 s21, s10;
	[tilespmem:$0xC5E0] =	vst v62  }
.Ltmp8:
0x280: {  	[tilespmem:$0xC5F0] =	vst v63;
	(pc) =	sbr.rel @p0 .LBB2_1-.Ltmp8, $4  }
0x281: {  	[hbm4b:s9+s3] =	stream.linear.scatter [tilespmem:s25], [sflag:$0x8], $0x200, $0x38;
	[tilespmem:$0xC880] =	vst v63  }
0x282: {  	_ =	swait.ge [sflag:s11], $0x200  }
0x283: {  	[sflag:s11] =	ssyncset.done $0x0  }
0x284: {  	[sflag:s11] =	ssyncadd.s32 $0xFFFFFE00  }
0x285: {  	_ =	sfence.sel $0x180000  }
0x286: {  	[bflag:$0x0] =	sbarrier.arrive $0xFFFF  }
0x287: {  	_ =	strace $0x90000047  }
0x288: {  	s0 =	stileid.u32;
	[bflag:$0x2] =	sbarrier.arrive $0xFFFF  }
0x289: {  	p0 =	sne.s32 s0, $0x0;
	s0 =	rddreg [dreg:$0x4]  }
0x28a: {  	s0 =	sadd.s32 @!p0 $0x100000, s0  }
0x28b: {  	[sflag:s0] =	ssyncadd.tile.s32 @!p0 $0x1;
	_ =	shalt  }
.Lfunc_end2:
_tile_overlayer_lowered:
.L_overlay_start_2:
0x28c: {  	(tag) =	ssettag $0x2  }
0x28d: {  	s0 =	rddreg [dreg:$0x0];
	s2 =	stileid.u32  }
0x28e: {  	s1 =	rddreg [dreg:$0x1];
	p0 =	sne.s32 s2, $0x0  }
0x28f: {  	s3 =	rddreg [dreg:$0x2];
	[bflag:$0x3] =	sbarrier.arrive $0xFFFF;
	s2 =	simm.s32 @!p0 $0x1C08  }
0x290: {  	[timem:s3], [sflag:s2] =	dma.local @!p0 [hbm:s0], s1  }
0x291: {  	s0 =	simm.s32 @!p0 $0x8  }
0x292: {  	_ =	swait.ge @!p0 [sflag:s0], s1  }
0x293: {  	s1 =	ssub.s32 @!p0 $0x0, s1;
	[sflag:s0] =	ssyncset.done @!p0 $0x0  }
0x294: {  	[sflag:s0] =	ssyncadd.s32 @!p0 s1  }
0x295: {  	[bflag:$0x3] =	sbarrier.arrive $0xFFFF  }
0x296: {  	_ =	shalt  }

</sc_bundles>
